<compile_context>
chip_gen: v7x
topology: tpu7x:2x2x1
jax: 0.10.2.dev20260603
libtpu: 0.0.44.dev20260713+nightly
codegen_flags: <defaults>
</compile_context>

<pallas_src>
import functools

import jax
import jax.numpy as jnp
from jax import lax
from jax.experimental import pallas as pl
from jax.experimental.pallas import tpu as pltpu
from jax.experimental.pallas import tpu_sc as plsc

N = 10000
D = 128
E = 320000
CH = 128
EP = 327680
NCH = EP // CH
NP = 10240
NPT = NP // 16
NSC = 2
NT = 16
HALF = NP // 2

_MESH = plsc.VectorSubcoreMesh(core_axis_name="c", subcore_axis_name="s")

_K1_CPT = NCH // (NSC * NT)


@functools.partial(
    pl.kernel,
    out_type=[
        jax.ShapeDtypeStruct((NP,), jnp.float32),
        jax.ShapeDtypeStruct((NP,), jnp.float32),
    ],
    mesh=_MESH,
    scratch_types=[
        pltpu.VMEM((_K1_CPT, CH), jnp.int32),
        pltpu.VMEM((CH,), jnp.float32),
        pltpu.VMEM((NPT,), jnp.float32),
        pltpu.VMEM_SHARED((NP,), jnp.float32),
    ],
)
def _deg_kernel(dst_hbm, deg0_hbm, deg1_hbm, idx_v, ones_v, zeros_v, hist_sh):
    cid = lax.axis_index("c")
    sid = lax.axis_index("s")
    tid = cid * NT + sid

    for c in range(CH // 16):
        ones_v[pl.ds(c * 16, 16)] = jnp.full((16,), 1.0, jnp.float32)
    for c in range(NPT // 16):
        zeros_v[pl.ds(c * 16, 16)] = jnp.zeros((16,), jnp.float32)

    pltpu.sync_copy(zeros_v, hist_sh.at[pl.ds(sid * NPT, NPT)])
    plsc.subcore_barrier()

    pltpu.sync_copy(dst_hbm.at[pl.ds(tid * _K1_CPT, _K1_CPT)], idx_v)

    @pl.loop(0, _K1_CPT)
    def _(k):
        pltpu.sync_copy(ones_v, hist_sh.at[idx_v.at[k]], add=True)

    plsc.subcore_barrier()

    @pl.when(cid == 0)
    def _():
        pltpu.sync_copy(hist_sh.at[pl.ds(sid * NPT, NPT)],
                        deg0_hbm.at[pl.ds(sid * NPT, NPT)])

    @pl.when(cid == 1)
    def _():
        pltpu.sync_copy(hist_sh.at[pl.ds(sid * NPT, NPT)],
                        deg1_hbm.at[pl.ds(sid * NPT, NPT)])


_K3_CPT = NCH // (NSC * NT)
_BLK = 16
_NBLK = _K3_CPT // _BLK
_ZPT = NP // NT


@functools.partial(
    pl.kernel,
    out_type=[
        jax.ShapeDtypeStruct((NP, D), jnp.float32),
        jax.ShapeDtypeStruct((NP, D), jnp.float32),
    ],
    mesh=_MESH,
    scratch_types=[
        pltpu.VMEM((_BLK, CH), jnp.int32),
        pltpu.VMEM((_BLK, CH), jnp.int32),
        pltpu.VMEM((_BLK, CH), jnp.int32),
        pltpu.VMEM((_BLK, CH), jnp.int32),
        pltpu.VMEM((CH, D), jnp.float32),
        pltpu.VMEM((CH, D), jnp.float32),
        pltpu.VMEM_SHARED((NP, D), jnp.float32),
        pltpu.SemaphoreType.DMA,
        pltpu.SemaphoreType.DMA,
        pltpu.SemaphoreType.DMA,
    ],
)
def _agg_kernel(xs_hbm, src_hbm, dst_hbm, s0_hbm, s1_hbm,
                sidxA_v, sidxB_v, didxA_v, didxB_v, rows0_v, rows1_v,
                acc_sh, sem0, sem1, isem):
    cid = lax.axis_index("c")
    sid = lax.axis_index("s")
    tid = cid * NT + sid
    rows = (rows0_v, sem0), (rows1_v, sem1)
    iblk = (sidxA_v, didxA_v), (sidxB_v, didxB_v)

    def start_gather(sref, buf, sem):
        pltpu.async_copy(xs_hbm.at[sref], buf, sem)

    def wait_gather(buf, sem):
        pltpu.make_async_copy(xs_hbm.at[sidxA_v.at[0]], buf, sem).wait()

    def start_iload(blk, sbuf, dbuf):
        row = tid * _K3_CPT + blk * _BLK
        pltpu.async_copy(src_hbm.at[pl.ds(row, _BLK)], sbuf, isem)
        pltpu.async_copy(dst_hbm.at[pl.ds(row, _BLK)], dbuf, isem)

    def wait_iload(sbuf, dbuf):
        pltpu.make_async_copy(src_hbm.at[pl.ds(0, _BLK)], sbuf, isem).wait()
        pltpu.make_async_copy(dst_hbm.at[pl.ds(0, _BLK)], dbuf, isem).wait()

    @pl.loop(0, CH)
    def _(r):
        for c in range(D // 16):
            rows0_v[r, pl.ds(c * 16, 16)] = jnp.zeros((16,), jnp.float32)

    for k in range(_ZPT // CH):
        pltpu.sync_copy(rows0_v, acc_sh.at[pl.ds(sid * _ZPT + k * CH, CH)])
    plsc.subcore_barrier()

    start_iload(0, sidxA_v, didxA_v)
    wait_iload(sidxA_v, didxA_v)
    start_gather(sidxA_v.at[0], rows0_v, sem0)

    def block_body(blk, cur, nxt):
        scur, dcur = cur
        snxt, dnxt = nxt

        @pl.when(blk + 1 < _NBLK)
        def _():
            start_iload(blk + 1, snxt, dnxt)

        for t in range(_BLK):
            buf, sem = rows[t % 2]
            nbuf, nsem = rows[(t + 1) % 2]
            wait_gather(buf, sem)
            if t + 1 < _BLK:
                start_gather(scur.at[t + 1], nbuf, nsem)
            else:
                @pl.when(blk + 1 < _NBLK)
                def _():
                    wait_iload(snxt, dnxt)
                    start_gather(snxt.at[0], nbuf, nsem)
            pltpu.sync_copy(buf, acc_sh.at[dcur.at[t]], add=True)

    @pl.loop(0, _NBLK)
    def _(blk):
        @pl.when(blk % 2 == 0)
        def _():
            block_body(blk, iblk[0], iblk[1])

        @pl.when(blk % 2 == 1)
        def _():
            block_body(blk, iblk[1], iblk[0])

    plsc.subcore_barrier()

    for k in range(_ZPT // CH):
        sl = pl.ds(sid * _ZPT + k * CH, CH)

        @pl.when(cid == 0)
        def _():
            pltpu.sync_copy(acc_sh.at[sl], s0_hbm.at[sl])

        @pl.when(cid == 1)
        def _():
            pltpu.sync_copy(acc_sh.at[sl], s1_hbm.at[sl])


_RB = 1024


def _scale_body(x_ref, d0_ref, d1_ref, xs_ref):
    deg = d0_ref[...] + d1_ref[...] + 1.0
    xs_ref[...] = x_ref[...] * lax.rsqrt(deg)


_scale = pl.pallas_call(
    _scale_body,
    grid=(NP // _RB,),
    in_specs=[
        pl.BlockSpec((_RB, D), lambda i: (i, 0)),
        pl.BlockSpec((_RB, 1), lambda i: (i, 0)),
        pl.BlockSpec((_RB, 1), lambda i: (i, 0)),
    ],
    out_specs=pl.BlockSpec((_RB, D), lambda i: (i, 0)),
    out_shape=jax.ShapeDtypeStruct((N, D), jnp.float32),
)


def _finish_body(s0_ref, s1_ref, xs_ref, d0_ref, d1_ref,
                 w1_ref, w2_ref, b1_ref, b2_ref, o_ref):
    deg = d0_ref[...] + d1_ref[...] + 1.0
    dinv = lax.rsqrt(deg)
    t = (s0_ref[...] + s1_ref[...] + xs_ref[...]) * dinv
    a1 = jax.nn.relu(jnp.dot(t, w1_ref[...],
                             preferred_element_type=jnp.float32) + b1_ref[...])
    a2 = jax.nn.relu(jnp.dot(t, w2_ref[...],
                             preferred_element_type=jnp.float32) + b2_ref[...])
    o_ref[...] = (a1 + a2) * 0.5


_finish = pl.pallas_call(
    _finish_body,
    grid=(NP // _RB,),
    in_specs=[
        pl.BlockSpec((_RB, D), lambda i: (i, 0)),
        pl.BlockSpec((_RB, D), lambda i: (i, 0)),
        pl.BlockSpec((_RB, D), lambda i: (i, 0)),
        pl.BlockSpec((_RB, 1), lambda i: (i, 0)),
        pl.BlockSpec((_RB, 1), lambda i: (i, 0)),
        pl.BlockSpec((D, D), lambda i: (0, 0)),
        pl.BlockSpec((D, D), lambda i: (0, 0)),
        pl.BlockSpec((1, D), lambda i: (0, 0)),
        pl.BlockSpec((1, D), lambda i: (0, 0)),
    ],
    out_specs=pl.BlockSpec((_RB, D), lambda i: (i, 0)),
    out_shape=jax.ShapeDtypeStruct((N, D), jnp.float32),
)


def kernel(x, edge_index, W1, b1, W2, b2):
    ei = edge_index.astype(jnp.int32)
    pad = jnp.arange(EP - E, dtype=jnp.int32)
    src2 = jnp.concatenate([ei[0], pad % N]).reshape(NCH, CH)
    dst2 = jnp.concatenate([ei[1], N + pad % (NP - N)]).reshape(NCH, CH)

    deg0, deg1 = _deg_kernel(dst2)
    d0 = deg0.reshape(NP, 1)
    d1 = deg1.reshape(NP, 1)

    xs = _scale(x, d0, d1)
    s0, s1 = _agg_kernel(xs, src2, dst2)
    return _finish(s0, s1, xs, d0, d1, W1, W2,
                   b1.reshape(1, D), b2.reshape(1, D))

# --- scband reference (transcript-rebuilt; emitter-appended) ---
"""Pipeline reference for scband-multi-order-graph-layer-54211077210420 (READ-ONLY COPY).

The authoritative reference and input builder live on the scoring server;
editing this copy changes nothing except your own understanding.
"""

import jax, jax.numpy as jnp
import numpy as np

N_NODES = 10000
D = 128
ORDER = 2


def gcn_conv(x, edge_index, W, b):
    # PyG GCNConv with add_self_loops=True, symmetric normalization, bias after aggregation
    h = x @ W
    src = edge_index[0]
    dst = edge_index[1]
    loop = jnp.arange(N_NODES, dtype=edge_index.dtype)
    src = jnp.concatenate([src, loop])
    dst = jnp.concatenate([dst, loop])
    w = jnp.ones(src.shape[0], dtype=x.dtype)
    deg = jax.ops.segment_sum(w, dst, num_segments=N_NODES)
    dinv = jnp.where(deg > 0, jax.lax.rsqrt(deg), 0.0)
    norm = dinv[src] * w * dinv[dst]
    msg = h[src] * norm[:, None]
    out = jax.ops.segment_sum(msg, dst, num_segments=N_NODES)
    return out + b


def setup_inputs(seed: int = 0) -> dict:
    key = jax.random.key(seed)
    k1, k2, k3, k4, k5, k6 = jax.random.split(key, 6)
    x = jax.random.normal(k1, (N_NODES, D), dtype=jnp.float32)
    edge_index = jax.random.randint(k2, (2, 320000), 0, N_NODES, dtype=jnp.int64)
    # per-layer GCN weights (glorot-ish) and biases
    s = 1.0 / np.sqrt(D)
    W1 = jax.random.uniform(k3, (D, D), jnp.float32, -s, s)
    W2 = jax.random.uniform(k4, (D, D), jnp.float32, -s, s)
    b1 = jnp.zeros((D,), jnp.float32)
    b2 = jnp.zeros((D,), jnp.float32)
    return {"x": x, "edge_index": edge_index, "W1": W1, "b1": b1, "W2": W2, "b2": b2}


def reference(x, edge_index, W1, b1, W2, b2):
    # MultiOrderGraphLayer forward (eval mode: dropout is identity)
    o1 = jax.nn.relu(gcn_conv(x, edge_index, W1, b1))
    o2 = jax.nn.relu(gcn_conv(x, edge_index, W2, b2))
    # combine_mode == 'mean'
    return (o1 + o2) / ORDER

if __name__ == "__main__":
    import jax
    _d = setup_inputs()
    print(jax.jit(kernel)(*tuple(_d.values())))

</pallas_src>

<mosaic_0001>
#map = affine_map<(d0, d1) -> (0, 0)>
#map1 = affine_map<(d0, d1) -> (0)>
module attributes {stable_mosaic.version = 14 : i64} {
  func.func @_deg_kernel(%arg0: i32, %arg1: i32, %arg2: memref<2560x128xi32, #tpu.memory_space<hbm>>, %arg3: memref<10240xf32, #tpu.memory_space<hbm>>, %arg4: memref<10240xf32, #tpu.memory_space<hbm>>, %arg5: memref<80x128xi32, #tpu.memory_space<vmem>>, %arg6: memref<128xf32, #tpu.memory_space<vmem>>, %arg7: memref<640xf32, #tpu.memory_space<vmem>>, %arg8: memref<10240xf32, #tpu.memory_space<vmem_shared>>) attributes {dimension_semantics = [#tpu.dimension_semantics<core_parallel>, #tpu.dimension_semantics<subcore_parallel>], iteration_bounds = array<i64: 2, 16>, scalar_prefetch = 0 : i64, scratch_operands = 4 : i64, tpu.core_type = #tpu.core_type<sc_vector_subcore>, window_params = [{transform_indices = #map}, {transform_indices = #map1}, {transform_indices = #map1}]} {
    %mul3A = arith.constant 16 : i32
    %mul3A_0 = arith.muli %arg0, %mul3A : i32
    %add3A = arith.addi %mul3A_0, %arg1 : i32
    %broadcast_in_dim3A = arith.constant 1.000000e+00 : f32
    %broadcast_in_dim3A_1 = vector.broadcast %broadcast_in_dim3A : f32 to vector<16xf32>
    %swap3A = arith.constant 0 : index
    %swap3A_2 = tpu.vector_load %arg6[%swap3A] {strides = array<i32>} : memref<128xf32, #tpu.memory_space<vmem>>, vector<16xf32>,
    %swap3A_3 = vector.shape_cast %swap3A_2 : vector<16xf32> to vector<16xf32>
    %swap3A_4 = vector.shape_cast %broadcast_in_dim3A_1 : vector<16xf32> to vector<16xf32>
    tpu.vector_store %arg6[%swap3A], %swap3A_4 {strides = array<i32>} : memref<128xf32, #tpu.memory_space<vmem>>, vector<16xf32>,
    %broadcast_in_dim3A_5 = arith.constant 1.000000e+00 : f32
    %broadcast_in_dim3A_6 = vector.broadcast %broadcast_in_dim3A_5 : f32 to vector<16xf32>
    %swap3A_7 = arith.constant 16 : index
    %swap3A_8 = tpu.vector_load %arg6[%swap3A_7] {strides = array<i32>} : memref<128xf32, #tpu.memory_space<vmem>>, vector<16xf32>,
    %swap3A_9 = vector.shape_cast %swap3A_8 : vector<16xf32> to vector<16xf32>
    %swap3A_10 = vector.shape_cast %broadcast_in_dim3A_6 : vector<16xf32> to vector<16xf32>
    tpu.vector_store %arg6[%swap3A_7], %swap3A_10 {strides = array<i32>} : memref<128xf32, #tpu.memory_space<vmem>>, vector<16xf32>,
    %broadcast_in_dim3A_11 = arith.constant 1.000000e+00 : f32
    %broadcast_in_dim3A_12 = vector.broadcast %broadcast_in_dim3A_11 : f32 to vector<16xf32>
    %swap3A_13 = arith.constant 32 : index
    %swap3A_14 = tpu.vector_load %arg6[%swap3A_13] {strides = array<i32>} : memref<128xf32, #tpu.memory_space<vmem>>, vector<16xf32>,
    %swap3A_15 = vector.shape_cast %swap3A_14 : vector<16xf32> to vector<16xf32>
    %swap3A_16 = vector.shape_cast %broadcast_in_dim3A_12 : vector<16xf32> to vector<16xf32>
    tpu.vector_store %arg6[%swap3A_13], %swap3A_16 {strides = array<i32>} : memref<128xf32, #tpu.memory_space<vmem>>, vector<16xf32>,
    %broadcast_in_dim3A_17 = arith.constant 1.000000e+00 : f32
    %broadcast_in_dim3A_18 = vector.broadcast %broadcast_in_dim3A_17 : f32 to vector<16xf32>
    %swap3A_19 = arith.constant 48 : index
    %swap3A_20 = tpu.vector_load %arg6[%swap3A_19] {strides = array<i32>} : memref<128xf32, #tpu.memory_space<vmem>>, vector<16xf32>,
    %swap3A_21 = vector.shape_cast %swap3A_20 : vector<16xf32> to vector<16xf32>
    %swap3A_22 = vector.shape_cast %broadcast_in_dim3A_18 : vector<16xf32> to vector<16xf32>
    tpu.vector_store %arg6[%swap3A_19], %swap3A_22 {strides = array<i32>} : memref<128xf32, #tpu.memory_space<vmem>>, vector<16xf32>,
    %broadcast_in_dim3A_23 = arith.constant 1.000000e+00 : f32
    %broadcast_in_dim3A_24 = vector.broadcast %broadcast_in_dim3A_23 : f32 to vector<16xf32>
    %swap3A_25 = arith.constant 64 : index
    %swap3A_26 = tpu.vector_load %arg6[%swap3A_25] {strides = array<i32>} : memref<128xf32, #tpu.memory_space<vmem>>, vector<16xf32>,
    %swap3A_27 = vector.shape_cast %swap3A_26 : vector<16xf32> to vector<16xf32>
    %swap3A_28 = vector.shape_cast %broadcast_in_dim3A_24 : vector<16xf32> to vector<16xf32>
    tpu.vector_store %arg6[%swap3A_25], %swap3A_28 {strides = array<i32>} : memref<128xf32, #tpu.memory_space<vmem>>, vector<16xf32>,
    %broadcast_in_dim3A_29 = arith.constant 1.000000e+00 : f32
    %broadcast_in_dim3A_30 = vector.broadcast %broadcast_in_dim3A_29 : f32 to vector<16xf32>
    %swap3A_31 = arith.constant 80 : index
    %swap3A_32 = tpu.vector_load %arg6[%swap3A_31] {strides = array<i32>} : memref<128xf32, #tpu.memory_space<vmem>>, vector<16xf32>,
    %swap3A_33 = vector.shape_cast %swap3A_32 : vector<16xf32> to vector<16xf32>
    %swap3A_34 = vector.shape_cast %broadcast_in_dim3A_30 : vector<16xf32> to vector<16xf32>
    tpu.vector_store %arg6[%swap3A_31], %swap3A_34 {strides = array<i32>} : memref<128xf32, #tpu.memory_space<vmem>>, vector<16xf32>,
    %broadcast_in_dim3A_35 = arith.constant 1.000000e+00 : f32
    %broadcast_in_dim3A_36 = vector.broadcast %broadcast_in_dim3A_35 : f32 to vector<16xf32>
    %swap3A_37 = arith.constant 96 : index
    %swap3A_38 = tpu.vector_load %arg6[%swap3A_37] {strides = array<i32>} : memref<128xf32, #tpu.memory_space<vmem>>, vector<16xf32>,
    %swap3A_39 = vector.shape_cast %swap3A_38 : vector<16xf32> to vector<16xf32>
    %swap3A_40 = vector.shape_cast %broadcast_in_dim3A_36 : vector<16xf32> to vector<16xf32>
    tpu.vector_store %arg6[%swap3A_37], %swap3A_40 {strides = array<i32>} : memref<128xf32, #tpu.memory_space<vmem>>, vector<16xf32>,
    %broadcast_in_dim3A_41 = arith.constant 1.000000e+00 : f32
    %broadcast_in_dim3A_42 = vector.broadcast %broadcast_in_dim3A_41 : f32 to vector<16xf32>
    %swap3A_43 = arith.constant 112 : index
    %swap3A_44 = tpu.vector_load %arg6[%swap3A_43] {strides = array<i32>} : memref<128xf32, #tpu.memory_space<vmem>>, vector<16xf32>,
    %swap3A_45 = vector.shape_cast %swap3A_44 : vector<16xf32> to vector<16xf32>
    %swap3A_46 = vector.shape_cast %broadcast_in_dim3A_42 : vector<16xf32> to vector<16xf32>
    tpu.vector_store %arg6[%swap3A_43], %swap3A_46 {strides = array<i32>} : memref<128xf32, #tpu.memory_space<vmem>>, vector<16xf32>,
    %broadcast_in_dim3A_47 = arith.constant 0.000000e+00 : f32
    %broadcast_in_dim3A_48 = vector.broadcast %broadcast_in_dim3A_47 : f32 to vector<16xf32>
    %swap3A_49 = arith.constant 0 : index
    %swap3A_50 = tpu.vector_load %arg7[%swap3A_49] {strides = array<i32>} : memref<640xf32, #tpu.memory_space<vmem>>, vector<16xf32>,
    %swap3A_51 = vector.shape_cast %swap3A_50 : vector<16xf32> to vector<16xf32>
    %swap3A_52 = vector.shape_cast %broadcast_in_dim3A_48 : vector<16xf32> to vector<16xf32>
    tpu.vector_store %arg7[%swap3A_49], %swap3A_52 {strides = array<i32>} : memref<640xf32, #tpu.memory_space<vmem>>, vector<16xf32>,
    %broadcast_in_dim3A_53 = arith.constant 0.000000e+00 : f32
    %broadcast_in_dim3A_54 = vector.broadcast %broadcast_in_dim3A_53 : f32 to vector<16xf32>
    %swap3A_55 = arith.constant 16 : index
    %swap3A_56 = tpu.vector_load %arg7[%swap3A_55] {strides = array<i32>} : memref<640xf32, #tpu.memory_space<vmem>>, vector<16xf32>,
    %swap3A_57 = vector.shape_cast %swap3A_56 : vector<16xf32> to vector<16xf32>
    %swap3A_58 = vector.shape_cast %broadcast_in_dim3A_54 : vector<16xf32> to vector<16xf32>
    tpu.vector_store %arg7[%swap3A_55], %swap3A_58 {strides = array<i32>} : memref<640xf32, #tpu.memory_space<vmem>>, vector<16xf32>,
    %broadcast_in_dim3A_59 = arith.constant 0.000000e+00 : f32
    %broadcast_in_dim3A_60 = vector.broadcast %broadcast_in_dim3A_59 : f32 to vector<16xf32>
    %swap3A_61 = arith.constant 32 : index
    %swap3A_62 = tpu.vector_load %arg7[%swap3A_61] {strides = array<i32>} : memref<640xf32, #tpu.memory_space<vmem>>, vector<16xf32>,
    %swap3A_63 = vector.shape_cast %swap3A_62 : vector<16xf32> to vector<16xf32>
    %swap3A_64 = vector.shape_cast %broadcast_in_dim3A_60 : vector<16xf32> to vector<16xf32>
    tpu.vector_store %arg7[%swap3A_61], %swap3A_64 {strides = array<i32>} : memref<640xf32, #tpu.memory_space<vmem>>, vector<16xf32>,
    %broadcast_in_dim3A_65 = arith.constant 0.000000e+00 : f32
    %broadcast_in_dim3A_66 = vector.broadcast %broadcast_in_dim3A_65 : f32 to vector<16xf32>
    %swap3A_67 = arith.constant 48 : index
    %swap3A_68 = tpu.vector_load %arg7[%swap3A_67] {strides = array<i32>} : memref<640xf32, #tpu.memory_space<vmem>>, vector<16xf32>,
    %swap3A_69 = vector.shape_cast %swap3A_68 : vector<16xf32> to vector<16xf32>
    %swap3A_70 = vector.shape_cast %broadcast_in_dim3A_66 : vector<16xf32> to vector<16xf32>
    tpu.vector_store %arg7[%swap3A_67], %swap3A_70 {strides = array<i32>} : memref<640xf32, #tpu.memory_space<vmem>>, vector<16xf32>,
    %broadcast_in_dim3A_71 = arith.constant 0.000000e+00 : f32
    %broadcast_in_dim3A_72 = vector.broadcast %broadcast_in_dim3A_71 : f32 to vector<16xf32>
    %swap3A_73 = arith.constant 64 : index
    %swap3A_74 = tpu.vector_load %arg7[%swap3A_73] {strides = array<i32>} : memref<640xf32, #tpu.memory_space<vmem>>, vector<16xf32>,
    %swap3A_75 = vector.shape_cast %swap3A_74 : vector<16xf32> to vector<16xf32>
    %swap3A_76 = vector.shape_cast %broadcast_in_dim3A_72 : vector<16xf32> to vector<16xf32>
    tpu.vector_store %arg7[%swap3A_73], %swap3A_76 {strides = array<i32>} : memref<640xf32, #tpu.memory_space<vmem>>, vector<16xf32>,
    %broadcast_in_dim3A_77 = arith.constant 0.000000e+00 : f32
    %broadcast_in_dim3A_78 = vector.broadcast %broadcast_in_dim3A_77 : f32 to vector<16xf32>
    %swap3A_79 = arith.constant 80 : index
    %swap3A_80 = tpu.vector_load %arg7[%swap3A_79] {strides = array<i32>} : memref<640xf32, #tpu.memory_space<vmem>>, vector<16xf32>,
    %swap3A_81 = vector.shape_cast %swap3A_80 : vector<16xf32> to vector<16xf32>
    %swap3A_82 = vector.shape_cast %broadcast_in_dim3A_78 : vector<16xf32> to vector<16xf32>
    tpu.vector_store %arg7[%swap3A_79], %swap3A_82 {strides = array<i32>} : memref<640xf32, #tpu.memory_space<vmem>>, vector<16xf32>,
    %broadcast_in_dim3A_83 = arith.constant 0.000000e+00 : f32
    %broadcast_in_dim3A_84 = vector.broadcast %broadcast_in_dim3A_83 : f32 to vector<16xf32>
    %swap3A_85 = arith.constant 96 : index
    %swap3A_86 = tpu.vector_load %arg7[%swap3A_85] {strides = array<i32>} : memref<640xf32, #tpu.memory_space<vmem>>, vector<16xf32>,
    %swap3A_87 = vector.shape_cast %swap3A_86 : vector<16xf32> to vector<16xf32>
    %swap3A_88 = vector.shape_cast %broadcast_in_dim3A_84 : vector<16xf32> to vector<16xf32>
    tpu.vector_store %arg7[%swap3A_85], %swap3A_88 {strides = array<i32>} : memref<640xf32, #tpu.memory_space<vmem>>, vector<16xf32>,
    %broadcast_in_dim3A_89 = arith.constant 0.000000e+00 : f32
    %broadcast_in_dim3A_90 = vector.broadcast %broadcast_in_dim3A_89 : f32 to vector<16xf32>
    %swap3A_91 = arith.constant 112 : index
    %swap3A_92 = tpu.vector_load %arg7[%swap3A_91] {strides = array<i32>} : memref<640xf32, #tpu.memory_space<vmem>>, vector<16xf32>,
    %swap3A_93 = vector.shape_cast %swap3A_92 : vector<16xf32> to vector<16xf32>
    %swap3A_94 = vector.shape_cast %broadcast_in_dim3A_90 : vector<16xf32> to vector<16xf32>
    tpu.vector_store %arg7[%swap3A_91], %swap3A_94 {strides = array<i32>} : memref<640xf32, #tpu.memory_space<vmem>>, vector<16xf32>,
    %broadcast_in_dim3A_95 = arith.constant 0.000000e+00 : f32
    %broadcast_in_dim3A_96 = vector.broadcast %broadcast_in_dim3A_95 : f32 to vector<16xf32>
    %swap3A_97 = arith.constant 128 : index
    %swap3A_98 = tpu.vector_load %arg7[%swap3A_97] {strides = array<i32>} : memref<640xf32, #tpu.memory_space<vmem>>, vector<16xf32>,
    %swap3A_99 = vector.shape_cast %swap3A_98 : vector<16xf32> to vector<16xf32>
    %swap3A_100 = vector.shape_cast %broadcast_in_dim3A_96 : vector<16xf32> to vector<16xf32>
    tpu.vector_store %arg7[%swap3A_97], %swap3A_100 {strides = array<i32>} : memref<640xf32, #tpu.memory_space<vmem>>, vector<16xf32>,
    %broadcast_in_dim3A_101 = arith.constant 0.000000e+00 : f32
    %broadcast_in_dim3A_102 = vector.broadcast %broadcast_in_dim3A_101 : f32 to vector<16xf32>
    %swap3A_103 = arith.constant 144 : index
    %swap3A_104 = tpu.vector_load %arg7[%swap3A_103] {strides = array<i32>} : memref<640xf32, #tpu.memory_space<vmem>>, vector<16xf32>,
    %swap3A_105 = vector.shape_cast %swap3A_104 : vector<16xf32> to vector<16xf32>
    %swap3A_106 = vector.shape_cast %broadcast_in_dim3A_102 : vector<16xf32> to vector<16xf32>
    tpu.vector_store %arg7[%swap3A_103], %swap3A_106 {strides = array<i32>} : memref<640xf32, #tpu.memory_space<vmem>>, vector<16xf32>,
    %broadcast_in_dim3A_107 = arith.constant 0.000000e+00 : f32
    %broadcast_in_dim3A_108 = vector.broadcast %broadcast_in_dim3A_107 : f32 to vector<16xf32>
    %swap3A_109 = arith.constant 160 : index
    %swap3A_110 = tpu.vector_load %arg7[%swap3A_109] {strides = array<i32>} : memref<640xf32, #tpu.memory_space<vmem>>, vector<16xf32>,
    %swap3A_111 = vector.shape_cast %swap3A_110 : vector<16xf32> to vector<16xf32>
    %swap3A_112 = vector.shape_cast %broadcast_in_dim3A_108 : vector<16xf32> to vector<16xf32>
    tpu.vector_store %arg7[%swap3A_109], %swap3A_112 {strides = array<i32>} : memref<640xf32, #tpu.memory_space<vmem>>, vector<16xf32>,
    %broadcast_in_dim3A_113 = arith.constant 0.000000e+00 : f32
    %broadcast_in_dim3A_114 = vector.broadcast %broadcast_in_dim3A_113 : f32 to vector<16xf32>
    %swap3A_115 = arith.constant 176 : index
    %swap3A_116 = tpu.vector_load %arg7[%swap3A_115] {strides = array<i32>} : memref<640xf32, #tpu.memory_space<vmem>>, vector<16xf32>,
    %swap3A_117 = vector.shape_cast %swap3A_116 : vector<16xf32> to vector<16xf32>
    %swap3A_118 = vector.shape_cast %broadcast_in_dim3A_114 : vector<16xf32> to vector<16xf32>
    tpu.vector_store %arg7[%swap3A_115], %swap3A_118 {strides = array<i32>} : memref<640xf32, #tpu.memory_space<vmem>>, vector<16xf32>,
    %broadcast_in_dim3A_119 = arith.constant 0.000000e+00 : f32
    %broadcast_in_dim3A_120 = vector.broadcast %broadcast_in_dim3A_119 : f32 to vector<16xf32>
    %swap3A_121 = arith.constant 192 : index
    %swap3A_122 = tpu.vector_load %arg7[%swap3A_121] {strides = array<i32>} : memref<640xf32, #tpu.memory_space<vmem>>, vector<16xf32>,
    %swap3A_123 = vector.shape_cast %swap3A_122 : vector<16xf32> to vector<16xf32>
    %swap3A_124 = vector.shape_cast %broadcast_in_dim3A_120 : vector<16xf32> to vector<16xf32>
    tpu.vector_store %arg7[%swap3A_121], %swap3A_124 {strides = array<i32>} : memref<640xf32, #tpu.memory_space<vmem>>, vector<16xf32>,
    %broadcast_in_dim3A_125 = arith.constant 0.000000e+00 : f32
    %broadcast_in_dim3A_126 = vector.broadcast %broadcast_in_dim3A_125 : f32 to vector<16xf32>
    %swap3A_127 = arith.constant 208 : index
    %swap3A_128 = tpu.vector_load %arg7[%swap3A_127] {strides = array<i32>} : memref<640xf32, #tpu.memory_space<vmem>>, vector<16xf32>,
    %swap3A_129 = vector.shape_cast %swap3A_128 : vector<16xf32> to vector<16xf32>
    %swap3A_130 = vector.shape_cast %broadcast_in_dim3A_126 : vector<16xf32> to vector<16xf32>
    tpu.vector_store %arg7[%swap3A_127], %swap3A_130 {strides = array<i32>} : memref<640xf32, #tpu.memory_space<vmem>>, vector<16xf32>,
    %broadcast_in_dim3A_131 = arith.constant 0.000000e+00 : f32
    %broadcast_in_dim3A_132 = vector.broadcast %broadcast_in_dim3A_131 : f32 to vector<16xf32>
    %swap3A_133 = arith.constant 224 : index
    %swap3A_134 = tpu.vector_load %arg7[%swap3A_133] {strides = array<i32>} : memref<640xf32, #tpu.memory_space<vmem>>, vector<16xf32>,
    %swap3A_135 = vector.shape_cast %swap3A_134 : vector<16xf32> to vector<16xf32>
    %swap3A_136 = vector.shape_cast %broadcast_in_dim3A_132 : vector<16xf32> to vector<16xf32>
    tpu.vector_store %arg7[%swap3A_133], %swap3A_136 {strides = array<i32>} : memref<640xf32, #tpu.memory_space<vmem>>, vector<16xf32>,
    %broadcast_in_dim3A_137 = arith.constant 0.000000e+00 : f32
    %broadcast_in_dim3A_138 = vector.broadcast %broadcast_in_dim3A_137 : f32 to vector<16xf32>
    %swap3A_139 = arith.constant 240 : index
    %swap3A_140 = tpu.vector_load %arg7[%swap3A_139] {strides = array<i32>} : memref<640xf32, #tpu.memory_space<vmem>>, vector<16xf32>,
    %swap3A_141 = vector.shape_cast %swap3A_140 : vector<16xf32> to vector<16xf32>
    %swap3A_142 = vector.shape_cast %broadcast_in_dim3A_138 : vector<16xf32> to vector<16xf32>
    tpu.vector_store %arg7[%swap3A_139], %swap3A_142 {strides = array<i32>} : memref<640xf32, #tpu.memory_space<vmem>>, vector<16xf32>,
    %broadcast_in_dim3A_143 = arith.constant 0.000000e+00 : f32
    %broadcast_in_dim3A_144 = vector.broadcast %broadcast_in_dim3A_143 : f32 to vector<16xf32>
    %swap3A_145 = arith.constant 256 : index
    %swap3A_146 = tpu.vector_load %arg7[%swap3A_145] {strides = array<i32>} : memref<640xf32, #tpu.memory_space<vmem>>, vector<16xf32>,
    %swap3A_147 = vector.shape_cast %swap3A_146 : vector<16xf32> to vector<16xf32>
    %swap3A_148 = vector.shape_cast %broadcast_in_dim3A_144 : vector<16xf32> to vector<16xf32>
    tpu.vector_store %arg7[%swap3A_145], %swap3A_148 {strides = array<i32>} : memref<640xf32, #tpu.memory_space<vmem>>, vector<16xf32>,
    %broadcast_in_dim3A_149 = arith.constant 0.000000e+00 : f32
    %broadcast_in_dim3A_150 = vector.broadcast %broadcast_in_dim3A_149 : f32 to vector<16xf32>
    %swap3A_151 = arith.constant 272 : index
    %swap3A_152 = tpu.vector_load %arg7[%swap3A_151] {strides = array<i32>} : memref<640xf32, #tpu.memory_space<vmem>>, vector<16xf32>,
    %swap3A_153 = vector.shape_cast %swap3A_152 : vector<16xf32> to vector<16xf32>
    %swap3A_154 = vector.shape_cast %broadcast_in_dim3A_150 : vector<16xf32> to vector<16xf32>
    tpu.vector_store %arg7[%swap3A_151], %swap3A_154 {strides = array<i32>} : memref<640xf32, #tpu.memory_space<vmem>>, vector<16xf32>,
    %broadcast_in_dim3A_155 = arith.constant 0.000000e+00 : f32
    %broadcast_in_dim3A_156 = vector.broadcast %broadcast_in_dim3A_155 : f32 to vector<16xf32>
    %swap3A_157 = arith.constant 288 : index
    %swap3A_158 = tpu.vector_load %arg7[%swap3A_157] {strides = array<i32>} : memref<640xf32, #tpu.memory_space<vmem>>, vector<16xf32>,
    %swap3A_159 = vector.shape_cast %swap3A_158 : vector<16xf32> to vector<16xf32>
    %swap3A_160 = vector.shape_cast %broadcast_in_dim3A_156 : vector<16xf32> to vector<16xf32>
    tpu.vector_store %arg7[%swap3A_157], %swap3A_160 {strides = array<i32>} : memref<640xf32, #tpu.memory_space<vmem>>, vector<16xf32>,
    %broadcast_in_dim3A_161 = arith.constant 0.000000e+00 : f32
    %broadcast_in_dim3A_162 = vector.broadcast %broadcast_in_dim3A_161 : f32 to vector<16xf32>
    %swap3A_163 = arith.constant 304 : index
    %swap3A_164 = tpu.vector_load %arg7[%swap3A_163] {strides = array<i32>} : memref<640xf32, #tpu.memory_space<vmem>>, vector<16xf32>,
    %swap3A_165 = vector.shape_cast %swap3A_164 : vector<16xf32> to vector<16xf32>
    %swap3A_166 = vector.shape_cast %broadcast_in_dim3A_162 : vector<16xf32> to vector<16xf32>
    tpu.vector_store %arg7[%swap3A_163], %swap3A_166 {strides = array<i32>} : memref<640xf32, #tpu.memory_space<vmem>>, vector<16xf32>,
    %broadcast_in_dim3A_167 = arith.constant 0.000000e+00 : f32
    %broadcast_in_dim3A_168 = vector.broadcast %broadcast_in_dim3A_167 : f32 to vector<16xf32>
    %swap3A_169 = arith.constant 320 : index
    %swap3A_170 = tpu.vector_load %arg7[%swap3A_169] {strides = array<i32>} : memref<640xf32, #tpu.memory_space<vmem>>, vector<16xf32>,
    %swap3A_171 = vector.shape_cast %swap3A_170 : vector<16xf32> to vector<16xf32>
    %swap3A_172 = vector.shape_cast %broadcast_in_dim3A_168 : vector<16xf32> to vector<16xf32>
    tpu.vector_store %arg7[%swap3A_169], %swap3A_172 {strides = array<i32>} : memref<640xf32, #tpu.memory_space<vmem>>, vector<16xf32>,
    %broadcast_in_dim3A_173 = arith.constant 0.000000e+00 : f32
    %broadcast_in_dim3A_174 = vector.broadcast %broadcast_in_dim3A_173 : f32 to vector<16xf32>
    %swap3A_175 = arith.constant 336 : index
    %swap3A_176 = tpu.vector_load %arg7[%swap3A_175] {strides = array<i32>} : memref<640xf32, #tpu.memory_space<vmem>>, vector<16xf32>,
    %swap3A_177 = vector.shape_cast %swap3A_176 : vector<16xf32> to vector<16xf32>
    %swap3A_178 = vector.shape_cast %broadcast_in_dim3A_174 : vector<16xf32> to vector<16xf32>
    tpu.vector_store %arg7[%swap3A_175], %swap3A_178 {strides = array<i32>} : memref<640xf32, #tpu.memory_space<vmem>>, vector<16xf32>,
    %broadcast_in_dim3A_179 = arith.constant 0.000000e+00 : f32
    %broadcast_in_dim3A_180 = vector.broadcast %broadcast_in_dim3A_179 : f32 to vector<16xf32>
    %swap3A_181 = arith.constant 352 : index
    %swap3A_182 = tpu.vector_load %arg7[%swap3A_181] {strides = array<i32>} : memref<640xf32, #tpu.memory_space<vmem>>, vector<16xf32>,
    %swap3A_183 = vector.shape_cast %swap3A_182 : vector<16xf32> to vector<16xf32>
    %swap3A_184 = vector.shape_cast %broadcast_in_dim3A_180 : vector<16xf32> to vector<16xf32>
    tpu.vector_store %arg7[%swap3A_181], %swap3A_184 {strides = array<i32>} : memref<640xf32, #tpu.memory_space<vmem>>, vector<16xf32>,
    %broadcast_in_dim3A_185 = arith.constant 0.000000e+00 : f32
    %broadcast_in_dim3A_186 = vector.broadcast %broadcast_in_dim3A_185 : f32 to vector<16xf32>
    %swap3A_187 = arith.constant 368 : index
    %swap3A_188 = tpu.vector_load %arg7[%swap3A_187] {strides = array<i32>} : memref<640xf32, #tpu.memory_space<vmem>>, vector<16xf32>,
    %swap3A_189 = vector.shape_cast %swap3A_188 : vector<16xf32> to vector<16xf32>
    %swap3A_190 = vector.shape_cast %broadcast_in_dim3A_186 : vector<16xf32> to vector<16xf32>
    tpu.vector_store %arg7[%swap3A_187], %swap3A_190 {strides = array<i32>} : memref<640xf32, #tpu.memory_space<vmem>>, vector<16xf32>,
    %broadcast_in_dim3A_191 = arith.constant 0.000000e+00 : f32
    %broadcast_in_dim3A_192 = vector.broadcast %broadcast_in_dim3A_191 : f32 to vector<16xf32>
    %swap3A_193 = arith.constant 384 : index
    %swap3A_194 = tpu.vector_load %arg7[%swap3A_193] {strides = array<i32>} : memref<640xf32, #tpu.memory_space<vmem>>, vector<16xf32>,
    %swap3A_195 = vector.shape_cast %swap3A_194 : vector<16xf32> to vector<16xf32>
    %swap3A_196 = vector.shape_cast %broadcast_in_dim3A_192 : vector<16xf32> to vector<16xf32>
    tpu.vector_store %arg7[%swap3A_193], %swap3A_196 {strides = array<i32>} : memref<640xf32, #tpu.memory_space<vmem>>, vector<16xf32>,
    %broadcast_in_dim3A_197 = arith.constant 0.000000e+00 : f32
    %broadcast_in_dim3A_198 = vector.broadcast %broadcast_in_dim3A_197 : f32 to vector<16xf32>
    %swap3A_199 = arith.constant 400 : index
    %swap3A_200 = tpu.vector_load %arg7[%swap3A_199] {strides = array<i32>} : memref<640xf32, #tpu.memory_space<vmem>>, vector<16xf32>,
    %swap3A_201 = vector.shape_cast %swap3A_200 : vector<16xf32> to vector<16xf32>
    %swap3A_202 = vector.shape_cast %broadcast_in_dim3A_198 : vector<16xf32> to vector<16xf32>
    tpu.vector_store %arg7[%swap3A_199], %swap3A_202 {strides = array<i32>} : memref<640xf32, #tpu.memory_space<vmem>>, vector<16xf32>,
    %broadcast_in_dim3A_203 = arith.constant 0.000000e+00 : f32
    %broadcast_in_dim3A_204 = vector.broadcast %broadcast_in_dim3A_203 : f32 to vector<16xf32>
    %swap3A_205 = arith.constant 416 : index
    %swap3A_206 = tpu.vector_load %arg7[%swap3A_205] {strides = array<i32>} : memref<640xf32, #tpu.memory_space<vmem>>, vector<16xf32>,
    %swap3A_207 = vector.shape_cast %swap3A_206 : vector<16xf32> to vector<16xf32>
    %swap3A_208 = vector.shape_cast %broadcast_in_dim3A_204 : vector<16xf32> to vector<16xf32>
    tpu.vector_store %arg7[%swap3A_205], %swap3A_208 {strides = array<i32>} : memref<640xf32, #tpu.memory_space<vmem>>, vector<16xf32>,
    %broadcast_in_dim3A_209 = arith.constant 0.000000e+00 : f32
    %broadcast_in_dim3A_210 = vector.broadcast %broadcast_in_dim3A_209 : f32 to vector<16xf32>
    %swap3A_211 = arith.constant 432 : index
    %swap3A_212 = tpu.vector_load %arg7[%swap3A_211] {strides = array<i32>} : memref<640xf32, #tpu.memory_space<vmem>>, vector<16xf32>,
    %swap3A_213 = vector.shape_cast %swap3A_212 : vector<16xf32> to vector<16xf32>
    %swap3A_214 = vector.shape_cast %broadcast_in_dim3A_210 : vector<16xf32> to vector<16xf32>
    tpu.vector_store %arg7[%swap3A_211], %swap3A_214 {strides = array<i32>} : memref<640xf32, #tpu.memory_space<vmem>>, vector<16xf32>,
    %broadcast_in_dim3A_215 = arith.constant 0.000000e+00 : f32
    %broadcast_in_dim3A_216 = vector.broadcast %broadcast_in_dim3A_215 : f32 to vector<16xf32>
    %swap3A_217 = arith.constant 448 : index
    %swap3A_218 = tpu.vector_load %arg7[%swap3A_217] {strides = array<i32>} : memref<640xf32, #tpu.memory_space<vmem>>, vector<16xf32>,
    %swap3A_219 = vector.shape_cast %swap3A_218 : vector<16xf32> to vector<16xf32>
    %swap3A_220 = vector.shape_cast %broadcast_in_dim3A_216 : vector<16xf32> to vector<16xf32>
    tpu.vector_store %arg7[%swap3A_217], %swap3A_220 {strides = array<i32>} : memref<640xf32, #tpu.memory_space<vmem>>, vector<16xf32>,
    %broadcast_in_dim3A_221 = arith.constant 0.000000e+00 : f32
    %broadcast_in_dim3A_222 = vector.broadcast %broadcast_in_dim3A_221 : f32 to vector<16xf32>
    %swap3A_223 = arith.constant 464 : index
    %swap3A_224 = tpu.vector_load %arg7[%swap3A_223] {strides = array<i32>} : memref<640xf32, #tpu.memory_space<vmem>>, vector<16xf32>,
    %swap3A_225 = vector.shape_cast %swap3A_224 : vector<16xf32> to vector<16xf32>
    %swap3A_226 = vector.shape_cast %broadcast_in_dim3A_222 : vector<16xf32> to vector<16xf32>
    tpu.vector_store %arg7[%swap3A_223], %swap3A_226 {strides = array<i32>} : memref<640xf32, #tpu.memory_space<vmem>>, vector<16xf32>,
    %broadcast_in_dim3A_227 = arith.constant 0.000000e+00 : f32
    %broadcast_in_dim3A_228 = vector.broadcast %broadcast_in_dim3A_227 : f32 to vector<16xf32>
    %swap3A_229 = arith.constant 480 : index
    %swap3A_230 = tpu.vector_load %arg7[%swap3A_229] {strides = array<i32>} : memref<640xf32, #tpu.memory_space<vmem>>, vector<16xf32>,
    %swap3A_231 = vector.shape_cast %swap3A_230 : vector<16xf32> to vector<16xf32>
    %swap3A_232 = vector.shape_cast %broadcast_in_dim3A_228 : vector<16xf32> to vector<16xf32>
    tpu.vector_store %arg7[%swap3A_229], %swap3A_232 {strides = array<i32>} : memref<640xf32, #tpu.memory_space<vmem>>, vector<16xf32>,
    %broadcast_in_dim3A_233 = arith.constant 0.000000e+00 : f32
    %broadcast_in_dim3A_234 = vector.broadcast %broadcast_in_dim3A_233 : f32 to vector<16xf32>
    %swap3A_235 = arith.constant 496 : index
    %swap3A_236 = tpu.vector_load %arg7[%swap3A_235] {strides = array<i32>} : memref<640xf32, #tpu.memory_space<vmem>>, vector<16xf32>,
    %swap3A_237 = vector.shape_cast %swap3A_236 : vector<16xf32> to vector<16xf32>
    %swap3A_238 = vector.shape_cast %broadcast_in_dim3A_234 : vector<16xf32> to vector<16xf32>
    tpu.vector_store %arg7[%swap3A_235], %swap3A_238 {strides = array<i32>} : memref<640xf32, #tpu.memory_space<vmem>>, vector<16xf32>,
    %broadcast_in_dim3A_239 = arith.constant 0.000000e+00 : f32
    %broadcast_in_dim3A_240 = vector.broadcast %broadcast_in_dim3A_239 : f32 to vector<16xf32>
    %swap3A_241 = arith.constant 512 : index
    %swap3A_242 = tpu.vector_load %arg7[%swap3A_241] {strides = array<i32>} : memref<640xf32, #tpu.memory_space<vmem>>, vector<16xf32>,
    %swap3A_243 = vector.shape_cast %swap3A_242 : vector<16xf32> to vector<16xf32>
    %swap3A_244 = vector.shape_cast %broadcast_in_dim3A_240 : vector<16xf32> to vector<16xf32>
    tpu.vector_store %arg7[%swap3A_241], %swap3A_244 {strides = array<i32>} : memref<640xf32, #tpu.memory_space<vmem>>, vector<16xf32>,
    %broadcast_in_dim3A_245 = arith.constant 0.000000e+00 : f32
    %broadcast_in_dim3A_246 = vector.broadcast %broadcast_in_dim3A_245 : f32 to vector<16xf32>
    %swap3A_247 = arith.constant 528 : index
    %swap3A_248 = tpu.vector_load %arg7[%swap3A_247] {strides = array<i32>} : memref<640xf32, #tpu.memory_space<vmem>>, vector<16xf32>,
    %swap3A_249 = vector.shape_cast %swap3A_248 : vector<16xf32> to vector<16xf32>
    %swap3A_250 = vector.shape_cast %broadcast_in_dim3A_246 : vector<16xf32> to vector<16xf32>
    tpu.vector_store %arg7[%swap3A_247], %swap3A_250 {strides = array<i32>} : memref<640xf32, #tpu.memory_space<vmem>>, vector<16xf32>,
    %broadcast_in_dim3A_251 = arith.constant 0.000000e+00 : f32
    %broadcast_in_dim3A_252 = vector.broadcast %broadcast_in_dim3A_251 : f32 to vector<16xf32>
    %swap3A_253 = arith.constant 544 : index
    %swap3A_254 = tpu.vector_load %arg7[%swap3A_253] {strides = array<i32>} : memref<640xf32, #tpu.memory_space<vmem>>, vector<16xf32>,
    %swap3A_255 = vector.shape_cast %swap3A_254 : vector<16xf32> to vector<16xf32>
    %swap3A_256 = vector.shape_cast %broadcast_in_dim3A_252 : vector<16xf32> to vector<16xf32>
    tpu.vector_store %arg7[%swap3A_253], %swap3A_256 {strides = array<i32>} : memref<640xf32, #tpu.memory_space<vmem>>, vector<16xf32>,
    %broadcast_in_dim3A_257 = arith.constant 0.000000e+00 : f32
    %broadcast_in_dim3A_258 = vector.broadcast %broadcast_in_dim3A_257 : f32 to vector<16xf32>
    %swap3A_259 = arith.constant 560 : index
    %swap3A_260 = tpu.vector_load %arg7[%swap3A_259] {strides = array<i32>} : memref<640xf32, #tpu.memory_space<vmem>>, vector<16xf32>,
    %swap3A_261 = vector.shape_cast %swap3A_260 : vector<16xf32> to vector<16xf32>
    %swap3A_262 = vector.shape_cast %broadcast_in_dim3A_258 : vector<16xf32> to vector<16xf32>
    tpu.vector_store %arg7[%swap3A_259], %swap3A_262 {strides = array<i32>} : memref<640xf32, #tpu.memory_space<vmem>>, vector<16xf32>,
    %broadcast_in_dim3A_263 = arith.constant 0.000000e+00 : f32
    %broadcast_in_dim3A_264 = vector.broadcast %broadcast_in_dim3A_263 : f32 to vector<16xf32>
    %swap3A_265 = arith.constant 576 : index
    %swap3A_266 = tpu.vector_load %arg7[%swap3A_265] {strides = array<i32>} : memref<640xf32, #tpu.memory_space<vmem>>, vector<16xf32>,
    %swap3A_267 = vector.shape_cast %swap3A_266 : vector<16xf32> to vector<16xf32>
    %swap3A_268 = vector.shape_cast %broadcast_in_dim3A_264 : vector<16xf32> to vector<16xf32>
    tpu.vector_store %arg7[%swap3A_265], %swap3A_268 {strides = array<i32>} : memref<640xf32, #tpu.memory_space<vmem>>, vector<16xf32>,
    %broadcast_in_dim3A_269 = arith.constant 0.000000e+00 : f32
    %broadcast_in_dim3A_270 = vector.broadcast %broadcast_in_dim3A_269 : f32 to vector<16xf32>
    %swap3A_271 = arith.constant 592 : index
    %swap3A_272 = tpu.vector_load %arg7[%swap3A_271] {strides = array<i32>} : memref<640xf32, #tpu.memory_space<vmem>>, vector<16xf32>,
    %swap3A_273 = vector.shape_cast %swap3A_272 : vector<16xf32> to vector<16xf32>
    %swap3A_274 = vector.shape_cast %broadcast_in_dim3A_270 : vector<16xf32> to vector<16xf32>
    tpu.vector_store %arg7[%swap3A_271], %swap3A_274 {strides = array<i32>} : memref<640xf32, #tpu.memory_space<vmem>>, vector<16xf32>,
    %broadcast_in_dim3A_275 = arith.constant 0.000000e+00 : f32
    %broadcast_in_dim3A_276 = vector.broadcast %broadcast_in_dim3A_275 : f32 to vector<16xf32>
    %swap3A_277 = arith.constant 608 : index
    %swap3A_278 = tpu.vector_load %arg7[%swap3A_277] {strides = array<i32>} : memref<640xf32, #tpu.memory_space<vmem>>, vector<16xf32>,
    %swap3A_279 = vector.shape_cast %swap3A_278 : vector<16xf32> to vector<16xf32>
    %swap3A_280 = vector.shape_cast %broadcast_in_dim3A_276 : vector<16xf32> to vector<16xf32>
    tpu.vector_store %arg7[%swap3A_277], %swap3A_280 {strides = array<i32>} : memref<640xf32, #tpu.memory_space<vmem>>, vector<16xf32>,
    %broadcast_in_dim3A_281 = arith.constant 0.000000e+00 : f32
    %broadcast_in_dim3A_282 = vector.broadcast %broadcast_in_dim3A_281 : f32 to vector<16xf32>
    %swap3A_283 = arith.constant 624 : index
    %swap3A_284 = tpu.vector_load %arg7[%swap3A_283] {strides = array<i32>} : memref<640xf32, #tpu.memory_space<vmem>>, vector<16xf32>,
    %swap3A_285 = vector.shape_cast %swap3A_284 : vector<16xf32> to vector<16xf32>
    %swap3A_286 = vector.shape_cast %broadcast_in_dim3A_282 : vector<16xf32> to vector<16xf32>
    tpu.vector_store %arg7[%swap3A_283], %swap3A_286 {strides = array<i32>} : memref<640xf32, #tpu.memory_space<vmem>>, vector<16xf32>,
    %mul3A_287 = arith.constant 640 : i32
    %mul3A_288 = arith.muli %arg1, %mul3A_287 : i32
    "tpu.region"() ({
      %run_scoped3A = tpu.sem_alloc : memref<!tpu.dma_semaphore, #tpu.memory_space<semaphore_mem>>
      %dma_start3A = tpu.memref_slice %arg8[%mul3A_288] : memref<10240xf32, #tpu.memory_space<vmem_shared>> -> memref<640xf32, #tpu.memory_space<vmem_shared>>
      %dma_start3A_303 = tpu.memref_slice %arg8[%mul3A_288] : memref<10240xf32, #tpu.memory_space<vmem_shared>> -> memref<640xf32, #tpu.memory_space<vmem_shared>>
      tpu.enqueue_dma source(%arg7 : memref<640xf32, #tpu.memory_space<vmem>>) target(%dma_start3A_303 : memref<640xf32, #tpu.memory_space<vmem_shared>>) target_semaphore(%run_scoped3A : memref<!tpu.dma_semaphore, #tpu.memory_space<semaphore_mem>>)
      %dma_wait3A = tpu.memref_slice %arg8[%mul3A_288] : memref<10240xf32, #tpu.memory_space<vmem_shared>> -> memref<640xf32, #tpu.memory_space<vmem_shared>>
      %dma_wait3A_304 = tpu.memref_slice %arg8[%mul3A_288] : memref<10240xf32, #tpu.memory_space<vmem_shared>> -> memref<640xf32, #tpu.memory_space<vmem_shared>>
      tpu.wait_dma2 semaphore(%run_scoped3A : memref<!tpu.dma_semaphore, #tpu.memory_space<semaphore_mem>>) src(%arg7 : memref<640xf32, #tpu.memory_space<vmem>>) dst(%dma_wait3A_304 : memref<640xf32, #tpu.memory_space<vmem_shared>>)
      tpu.yield
    }) : () -> ()
    %barrier3A = arith.constant 0 : index
    tpu.barrier barrier_id(%barrier3A)
    %mul3A_289 = arith.constant 80 : i32
    %mul3A_290 = arith.muli %add3A, %mul3A_289 : i32
    "tpu.region"() ({
      %run_scoped3A = tpu.sem_alloc : memref<!tpu.dma_semaphore, #tpu.memory_space<semaphore_mem>>
      %dma_start3A = arith.constant 0 : i32
      %dma_start3A_303 = tpu.memref_slice %arg2[%mul3A_290, %dma_start3A] : memref<2560x128xi32, #tpu.memory_space<hbm>> -> memref<80x128xi32, #tpu.memory_space<hbm>>
      %dma_start3A_304 = arith.constant 0 : i32
      %dma_start3A_305 = tpu.memref_slice %arg2[%mul3A_290, %dma_start3A_304] : memref<2560x128xi32, #tpu.memory_space<hbm>> -> memref<80x128xi32, #tpu.memory_space<hbm>>
      tpu.enqueue_dma source(%dma_start3A_305 : memref<80x128xi32, #tpu.memory_space<hbm>>) target(%arg5 : memref<80x128xi32, #tpu.memory_space<vmem>>) target_semaphore(%run_scoped3A : memref<!tpu.dma_semaphore, #tpu.memory_space<semaphore_mem>>)
      %dma_wait3A = arith.constant 0 : i32
      %dma_wait3A_306 = tpu.memref_slice %arg2[%mul3A_290, %dma_wait3A] : memref<2560x128xi32, #tpu.memory_space<hbm>> -> memref<80x128xi32, #tpu.memory_space<hbm>>
      %dma_wait3A_307 = arith.constant 0 : i32
      %dma_wait3A_308 = tpu.memref_slice %arg2[%mul3A_290, %dma_wait3A_307] : memref<2560x128xi32, #tpu.memory_space<hbm>> -> memref<80x128xi32, #tpu.memory_space<hbm>>
      tpu.wait_dma2 semaphore(%run_scoped3A : memref<!tpu.dma_semaphore, #tpu.memory_space<semaphore_mem>>) src(%dma_wait3A_308 : memref<80x128xi32, #tpu.memory_space<hbm>>) dst(%arg5 : memref<80x128xi32, #tpu.memory_space<vmem>>)
      tpu.yield
    }) : () -> ()
    %scan3A = arith.constant 0 : i32
    %scan3A_291 = arith.constant 80 : i32
    %scan3A_292 = arith.addi %scan3A, %scan3A_291 : i32
    %scan3A_293 = arith.constant 1 : i32
    scf.for %scan3A_303 = %scan3A to %scan3A_292 step %scan3A_293  : i32 {
      %mul3A_304 = arith.constant 1 : i32
      %mul3A_305 = arith.muli %scan3A_303, %mul3A_304 : i32
      %add3A_306 = arith.constant 0 : i32
      %add3A_307 = arith.addi %add3A_306, %mul3A_305 : i32
      "tpu.region"() ({
        %run_scoped3A = tpu.sem_alloc : memref<!tpu.dma_semaphore, #tpu.memory_space<semaphore_mem>>
        %dma_start3A = arith.constant 0 : i32
        %dma_start3A_308 = tpu.memref_slice %arg5[%add3A_307, %dma_start3A] : memref<80x128xi32, #tpu.memory_space<vmem>> -> memref<1x128xi32, #tpu.memory_space<vmem>>
        %dma_start3A_309 = tpu.memref_squeeze %dma_start3A_308 : memref<1x128xi32, #tpu.memory_space<vmem>> -> memref<128xi32, #tpu.memory_space<vmem>>
        %dma_start3A_310 = arith.constant 0 : i32
        %dma_start3A_311 = tpu.memref_slice %arg8[%dma_start3A_310] : memref<10240xf32, #tpu.memory_space<vmem_shared>> -> memref<10240xf32, #tpu.memory_space<vmem_shared>>
        tpu.enqueue_indirect_dma source(%arg6 : memref<128xf32, #tpu.memory_space<vmem>>) target(%dma_start3A_311 : memref<10240xf32, #tpu.memory_space<vmem_shared>>) offsets(%dma_start3A_309 : memref<128xi32, #tpu.memory_space<vmem>>) semaphore(%run_scoped3A : memref<!tpu.dma_semaphore, #tpu.memory_space<semaphore_mem>>) {add = true}
        %dma_wait3A = arith.constant 0 : i32
        %dma_wait3A_312 = tpu.memref_slice %arg5[%add3A_307, %dma_wait3A] : memref<80x128xi32, #tpu.memory_space<vmem>> -> memref<1x128xi32, #tpu.memory_space<vmem>>
        %dma_wait3A_313 = tpu.memref_squeeze %dma_wait3A_312 : memref<1x128xi32, #tpu.memory_space<vmem>> -> memref<128xi32, #tpu.memory_space<vmem>>
        %dma_wait3A_314 = arith.constant 0 : i32
        %dma_wait3A_315 = tpu.memref_slice %arg8[%dma_wait3A_314] : memref<10240xf32, #tpu.memory_space<vmem_shared>> -> memref<10240xf32, #tpu.memory_space<vmem_shared>>
        tpu.wait_indirect_dma semaphore(%run_scoped3A : memref<!tpu.dma_semaphore, #tpu.memory_space<semaphore_mem>>) src(%arg6 : memref<128xf32, #tpu.memory_space<vmem>>) dst(%dma_wait3A_315 : memref<10240xf32, #tpu.memory_space<vmem_shared>>)
        tpu.yield
      }) : () -> ()
    }
    %scan3A_294 = arith.constant 80 : i32
    %barrier3A_295 = arith.constant 0 : index
    tpu.barrier barrier_id(%barrier3A_295)
    %eq3A = arith.constant 0 : i32
    %eq3A_296 = arith.cmpi eq, %arg0, %eq3A : i32
    %convert_element_type3A = arith.extui %eq3A_296 : i1 to i32
    %cond3A = arith.constant 0 : i32
    %cond3A_297 = arith.cmpi ne, %convert_element_type3A, %cond3A : i32
    scf.if %cond3A_297 {
      %mul3A_303 = arith.constant 640 : i32
      %mul3A_304 = arith.muli %arg1, %mul3A_303 : i32
      %mul3A_305 = arith.constant 640 : i32
      %mul3A_306 = arith.muli %arg1, %mul3A_305 : i32
      "tpu.region"() ({
        %run_scoped3A = tpu.sem_alloc : memref<!tpu.dma_semaphore, #tpu.memory_space<semaphore_mem>>
        %dma_start3A = tpu.memref_slice %arg3[%mul3A_306] : memref<10240xf32, #tpu.memory_space<hbm>> -> memref<640xf32, #tpu.memory_space<hbm>>
        %dma_start3A_307 = tpu.memref_slice %arg8[%mul3A_304] : memref<10240xf32, #tpu.memory_space<vmem_shared>> -> memref<640xf32, #tpu.memory_space<vmem_shared>>
        tpu.enqueue_dma source(%dma_start3A_307 : memref<640xf32, #tpu.memory_space<vmem_shared>>) target(%dma_start3A : memref<640xf32, #tpu.memory_space<hbm>>) target_semaphore(%run_scoped3A : memref<!tpu.dma_semaphore, #tpu.memory_space<semaphore_mem>>)
        %dma_wait3A = tpu.memref_slice %arg3[%mul3A_306] : memref<10240xf32, #tpu.memory_space<hbm>> -> memref<640xf32, #tpu.memory_space<hbm>>
        %dma_wait3A_308 = tpu.memref_slice %arg8[%mul3A_304] : memref<10240xf32, #tpu.memory_space<vmem_shared>> -> memref<640xf32, #tpu.memory_space<vmem_shared>>
        tpu.wait_dma2 semaphore(%run_scoped3A : memref<!tpu.dma_semaphore, #tpu.memory_space<semaphore_mem>>) src(%dma_wait3A_308 : memref<640xf32, #tpu.memory_space<vmem_shared>>) dst(%dma_wait3A : memref<640xf32, #tpu.memory_space<hbm>>)
        tpu.yield
      }) : () -> ()
    } else {
    }
    %eq3A_298 = arith.constant 1 : i32
    %eq3A_299 = arith.cmpi eq, %arg0, %eq3A_298 : i32
    %convert_element_type3A_300 = arith.extui %eq3A_299 : i1 to i32
    %cond3A_301 = arith.constant 0 : i32
    %cond3A_302 = arith.cmpi ne, %convert_element_type3A_300, %cond3A_301 : i32
    scf.if %cond3A_302 {
      %mul3A_303 = arith.constant 640 : i32
      %mul3A_304 = arith.muli %arg1, %mul3A_303 : i32
      %mul3A_305 = arith.constant 640 : i32
      %mul3A_306 = arith.muli %arg1, %mul3A_305 : i32
      "tpu.region"() ({
        %run_scoped3A = tpu.sem_alloc : memref<!tpu.dma_semaphore, #tpu.memory_space<semaphore_mem>>
        %dma_start3A = tpu.memref_slice %arg4[%mul3A_306] : memref<10240xf32, #tpu.memory_space<hbm>> -> memref<640xf32, #tpu.memory_space<hbm>>
        %dma_start3A_307 = tpu.memref_slice %arg8[%mul3A_304] : memref<10240xf32, #tpu.memory_space<vmem_shared>> -> memref<640xf32, #tpu.memory_space<vmem_shared>>
        tpu.enqueue_dma source(%dma_start3A_307 : memref<640xf32, #tpu.memory_space<vmem_shared>>) target(%dma_start3A : memref<640xf32, #tpu.memory_space<hbm>>) target_semaphore(%run_scoped3A : memref<!tpu.dma_semaphore, #tpu.memory_space<semaphore_mem>>)
        %dma_wait3A = tpu.memref_slice %arg4[%mul3A_306] : memref<10240xf32, #tpu.memory_space<hbm>> -> memref<640xf32, #tpu.memory_space<hbm>>
        %dma_wait3A_308 = tpu.memref_slice %arg8[%mul3A_304] : memref<10240xf32, #tpu.memory_space<vmem_shared>> -> memref<640xf32, #tpu.memory_space<vmem_shared>>
        tpu.wait_dma2 semaphore(%run_scoped3A : memref<!tpu.dma_semaphore, #tpu.memory_space<semaphore_mem>>) src(%dma_wait3A_308 : memref<640xf32, #tpu.memory_space<vmem_shared>>) dst(%dma_wait3A : memref<640xf32, #tpu.memory_space<hbm>>)
        tpu.yield
      }) : () -> ()
    } else {
    }
    return
  }
}

#map = affine_map<(d0, d1) -> (0, 0)>
module attributes {stable_mosaic.version = 14 : i64} {
  func.func @_agg_kernel(%arg0: i32, %arg1: i32, %arg2: memref<10000x128xf32, #tpu.memory_space<hbm>>, %arg3: memref<2560x128xi32, #tpu.memory_space<hbm>>, %arg4: memref<2560x128xi32, #tpu.memory_space<hbm>>, %arg5: memref<10240x128xf32, #tpu.memory_space<hbm>>, %arg6: memref<10240x128xf32, #tpu.memory_space<hbm>>, %arg7: memref<16x128xi32, #tpu.memory_space<vmem>>, %arg8: memref<16x128xi32, #tpu.memory_space<vmem>>, %arg9: memref<16x128xi32, #tpu.memory_space<vmem>>, %arg10: memref<16x128xi32, #tpu.memory_space<vmem>>, %arg11: memref<128x128xf32, #tpu.memory_space<vmem>>, %arg12: memref<128x128xf32, #tpu.memory_space<vmem>>, %arg13: memref<10240x128xf32, #tpu.memory_space<vmem_shared>>, %arg14: memref<!tpu.dma_semaphore, #tpu.memory_space<semaphore_mem>>, %arg15: memref<!tpu.dma_semaphore, #tpu.memory_space<semaphore_mem>>, %arg16: memref<!tpu.dma_semaphore, #tpu.memory_space<semaphore_mem>>) attributes {dimension_semantics = [#tpu.dimension_semantics<core_parallel>, #tpu.dimension_semantics<subcore_parallel>], iteration_bounds = array<i64: 2, 16>, scalar_prefetch = 0 : i64, scratch_operands = 10 : i64, tpu.core_type = #tpu.core_type<sc_vector_subcore>, window_params = [{transform_indices = #map}, {transform_indices = #map}, {transform_indices = #map}, {transform_indices = #map}, {transform_indices = #map}]} {
    %mul3A = arith.constant 16 : i32
    %mul3A_0 = arith.muli %arg0, %mul3A : i32
    %add3A = arith.addi %mul3A_0, %arg1 : i32
    %scan3A = arith.constant 0 : i32
    %scan3A_1 = arith.constant 128 : i32
    %scan3A_2 = arith.addi %scan3A, %scan3A_1 : i32
    %scan3A_3 = arith.constant 1 : i32
    scf.for %scan3A_127 = %scan3A to %scan3A_2 step %scan3A_3  : i32 {
      %mul3A_128 = arith.constant 1 : i32
      %mul3A_129 = arith.muli %scan3A_127, %mul3A_128 : i32
      %add3A_130 = arith.constant 0 : i32
      %add3A_131 = arith.addi %add3A_130, %mul3A_129 : i32
      %broadcast_in_dim3A = arith.constant 0.000000e+00 : f32
      %broadcast_in_dim3A_132 = vector.broadcast %broadcast_in_dim3A : f32 to vector<16xf32>
      %swap3A = arith.index_cast %add3A_131 : i32 to index
      %swap3A_133 = arith.constant 0 : index
      %swap3A_134 = tpu.vector_load %arg11[%swap3A, %swap3A_133] {strides = array<i32>} : memref<128x128xf32, #tpu.memory_space<vmem>>, vector<1x16xf32>,
      %swap3A_135 = vector.shape_cast %swap3A_134 : vector<1x16xf32> to vector<16xf32>
      %swap3A_136 = vector.shape_cast %broadcast_in_dim3A_132 : vector<16xf32> to vector<1x16xf32>
      tpu.vector_store %arg11[%swap3A, %swap3A_133], %swap3A_136 {strides = array<i32>} : memref<128x128xf32, #tpu.memory_space<vmem>>, vector<1x16xf32>,
      %broadcast_in_dim3A_137 = arith.constant 0.000000e+00 : f32
      %broadcast_in_dim3A_138 = vector.broadcast %broadcast_in_dim3A_137 : f32 to vector<16xf32>
      %swap3A_139 = arith.index_cast %add3A_131 : i32 to index
      %swap3A_140 = arith.constant 16 : index
      %swap3A_141 = tpu.vector_load %arg11[%swap3A_139, %swap3A_140] {strides = array<i32>} : memref<128x128xf32, #tpu.memory_space<vmem>>, vector<1x16xf32>,
      %swap3A_142 = vector.shape_cast %swap3A_141 : vector<1x16xf32> to vector<16xf32>
      %swap3A_143 = vector.shape_cast %broadcast_in_dim3A_138 : vector<16xf32> to vector<1x16xf32>
      tpu.vector_store %arg11[%swap3A_139, %swap3A_140], %swap3A_143 {strides = array<i32>} : memref<128x128xf32, #tpu.memory_space<vmem>>, vector<1x16xf32>,
      %broadcast_in_dim3A_144 = arith.constant 0.000000e+00 : f32
      %broadcast_in_dim3A_145 = vector.broadcast %broadcast_in_dim3A_144 : f32 to vector<16xf32>
      %swap3A_146 = arith.index_cast %add3A_131 : i32 to index
      %swap3A_147 = arith.constant 32 : index
      %swap3A_148 = tpu.vector_load %arg11[%swap3A_146, %swap3A_147] {strides = array<i32>} : memref<128x128xf32, #tpu.memory_space<vmem>>, vector<1x16xf32>,
      %swap3A_149 = vector.shape_cast %swap3A_148 : vector<1x16xf32> to vector<16xf32>
      %swap3A_150 = vector.shape_cast %broadcast_in_dim3A_145 : vector<16xf32> to vector<1x16xf32>
      tpu.vector_store %arg11[%swap3A_146, %swap3A_147], %swap3A_150 {strides = array<i32>} : memref<128x128xf32, #tpu.memory_space<vmem>>, vector<1x16xf32>,
      %broadcast_in_dim3A_151 = arith.constant 0.000000e+00 : f32
      %broadcast_in_dim3A_152 = vector.broadcast %broadcast_in_dim3A_151 : f32 to vector<16xf32>
      %swap3A_153 = arith.index_cast %add3A_131 : i32 to index
      %swap3A_154 = arith.constant 48 : index
      %swap3A_155 = tpu.vector_load %arg11[%swap3A_153, %swap3A_154] {strides = array<i32>} : memref<128x128xf32, #tpu.memory_space<vmem>>, vector<1x16xf32>,
      %swap3A_156 = vector.shape_cast %swap3A_155 : vector<1x16xf32> to vector<16xf32>
      %swap3A_157 = vector.shape_cast %broadcast_in_dim3A_152 : vector<16xf32> to vector<1x16xf32>
      tpu.vector_store %arg11[%swap3A_153, %swap3A_154], %swap3A_157 {strides = array<i32>} : memref<128x128xf32, #tpu.memory_space<vmem>>, vector<1x16xf32>,
      %broadcast_in_dim3A_158 = arith.constant 0.000000e+00 : f32
      %broadcast_in_dim3A_159 = vector.broadcast %broadcast_in_dim3A_158 : f32 to vector<16xf32>
      %swap3A_160 = arith.index_cast %add3A_131 : i32 to index
      %swap3A_161 = arith.constant 64 : index
      %swap3A_162 = tpu.vector_load %arg11[%swap3A_160, %swap3A_161] {strides = array<i32>} : memref<128x128xf32, #tpu.memory_space<vmem>>, vector<1x16xf32>,
      %swap3A_163 = vector.shape_cast %swap3A_162 : vector<1x16xf32> to vector<16xf32>
      %swap3A_164 = vector.shape_cast %broadcast_in_dim3A_159 : vector<16xf32> to vector<1x16xf32>
      tpu.vector_store %arg11[%swap3A_160, %swap3A_161], %swap3A_164 {strides = array<i32>} : memref<128x128xf32, #tpu.memory_space<vmem>>, vector<1x16xf32>,
      %broadcast_in_dim3A_165 = arith.constant 0.000000e+00 : f32
      %broadcast_in_dim3A_166 = vector.broadcast %broadcast_in_dim3A_165 : f32 to vector<16xf32>
      %swap3A_167 = arith.index_cast %add3A_131 : i32 to index
      %swap3A_168 = arith.constant 80 : index
      %swap3A_169 = tpu.vector_load %arg11[%swap3A_167, %swap3A_168] {strides = array<i32>} : memref<128x128xf32, #tpu.memory_space<vmem>>, vector<1x16xf32>,
      %swap3A_170 = vector.shape_cast %swap3A_169 : vector<1x16xf32> to vector<16xf32>
      %swap3A_171 = vector.shape_cast %broadcast_in_dim3A_166 : vector<16xf32> to vector<1x16xf32>
      tpu.vector_store %arg11[%swap3A_167, %swap3A_168], %swap3A_171 {strides = array<i32>} : memref<128x128xf32, #tpu.memory_space<vmem>>, vector<1x16xf32>,
      %broadcast_in_dim3A_172 = arith.constant 0.000000e+00 : f32
      %broadcast_in_dim3A_173 = vector.broadcast %broadcast_in_dim3A_172 : f32 to vector<16xf32>
      %swap3A_174 = arith.index_cast %add3A_131 : i32 to index
      %swap3A_175 = arith.constant 96 : index
      %swap3A_176 = tpu.vector_load %arg11[%swap3A_174, %swap3A_175] {strides = array<i32>} : memref<128x128xf32, #tpu.memory_space<vmem>>, vector<1x16xf32>,
      %swap3A_177 = vector.shape_cast %swap3A_176 : vector<1x16xf32> to vector<16xf32>
      %swap3A_178 = vector.shape_cast %broadcast_in_dim3A_173 : vector<16xf32> to vector<1x16xf32>
      tpu.vector_store %arg11[%swap3A_174, %swap3A_175], %swap3A_178 {strides = array<i32>} : memref<128x128xf32, #tpu.memory_space<vmem>>, vector<1x16xf32>,
      %broadcast_in_dim3A_179 = arith.constant 0.000000e+00 : f32
      %broadcast_in_dim3A_180 = vector.broadcast %broadcast_in_dim3A_179 : f32 to vector<16xf32>
      %swap3A_181 = arith.index_cast %add3A_131 : i32 to index
      %swap3A_182 = arith.constant 112 : index
      %swap3A_183 = tpu.vector_load %arg11[%swap3A_181, %swap3A_182] {strides = array<i32>} : memref<128x128xf32, #tpu.memory_space<vmem>>, vector<1x16xf32>,
      %swap3A_184 = vector.shape_cast %swap3A_183 : vector<1x16xf32> to vector<16xf32>
      %swap3A_185 = vector.shape_cast %broadcast_in_dim3A_180 : vector<16xf32> to vector<1x16xf32>
      tpu.vector_store %arg11[%swap3A_181, %swap3A_182], %swap3A_185 {strides = array<i32>} : memref<128x128xf32, #tpu.memory_space<vmem>>, vector<1x16xf32>,
    }
    %scan3A_4 = arith.constant 128 : i32
    %mul3A_5 = arith.constant 640 : i32
    %mul3A_6 = arith.muli %arg1, %mul3A_5 : i32
    %add3A_7 = arith.constant 0 : i32
    %add3A_8 = arith.addi %mul3A_6, %add3A_7 : i32
    "tpu.region"() ({
      %run_scoped3A = tpu.sem_alloc : memref<!tpu.dma_semaphore, #tpu.memory_space<semaphore_mem>>
      %dma_start3A_127 = arith.constant 0 : i32
      %dma_start3A_128 = tpu.memref_slice %arg13[%add3A_8, %dma_start3A_127] : memref<10240x128xf32, #tpu.memory_space<vmem_shared>> -> memref<128x128xf32, #tpu.memory_space<vmem_shared>>
      %dma_start3A_129 = arith.constant 0 : i32
      %dma_start3A_130 = tpu.memref_slice %arg13[%add3A_8, %dma_start3A_129] : memref<10240x128xf32, #tpu.memory_space<vmem_shared>> -> memref<128x128xf32, #tpu.memory_space<vmem_shared>>
      tpu.enqueue_dma source(%arg11 : memref<128x128xf32, #tpu.memory_space<vmem>>) target(%dma_start3A_130 : memref<128x128xf32, #tpu.memory_space<vmem_shared>>) target_semaphore(%run_scoped3A : memref<!tpu.dma_semaphore, #tpu.memory_space<semaphore_mem>>)
      %dma_wait3A_131 = arith.constant 0 : i32
      %dma_wait3A_132 = tpu.memref_slice %arg13[%add3A_8, %dma_wait3A_131] : memref<10240x128xf32, #tpu.memory_space<vmem_shared>> -> memref<128x128xf32, #tpu.memory_space<vmem_shared>>
      %dma_wait3A_133 = arith.constant 0 : i32
      %dma_wait3A_134 = tpu.memref_slice %arg13[%add3A_8, %dma_wait3A_133] : memref<10240x128xf32, #tpu.memory_space<vmem_shared>> -> memref<128x128xf32, #tpu.memory_space<vmem_shared>>
      tpu.wait_dma2 semaphore(%run_scoped3A : memref<!tpu.dma_semaphore, #tpu.memory_space<semaphore_mem>>) src(%arg11 : memref<128x128xf32, #tpu.memory_space<vmem>>) dst(%dma_wait3A_134 : memref<128x128xf32, #tpu.memory_space<vmem_shared>>)
      tpu.yield
    }) : () -> ()
    %mul3A_9 = arith.constant 640 : i32
    %mul3A_10 = arith.muli %arg1, %mul3A_9 : i32
    %add3A_11 = arith.constant 128 : i32
    %add3A_12 = arith.addi %mul3A_10, %add3A_11 : i32
    "tpu.region"() ({
      %run_scoped3A = tpu.sem_alloc : memref<!tpu.dma_semaphore, #tpu.memory_space<semaphore_mem>>
      %dma_start3A_127 = arith.constant 0 : i32
      %dma_start3A_128 = tpu.memref_slice %arg13[%add3A_12, %dma_start3A_127] : memref<10240x128xf32, #tpu.memory_space<vmem_shared>> -> memref<128x128xf32, #tpu.memory_space<vmem_shared>>
      %dma_start3A_129 = arith.constant 0 : i32
      %dma_start3A_130 = tpu.memref_slice %arg13[%add3A_12, %dma_start3A_129] : memref<10240x128xf32, #tpu.memory_space<vmem_shared>> -> memref<128x128xf32, #tpu.memory_space<vmem_shared>>
      tpu.enqueue_dma source(%arg11 : memref<128x128xf32, #tpu.memory_space<vmem>>) target(%dma_start3A_130 : memref<128x128xf32, #tpu.memory_space<vmem_shared>>) target_semaphore(%run_scoped3A : memref<!tpu.dma_semaphore, #tpu.memory_space<semaphore_mem>>)
      %dma_wait3A_131 = arith.constant 0 : i32
      %dma_wait3A_132 = tpu.memref_slice %arg13[%add3A_12, %dma_wait3A_131] : memref<10240x128xf32, #tpu.memory_space<vmem_shared>> -> memref<128x128xf32, #tpu.memory_space<vmem_shared>>
      %dma_wait3A_133 = arith.constant 0 : i32
      %dma_wait3A_134 = tpu.memref_slice %arg13[%add3A_12, %dma_wait3A_133] : memref<10240x128xf32, #tpu.memory_space<vmem_shared>> -> memref<128x128xf32, #tpu.memory_space<vmem_shared>>
      tpu.wait_dma2 semaphore(%run_scoped3A : memref<!tpu.dma_semaphore, #tpu.memory_space<semaphore_mem>>) src(%arg11 : memref<128x128xf32, #tpu.memory_space<vmem>>) dst(%dma_wait3A_134 : memref<128x128xf32, #tpu.memory_space<vmem_shared>>)
      tpu.yield
    }) : () -> ()
    %mul3A_13 = arith.constant 640 : i32
    %mul3A_14 = arith.muli %arg1, %mul3A_13 : i32
    %add3A_15 = arith.constant 256 : i32
    %add3A_16 = arith.addi %mul3A_14, %add3A_15 : i32
    "tpu.region"() ({
      %run_scoped3A = tpu.sem_alloc : memref<!tpu.dma_semaphore, #tpu.memory_space<semaphore_mem>>
      %dma_start3A_127 = arith.constant 0 : i32
      %dma_start3A_128 = tpu.memref_slice %arg13[%add3A_16, %dma_start3A_127] : memref<10240x128xf32, #tpu.memory_space<vmem_shared>> -> memref<128x128xf32, #tpu.memory_space<vmem_shared>>
      %dma_start3A_129 = arith.constant 0 : i32
      %dma_start3A_130 = tpu.memref_slice %arg13[%add3A_16, %dma_start3A_129] : memref<10240x128xf32, #tpu.memory_space<vmem_shared>> -> memref<128x128xf32, #tpu.memory_space<vmem_shared>>
      tpu.enqueue_dma source(%arg11 : memref<128x128xf32, #tpu.memory_space<vmem>>) target(%dma_start3A_130 : memref<128x128xf32, #tpu.memory_space<vmem_shared>>) target_semaphore(%run_scoped3A : memref<!tpu.dma_semaphore, #tpu.memory_space<semaphore_mem>>)
      %dma_wait3A_131 = arith.constant 0 : i32
      %dma_wait3A_132 = tpu.memref_slice %arg13[%add3A_16, %dma_wait3A_131] : memref<10240x128xf32, #tpu.memory_space<vmem_shared>> -> memref<128x128xf32, #tpu.memory_space<vmem_shared>>
      %dma_wait3A_133 = arith.constant 0 : i32
      %dma_wait3A_134 = tpu.memref_slice %arg13[%add3A_16, %dma_wait3A_133] : memref<10240x128xf32, #tpu.memory_space<vmem_shared>> -> memref<128x128xf32, #tpu.memory_space<vmem_shared>>
      tpu.wait_dma2 semaphore(%run_scoped3A : memref<!tpu.dma_semaphore, #tpu.memory_space<semaphore_mem>>) src(%arg11 : memref<128x128xf32, #tpu.memory_space<vmem>>) dst(%dma_wait3A_134 : memref<128x128xf32, #tpu.memory_space<vmem_shared>>)
      tpu.yield
    }) : () -> ()
    %mul3A_17 = arith.constant 640 : i32
    %mul3A_18 = arith.muli %arg1, %mul3A_17 : i32
    %add3A_19 = arith.constant 384 : i32
    %add3A_20 = arith.addi %mul3A_18, %add3A_19 : i32
    "tpu.region"() ({
      %run_scoped3A = tpu.sem_alloc : memref<!tpu.dma_semaphore, #tpu.memory_space<semaphore_mem>>
      %dma_start3A_127 = arith.constant 0 : i32
      %dma_start3A_128 = tpu.memref_slice %arg13[%add3A_20, %dma_start3A_127] : memref<10240x128xf32, #tpu.memory_space<vmem_shared>> -> memref<128x128xf32, #tpu.memory_space<vmem_shared>>
      %dma_start3A_129 = arith.constant 0 : i32
      %dma_start3A_130 = tpu.memref_slice %arg13[%add3A_20, %dma_start3A_129] : memref<10240x128xf32, #tpu.memory_space<vmem_shared>> -> memref<128x128xf32, #tpu.memory_space<vmem_shared>>
      tpu.enqueue_dma source(%arg11 : memref<128x128xf32, #tpu.memory_space<vmem>>) target(%dma_start3A_130 : memref<128x128xf32, #tpu.memory_space<vmem_shared>>) target_semaphore(%run_scoped3A : memref<!tpu.dma_semaphore, #tpu.memory_space<semaphore_mem>>)
      %dma_wait3A_131 = arith.constant 0 : i32
      %dma_wait3A_132 = tpu.memref_slice %arg13[%add3A_20, %dma_wait3A_131] : memref<10240x128xf32, #tpu.memory_space<vmem_shared>> -> memref<128x128xf32, #tpu.memory_space<vmem_shared>>
      %dma_wait3A_133 = arith.constant 0 : i32
      %dma_wait3A_134 = tpu.memref_slice %arg13[%add3A_20, %dma_wait3A_133] : memref<10240x128xf32, #tpu.memory_space<vmem_shared>> -> memref<128x128xf32, #tpu.memory_space<vmem_shared>>
      tpu.wait_dma2 semaphore(%run_scoped3A : memref<!tpu.dma_semaphore, #tpu.memory_space<semaphore_mem>>) src(%arg11 : memref<128x128xf32, #tpu.memory_space<vmem>>) dst(%dma_wait3A_134 : memref<128x128xf32, #tpu.memory_space<vmem_shared>>)
      tpu.yield
    }) : () -> ()
    %mul3A_21 = arith.constant 640 : i32
    %mul3A_22 = arith.muli %arg1, %mul3A_21 : i32
    %add3A_23 = arith.constant 512 : i32
    %add3A_24 = arith.addi %mul3A_22, %add3A_23 : i32
    "tpu.region"() ({
      %run_scoped3A = tpu.sem_alloc : memref<!tpu.dma_semaphore, #tpu.memory_space<semaphore_mem>>
      %dma_start3A_127 = arith.constant 0 : i32
      %dma_start3A_128 = tpu.memref_slice %arg13[%add3A_24, %dma_start3A_127] : memref<10240x128xf32, #tpu.memory_space<vmem_shared>> -> memref<128x128xf32, #tpu.memory_space<vmem_shared>>
      %dma_start3A_129 = arith.constant 0 : i32
      %dma_start3A_130 = tpu.memref_slice %arg13[%add3A_24, %dma_start3A_129] : memref<10240x128xf32, #tpu.memory_space<vmem_shared>> -> memref<128x128xf32, #tpu.memory_space<vmem_shared>>
      tpu.enqueue_dma source(%arg11 : memref<128x128xf32, #tpu.memory_space<vmem>>) target(%dma_start3A_130 : memref<128x128xf32, #tpu.memory_space<vmem_shared>>) target_semaphore(%run_scoped3A : memref<!tpu.dma_semaphore, #tpu.memory_space<semaphore_mem>>)
      %dma_wait3A_131 = arith.constant 0 : i32
      %dma_wait3A_132 = tpu.memref_slice %arg13[%add3A_24, %dma_wait3A_131] : memref<10240x128xf32, #tpu.memory_space<vmem_shared>> -> memref<128x128xf32, #tpu.memory_space<vmem_shared>>
      %dma_wait3A_133 = arith.constant 0 : i32
      %dma_wait3A_134 = tpu.memref_slice %arg13[%add3A_24, %dma_wait3A_133] : memref<10240x128xf32, #tpu.memory_space<vmem_shared>> -> memref<128x128xf32, #tpu.memory_space<vmem_shared>>
      tpu.wait_dma2 semaphore(%run_scoped3A : memref<!tpu.dma_semaphore, #tpu.memory_space<semaphore_mem>>) src(%arg11 : memref<128x128xf32, #tpu.memory_space<vmem>>) dst(%dma_wait3A_134 : memref<128x128xf32, #tpu.memory_space<vmem_shared>>)
      tpu.yield
    }) : () -> ()
    %barrier3A = arith.constant 0 : index
    tpu.barrier barrier_id(%barrier3A)
    %mul3A_25 = arith.constant 80 : i32
    %mul3A_26 = arith.muli %add3A, %mul3A_25 : i32
    %add3A_27 = arith.constant 0 : i32
    %add3A_28 = arith.addi %mul3A_26, %add3A_27 : i32
    %dma_start3A = arith.constant 0 : i32
    %dma_start3A_29 = tpu.memref_slice %arg3[%add3A_28, %dma_start3A] : memref<2560x128xi32, #tpu.memory_space<hbm>> -> memref<16x128xi32, #tpu.memory_space<hbm>>
    %dma_start3A_30 = arith.constant 0 : i32
    %dma_start3A_31 = tpu.memref_slice %arg3[%add3A_28, %dma_start3A_30] : memref<2560x128xi32, #tpu.memory_space<hbm>> -> memref<16x128xi32, #tpu.memory_space<hbm>>
    tpu.enqueue_dma source(%dma_start3A_31 : memref<16x128xi32, #tpu.memory_space<hbm>>) target(%arg7 : memref<16x128xi32, #tpu.memory_space<vmem>>) target_semaphore(%arg16 : memref<!tpu.dma_semaphore, #tpu.memory_space<semaphore_mem>>)
    %dma_start3A_32 = arith.constant 0 : i32
    %dma_start3A_33 = tpu.memref_slice %arg4[%add3A_28, %dma_start3A_32] : memref<2560x128xi32, #tpu.memory_space<hbm>> -> memref<16x128xi32, #tpu.memory_space<hbm>>
    %dma_start3A_34 = arith.constant 0 : i32
    %dma_start3A_35 = tpu.memref_slice %arg4[%add3A_28, %dma_start3A_34] : memref<2560x128xi32, #tpu.memory_space<hbm>> -> memref<16x128xi32, #tpu.memory_space<hbm>>
    tpu.enqueue_dma source(%dma_start3A_35 : memref<16x128xi32, #tpu.memory_space<hbm>>) target(%arg9 : memref<16x128xi32, #tpu.memory_space<vmem>>) target_semaphore(%arg16 : memref<!tpu.dma_semaphore, #tpu.memory_space<semaphore_mem>>)
    %dma_wait3A = arith.constant 0 : i32
    %dma_wait3A_36 = arith.constant 0 : i32
    %dma_wait3A_37 = tpu.memref_slice %arg3[%dma_wait3A, %dma_wait3A_36] : memref<2560x128xi32, #tpu.memory_space<hbm>> -> memref<16x128xi32, #tpu.memory_space<hbm>>
    %dma_wait3A_38 = arith.constant 0 : i32
    %dma_wait3A_39 = arith.constant 0 : i32
    %dma_wait3A_40 = tpu.memref_slice %arg3[%dma_wait3A_38, %dma_wait3A_39] : memref<2560x128xi32, #tpu.memory_space<hbm>> -> memref<16x128xi32, #tpu.memory_space<hbm>>
    tpu.wait_dma2 semaphore(%arg16 : memref<!tpu.dma_semaphore, #tpu.memory_space<semaphore_mem>>) src(%dma_wait3A_40 : memref<16x128xi32, #tpu.memory_space<hbm>>) dst(%arg7 : memref<16x128xi32, #tpu.memory_space<vmem>>)
    %dma_wait3A_41 = arith.constant 0 : i32
    %dma_wait3A_42 = arith.constant 0 : i32
    %dma_wait3A_43 = tpu.memref_slice %arg4[%dma_wait3A_41, %dma_wait3A_42] : memref<2560x128xi32, #tpu.memory_space<hbm>> -> memref<16x128xi32, #tpu.memory_space<hbm>>
    %dma_wait3A_44 = arith.constant 0 : i32
    %dma_wait3A_45 = arith.constant 0 : i32
    %dma_wait3A_46 = tpu.memref_slice %arg4[%dma_wait3A_44, %dma_wait3A_45] : memref<2560x128xi32, #tpu.memory_space<hbm>> -> memref<16x128xi32, #tpu.memory_space<hbm>>
    tpu.wait_dma2 semaphore(%arg16 : memref<!tpu.dma_semaphore, #tpu.memory_space<semaphore_mem>>) src(%dma_wait3A_46 : memref<16x128xi32, #tpu.memory_space<hbm>>) dst(%arg9 : memref<16x128xi32, #tpu.memory_space<vmem>>)
    %dma_start3A_47 = arith.constant 0 : i32
    %dma_start3A_48 = arith.constant 0 : i32
    %dma_start3A_49 = tpu.memref_slice %arg7[%dma_start3A_47, %dma_start3A_48] : memref<16x128xi32, #tpu.memory_space<vmem>> -> memref<1x128xi32, #tpu.memory_space<vmem>>
    %dma_start3A_50 = tpu.memref_squeeze %dma_start3A_49 : memref<1x128xi32, #tpu.memory_space<vmem>> -> memref<128xi32, #tpu.memory_space<vmem>>
    %dma_start3A_51 = arith.constant 0 : i32
    %dma_start3A_52 = arith.constant 0 : i32
    %dma_start3A_53 = tpu.memref_slice %arg2[%dma_start3A_51, %dma_start3A_52] : memref<10000x128xf32, #tpu.memory_space<hbm>> -> memref<10000x128xf32, #tpu.memory_space<hbm>>
    tpu.enqueue_indirect_dma source(%dma_start3A_53 : memref<10000x128xf32, #tpu.memory_space<hbm>>) target(%arg11 : memref<128x128xf32, #tpu.memory_space<vmem>>) offsets(%dma_start3A_50 : memref<128xi32, #tpu.memory_space<vmem>>) semaphore(%arg14 : memref<!tpu.dma_semaphore, #tpu.memory_space<semaphore_mem>>)
    %scan3A_54 = arith.constant 0 : i32
    %scan3A_55 = arith.constant 5 : i32
    %scan3A_56 = arith.addi %scan3A_54, %scan3A_55 : i32
    %scan3A_57 = arith.constant 1 : i32
    scf.for %scan3A_127 = %scan3A_54 to %scan3A_56 step %scan3A_57  : i32 {
      %mul3A_128 = arith.constant 1 : i32
      %mul3A_129 = arith.muli %scan3A_127, %mul3A_128 : i32
      %add3A_130 = arith.constant 0 : i32
      %add3A_131 = arith.addi %add3A_130, %mul3A_129 : i32
      %jit3A = arith.constant 2 : i32
      %eq3A_132 = arith.constant 0 : i32
      %eq3A_133 = arith.cmpi eq, %jit3A, %eq3A_132 : i32
      %jit3A_134 = arith.constant 1 : i32
      %select_n3A = arith.select %eq3A_133, %jit3A_134, %jit3A : i32
      %rem3A = arith.remsi %add3A_131, %select_n3A : i32
      %ne3A = arith.constant 0 : i32
      %ne3A_135 = arith.cmpi ne, %rem3A, %ne3A : i32
      %lt3A = arith.constant 0 : i32
      %lt3A_136 = arith.cmpi slt, %rem3A, %lt3A : i32
      %lt3A_137 = arith.constant 0 : i32
      %lt3A_138 = arith.cmpi slt, %select_n3A, %lt3A_137 : i32
      %ne3A_139 = arith.xori %lt3A_136, %lt3A_138 : i1
      %and3A = arith.andi %ne3A_139, %ne3A_135 : i1
      %add3A_140 = arith.addi %rem3A, %select_n3A : i32
      %select_n3A_141 = arith.select %and3A, %add3A_140, %rem3A : i32
      %eq3A_142 = arith.constant 0 : i32
      %eq3A_143 = arith.cmpi eq, %select_n3A_141, %eq3A_142 : i32
      %convert_element_type3A_144 = arith.extui %eq3A_143 : i1 to i32
      %cond3A_145 = arith.constant 0 : i32
      %cond3A_146 = arith.cmpi ne, %convert_element_type3A_144, %cond3A_145 : i32
      scf.if %cond3A_146 {
        %add3A_168 = arith.constant 1 : i32
        %add3A_169 = arith.addi %add3A_131, %add3A_168 : i32
        %lt3A_170 = arith.constant 5 : i32
        %lt3A_171 = arith.cmpi slt, %add3A_169, %lt3A_170 : i32
        %convert_element_type3A_172 = arith.extui %lt3A_171 : i1 to i32
        %cond3A_173 = arith.constant 0 : i32
        %cond3A_174 = arith.cmpi ne, %convert_element_type3A_172, %cond3A_173 : i32
        scf.if %cond3A_174 {
          %add3A_414 = arith.constant 1 : i32
          %add3A_415 = arith.addi %add3A_131, %add3A_414 : i32
          %mul3A_416 = arith.constant 80 : i32
          %mul3A_417 = arith.muli %add3A, %mul3A_416 : i32
          %mul3A_418 = arith.constant 16 : i32
          %mul3A_419 = arith.muli %add3A_415, %mul3A_418 : i32
          %add3A_420 = arith.addi %mul3A_417, %mul3A_419 : i32
          %dma_start3A_421 = arith.constant 0 : i32
          %dma_start3A_422 = tpu.memref_slice %arg3[%add3A_420, %dma_start3A_421] : memref<2560x128xi32, #tpu.memory_space<hbm>> -> memref<16x128xi32, #tpu.memory_space<hbm>>
          %dma_start3A_423 = arith.constant 0 : i32
          %dma_start3A_424 = tpu.memref_slice %arg3[%add3A_420, %dma_start3A_423] : memref<2560x128xi32, #tpu.memory_space<hbm>> -> memref<16x128xi32, #tpu.memory_space<hbm>>
          tpu.enqueue_dma source(%dma_start3A_424 : memref<16x128xi32, #tpu.memory_space<hbm>>) target(%arg8 : memref<16x128xi32, #tpu.memory_space<vmem>>) target_semaphore(%arg16 : memref<!tpu.dma_semaphore, #tpu.memory_space<semaphore_mem>>)
          %dma_start3A_425 = arith.constant 0 : i32
          %dma_start3A_426 = tpu.memref_slice %arg4[%add3A_420, %dma_start3A_425] : memref<2560x128xi32, #tpu.memory_space<hbm>> -> memref<16x128xi32, #tpu.memory_space<hbm>>
          %dma_start3A_427 = arith.constant 0 : i32
          %dma_start3A_428 = tpu.memref_slice %arg4[%add3A_420, %dma_start3A_427] : memref<2560x128xi32, #tpu.memory_space<hbm>> -> memref<16x128xi32, #tpu.memory_space<hbm>>
          tpu.enqueue_dma source(%dma_start3A_428 : memref<16x128xi32, #tpu.memory_space<hbm>>) target(%arg10 : memref<16x128xi32, #tpu.memory_space<vmem>>) target_semaphore(%arg16 : memref<!tpu.dma_semaphore, #tpu.memory_space<semaphore_mem>>)
        } else {
        }
        %dma_wait3A_175 = arith.constant 0 : i32
        %dma_wait3A_176 = arith.constant 0 : i32
        %dma_wait3A_177 = tpu.memref_slice %arg7[%dma_wait3A_175, %dma_wait3A_176] : memref<16x128xi32, #tpu.memory_space<vmem>> -> memref<1x128xi32, #tpu.memory_space<vmem>>
        %dma_wait3A_178 = tpu.memref_squeeze %dma_wait3A_177 : memref<1x128xi32, #tpu.memory_space<vmem>> -> memref<128xi32, #tpu.memory_space<vmem>>
        %dma_wait3A_179 = arith.constant 0 : i32
        %dma_wait3A_180 = arith.constant 0 : i32
        %dma_wait3A_181 = tpu.memref_slice %arg2[%dma_wait3A_179, %dma_wait3A_180] : memref<10000x128xf32, #tpu.memory_space<hbm>> -> memref<10000x128xf32, #tpu.memory_space<hbm>>
        tpu.wait_indirect_dma semaphore(%arg14 : memref<!tpu.dma_semaphore, #tpu.memory_space<semaphore_mem>>) src(%dma_wait3A_181 : memref<10000x128xf32, #tpu.memory_space<hbm>>) dst(%arg11 : memref<128x128xf32, #tpu.memory_space<vmem>>)
        %dma_start3A_182 = arith.constant 1 : i32
        %dma_start3A_183 = arith.constant 0 : i32
        %dma_start3A_184 = tpu.memref_slice %arg7[%dma_start3A_182, %dma_start3A_183] : memref<16x128xi32, #tpu.memory_space<vmem>> -> memref<1x128xi32, #tpu.memory_space<vmem>>
        %dma_start3A_185 = tpu.memref_squeeze %dma_start3A_184 : memref<1x128xi32, #tpu.memory_space<vmem>> -> memref<128xi32, #tpu.memory_space<vmem>>
        %dma_start3A_186 = arith.constant 0 : i32
        %dma_start3A_187 = arith.constant 0 : i32
        %dma_start3A_188 = tpu.memref_slice %arg2[%dma_start3A_186, %dma_start3A_187] : memref<10000x128xf32, #tpu.memory_space<hbm>> -> memref<10000x128xf32, #tpu.memory_space<hbm>>
        tpu.enqueue_indirect_dma source(%dma_start3A_188 : memref<10000x128xf32, #tpu.memory_space<hbm>>) target(%arg12 : memref<128x128xf32, #tpu.memory_space<vmem>>) offsets(%dma_start3A_185 : memref<128xi32, #tpu.memory_space<vmem>>) semaphore(%arg15 : memref<!tpu.dma_semaphore, #tpu.memory_space<semaphore_mem>>)
        %run_scoped3A = arith.constant 0 : i32
        "tpu.region"() ({
          %run_scoped3A_414 = tpu.sem_alloc : memref<!tpu.dma_semaphore, #tpu.memory_space<semaphore_mem>>
          %dma_start3A_415 = arith.constant 0 : i32
          %dma_start3A_416 = tpu.memref_slice %arg9[%run_scoped3A, %dma_start3A_415] : memref<16x128xi32, #tpu.memory_space<vmem>> -> memref<1x128xi32, #tpu.memory_space<vmem>>
          %dma_start3A_417 = tpu.memref_squeeze %dma_start3A_416 : memref<1x128xi32, #tpu.memory_space<vmem>> -> memref<128xi32, #tpu.memory_space<vmem>>
          %dma_start3A_418 = arith.constant 0 : i32
          %dma_start3A_419 = arith.constant 0 : i32
          %dma_start3A_420 = tpu.memref_slice %arg13[%dma_start3A_418, %dma_start3A_419] : memref<10240x128xf32, #tpu.memory_space<vmem_shared>> -> memref<10240x128xf32, #tpu.memory_space<vmem_shared>>
          tpu.enqueue_indirect_dma source(%arg11 : memref<128x128xf32, #tpu.memory_space<vmem>>) target(%dma_start3A_420 : memref<10240x128xf32, #tpu.memory_space<vmem_shared>>) offsets(%dma_start3A_417 : memref<128xi32, #tpu.memory_space<vmem>>) semaphore(%run_scoped3A_414 : memref<!tpu.dma_semaphore, #tpu.memory_space<semaphore_mem>>) {add = true}
          %dma_wait3A_421 = arith.constant 0 : i32
          %dma_wait3A_422 = tpu.memref_slice %arg9[%run_scoped3A, %dma_wait3A_421] : memref<16x128xi32, #tpu.memory_space<vmem>> -> memref<1x128xi32, #tpu.memory_space<vmem>>
          %dma_wait3A_423 = tpu.memref_squeeze %dma_wait3A_422 : memref<1x128xi32, #tpu.memory_space<vmem>> -> memref<128xi32, #tpu.memory_space<vmem>>
          %dma_wait3A_424 = arith.constant 0 : i32
          %dma_wait3A_425 = arith.constant 0 : i32
          %dma_wait3A_426 = tpu.memref_slice %arg13[%dma_wait3A_424, %dma_wait3A_425] : memref<10240x128xf32, #tpu.memory_space<vmem_shared>> -> memref<10240x128xf32, #tpu.memory_space<vmem_shared>>
          tpu.wait_indirect_dma semaphore(%run_scoped3A_414 : memref<!tpu.dma_semaphore, #tpu.memory_space<semaphore_mem>>) src(%arg11 : memref<128x128xf32, #tpu.memory_space<vmem>>) dst(%dma_wait3A_426 : memref<10240x128xf32, #tpu.memory_space<vmem_shared>>)
          tpu.yield
        }) : () -> ()
        %dma_wait3A_189 = arith.constant 0 : i32
        %dma_wait3A_190 = arith.constant 0 : i32
        %dma_wait3A_191 = tpu.memref_slice %arg7[%dma_wait3A_189, %dma_wait3A_190] : memref<16x128xi32, #tpu.memory_space<vmem>> -> memref<1x128xi32, #tpu.memory_space<vmem>>
        %dma_wait3A_192 = tpu.memref_squeeze %dma_wait3A_191 : memref<1x128xi32, #tpu.memory_space<vmem>> -> memref<128xi32, #tpu.memory_space<vmem>>
        %dma_wait3A_193 = arith.constant 0 : i32
        %dma_wait3A_194 = arith.constant 0 : i32
        %dma_wait3A_195 = tpu.memref_slice %arg2[%dma_wait3A_193, %dma_wait3A_194] : memref<10000x128xf32, #tpu.memory_space<hbm>> -> memref<10000x128xf32, #tpu.memory_space<hbm>>
        tpu.wait_indirect_dma semaphore(%arg15 : memref<!tpu.dma_semaphore, #tpu.memory_space<semaphore_mem>>) src(%dma_wait3A_195 : memref<10000x128xf32, #tpu.memory_space<hbm>>) dst(%arg12 : memref<128x128xf32, #tpu.memory_space<vmem>>)
        %dma_start3A_196 = arith.constant 2 : i32
        %dma_start3A_197 = arith.constant 0 : i32
        %dma_start3A_198 = tpu.memref_slice %arg7[%dma_start3A_196, %dma_start3A_197] : memref<16x128xi32, #tpu.memory_space<vmem>> -> memref<1x128xi32, #tpu.memory_space<vmem>>
        %dma_start3A_199 = tpu.memref_squeeze %dma_start3A_198 : memref<1x128xi32, #tpu.memory_space<vmem>> -> memref<128xi32, #tpu.memory_space<vmem>>
        %dma_start3A_200 = arith.constant 0 : i32
        %dma_start3A_201 = arith.constant 0 : i32
        %dma_start3A_202 = tpu.memref_slice %arg2[%dma_start3A_200, %dma_start3A_201] : memref<10000x128xf32, #tpu.memory_space<hbm>> -> memref<10000x128xf32, #tpu.memory_space<hbm>>
        tpu.enqueue_indirect_dma source(%dma_start3A_202 : memref<10000x128xf32, #tpu.memory_space<hbm>>) target(%arg11 : memref<128x128xf32, #tpu.memory_space<vmem>>) offsets(%dma_start3A_199 : memref<128xi32, #tpu.memory_space<vmem>>) semaphore(%arg14 : memref<!tpu.dma_semaphore, #tpu.memory_space<semaphore_mem>>)
        %run_scoped3A_203 = arith.constant 1 : i32
        "tpu.region"() ({
          %run_scoped3A_414 = tpu.sem_alloc : memref<!tpu.dma_semaphore, #tpu.memory_space<semaphore_mem>>
          %dma_start3A_415 = arith.constant 0 : i32
          %dma_start3A_416 = tpu.memref_slice %arg9[%run_scoped3A_203, %dma_start3A_415] : memref<16x128xi32, #tpu.memory_space<vmem>> -> memref<1x128xi32, #tpu.memory_space<vmem>>
          %dma_start3A_417 = tpu.memref_squeeze %dma_start3A_416 : memref<1x128xi32, #tpu.memory_space<vmem>> -> memref<128xi32, #tpu.memory_space<vmem>>
          %dma_start3A_418 = arith.constant 0 : i32
          %dma_start3A_419 = arith.constant 0 : i32
          %dma_start3A_420 = tpu.memref_slice %arg13[%dma_start3A_418, %dma_start3A_419] : memref<10240x128xf32, #tpu.memory_space<vmem_shared>> -> memref<10240x128xf32, #tpu.memory_space<vmem_shared>>
          tpu.enqueue_indirect_dma source(%arg12 : memref<128x128xf32, #tpu.memory_space<vmem>>) target(%dma_start3A_420 : memref<10240x128xf32, #tpu.memory_space<vmem_shared>>) offsets(%dma_start3A_417 : memref<128xi32, #tpu.memory_space<vmem>>) semaphore(%run_scoped3A_414 : memref<!tpu.dma_semaphore, #tpu.memory_space<semaphore_mem>>) {add = true}
          %dma_wait3A_421 = arith.constant 0 : i32
          %dma_wait3A_422 = tpu.memref_slice %arg9[%run_scoped3A_203, %dma_wait3A_421] : memref<16x128xi32, #tpu.memory_space<vmem>> -> memref<1x128xi32, #tpu.memory_space<vmem>>
          %dma_wait3A_423 = tpu.memref_squeeze %dma_wait3A_422 : memref<1x128xi32, #tpu.memory_space<vmem>> -> memref<128xi32, #tpu.memory_space<vmem>>
          %dma_wait3A_424 = arith.constant 0 : i32
          %dma_wait3A_425 = arith.constant 0 : i32
          %dma_wait3A_426 = tpu.memref_slice %arg13[%dma_wait3A_424, %dma_wait3A_425] : memref<10240x128xf32, #tpu.memory_space<vmem_shared>> -> memref<10240x128xf32, #tpu.memory_space<vmem_shared>>
          tpu.wait_indirect_dma semaphore(%run_scoped3A_414 : memref<!tpu.dma_semaphore, #tpu.memory_space<semaphore_mem>>) src(%arg12 : memref<128x128xf32, #tpu.memory_space<vmem>>) dst(%dma_wait3A_426 : memref<10240x128xf32, #tpu.memory_space<vmem_shared>>)
          tpu.yield
        }) : () -> ()
        %dma_wait3A_204 = arith.constant 0 : i32
        %dma_wait3A_205 = arith.constant 0 : i32
        %dma_wait3A_206 = tpu.memref_slice %arg7[%dma_wait3A_204, %dma_wait3A_205] : memref<16x128xi32, #tpu.memory_space<vmem>> -> memref<1x128xi32, #tpu.memory_space<vmem>>
        %dma_wait3A_207 = tpu.memref_squeeze %dma_wait3A_206 : memref<1x128xi32, #tpu.memory_space<vmem>> -> memref<128xi32, #tpu.memory_space<vmem>>
        %dma_wait3A_208 = arith.constant 0 : i32
        %dma_wait3A_209 = arith.constant 0 : i32
        %dma_wait3A_210 = tpu.memref_slice %arg2[%dma_wait3A_208, %dma_wait3A_209] : memref<10000x128xf32, #tpu.memory_space<hbm>> -> memref<10000x128xf32, #tpu.memory_space<hbm>>
        tpu.wait_indirect_dma semaphore(%arg14 : memref<!tpu.dma_semaphore, #tpu.memory_space<semaphore_mem>>) src(%dma_wait3A_210 : memref<10000x128xf32, #tpu.memory_space<hbm>>) dst(%arg11 : memref<128x128xf32, #tpu.memory_space<vmem>>)
        %dma_start3A_211 = arith.constant 3 : i32
        %dma_start3A_212 = arith.constant 0 : i32
        %dma_start3A_213 = tpu.memref_slice %arg7[%dma_start3A_211, %dma_start3A_212] : memref<16x128xi32, #tpu.memory_space<vmem>> -> memref<1x128xi32, #tpu.memory_space<vmem>>
        %dma_start3A_214 = tpu.memref_squeeze %dma_start3A_213 : memref<1x128xi32, #tpu.memory_space<vmem>> -> memref<128xi32, #tpu.memory_space<vmem>>
        %dma_start3A_215 = arith.constant 0 : i32
        %dma_start3A_216 = arith.constant 0 : i32
        %dma_start3A_217 = tpu.memref_slice %arg2[%dma_start3A_215, %dma_start3A_216] : memref<10000x128xf32, #tpu.memory_space<hbm>> -> memref<10000x128xf32, #tpu.memory_space<hbm>>
        tpu.enqueue_indirect_dma source(%dma_start3A_217 : memref<10000x128xf32, #tpu.memory_space<hbm>>) target(%arg12 : memref<128x128xf32, #tpu.memory_space<vmem>>) offsets(%dma_start3A_214 : memref<128xi32, #tpu.memory_space<vmem>>) semaphore(%arg15 : memref<!tpu.dma_semaphore, #tpu.memory_space<semaphore_mem>>)
        %run_scoped3A_218 = arith.constant 2 : i32
        "tpu.region"() ({
          %run_scoped3A_414 = tpu.sem_alloc : memref<!tpu.dma_semaphore, #tpu.memory_space<semaphore_mem>>
          %dma_start3A_415 = arith.constant 0 : i32
          %dma_start3A_416 = tpu.memref_slice %arg9[%run_scoped3A_218, %dma_start3A_415] : memref<16x128xi32, #tpu.memory_space<vmem>> -> memref<1x128xi32, #tpu.memory_space<vmem>>
          %dma_start3A_417 = tpu.memref_squeeze %dma_start3A_416 : memref<1x128xi32, #tpu.memory_space<vmem>> -> memref<128xi32, #tpu.memory_space<vmem>>
          %dma_start3A_418 = arith.constant 0 : i32
          %dma_start3A_419 = arith.constant 0 : i32
          %dma_start3A_420 = tpu.memref_slice %arg13[%dma_start3A_418, %dma_start3A_419] : memref<10240x128xf32, #tpu.memory_space<vmem_shared>> -> memref<10240x128xf32, #tpu.memory_space<vmem_shared>>
          tpu.enqueue_indirect_dma source(%arg11 : memref<128x128xf32, #tpu.memory_space<vmem>>) target(%dma_start3A_420 : memref<10240x128xf32, #tpu.memory_space<vmem_shared>>) offsets(%dma_start3A_417 : memref<128xi32, #tpu.memory_space<vmem>>) semaphore(%run_scoped3A_414 : memref<!tpu.dma_semaphore, #tpu.memory_space<semaphore_mem>>) {add = true}
          %dma_wait3A_421 = arith.constant 0 : i32
          %dma_wait3A_422 = tpu.memref_slice %arg9[%run_scoped3A_218, %dma_wait3A_421] : memref<16x128xi32, #tpu.memory_space<vmem>> -> memref<1x128xi32, #tpu.memory_space<vmem>>
          %dma_wait3A_423 = tpu.memref_squeeze %dma_wait3A_422 : memref<1x128xi32, #tpu.memory_space<vmem>> -> memref<128xi32, #tpu.memory_space<vmem>>
          %dma_wait3A_424 = arith.constant 0 : i32
          %dma_wait3A_425 = arith.constant 0 : i32
          %dma_wait3A_426 = tpu.memref_slice %arg13[%dma_wait3A_424, %dma_wait3A_425] : memref<10240x128xf32, #tpu.memory_space<vmem_shared>> -> memref<10240x128xf32, #tpu.memory_space<vmem_shared>>
          tpu.wait_indirect_dma semaphore(%run_scoped3A_414 : memref<!tpu.dma_semaphore, #tpu.memory_space<semaphore_mem>>) src(%arg11 : memref<128x128xf32, #tpu.memory_space<vmem>>) dst(%dma_wait3A_426 : memref<10240x128xf32, #tpu.memory_space<vmem_shared>>)
          tpu.yield
        }) : () -> ()
        %dma_wait3A_219 = arith.constant 0 : i32
        %dma_wait3A_220 = arith.constant 0 : i32
        %dma_wait3A_221 = tpu.memref_slice %arg7[%dma_wait3A_219, %dma_wait3A_220] : memref<16x128xi32, #tpu.memory_space<vmem>> -> memref<1x128xi32, #tpu.memory_space<vmem>>
        %dma_wait3A_222 = tpu.memref_squeeze %dma_wait3A_221 : memref<1x128xi32, #tpu.memory_space<vmem>> -> memref<128xi32, #tpu.memory_space<vmem>>
        %dma_wait3A_223 = arith.constant 0 : i32
        %dma_wait3A_224 = arith.constant 0 : i32
        %dma_wait3A_225 = tpu.memref_slice %arg2[%dma_wait3A_223, %dma_wait3A_224] : memref<10000x128xf32, #tpu.memory_space<hbm>> -> memref<10000x128xf32, #tpu.memory_space<hbm>>
        tpu.wait_indirect_dma semaphore(%arg15 : memref<!tpu.dma_semaphore, #tpu.memory_space<semaphore_mem>>) src(%dma_wait3A_225 : memref<10000x128xf32, #tpu.memory_space<hbm>>) dst(%arg12 : memref<128x128xf32, #tpu.memory_space<vmem>>)
        %dma_start3A_226 = arith.constant 4 : i32
        %dma_start3A_227 = arith.constant 0 : i32
        %dma_start3A_228 = tpu.memref_slice %arg7[%dma_start3A_226, %dma_start3A_227] : memref<16x128xi32, #tpu.memory_space<vmem>> -> memref<1x128xi32, #tpu.memory_space<vmem>>
        %dma_start3A_229 = tpu.memref_squeeze %dma_start3A_228 : memref<1x128xi32, #tpu.memory_space<vmem>> -> memref<128xi32, #tpu.memory_space<vmem>>
        %dma_start3A_230 = arith.constant 0 : i32
        %dma_start3A_231 = arith.constant 0 : i32
        %dma_start3A_232 = tpu.memref_slice %arg2[%dma_start3A_230, %dma_start3A_231] : memref<10000x128xf32, #tpu.memory_space<hbm>> -> memref<10000x128xf32, #tpu.memory_space<hbm>>
        tpu.enqueue_indirect_dma source(%dma_start3A_232 : memref<10000x128xf32, #tpu.memory_space<hbm>>) target(%arg11 : memref<128x128xf32, #tpu.memory_space<vmem>>) offsets(%dma_start3A_229 : memref<128xi32, #tpu.memory_space<vmem>>) semaphore(%arg14 : memref<!tpu.dma_semaphore, #tpu.memory_space<semaphore_mem>>)
        %run_scoped3A_233 = arith.constant 3 : i32
        "tpu.region"() ({
          %run_scoped3A_414 = tpu.sem_alloc : memref<!tpu.dma_semaphore, #tpu.memory_space<semaphore_mem>>
          %dma_start3A_415 = arith.constant 0 : i32
          %dma_start3A_416 = tpu.memref_slice %arg9[%run_scoped3A_233, %dma_start3A_415] : memref<16x128xi32, #tpu.memory_space<vmem>> -> memref<1x128xi32, #tpu.memory_space<vmem>>
          %dma_start3A_417 = tpu.memref_squeeze %dma_start3A_416 : memref<1x128xi32, #tpu.memory_space<vmem>> -> memref<128xi32, #tpu.memory_space<vmem>>
          %dma_start3A_418 = arith.constant 0 : i32
          %dma_start3A_419 = arith.constant 0 : i32
          %dma_start3A_420 = tpu.memref_slice %arg13[%dma_start3A_418, %dma_start3A_419] : memref<10240x128xf32, #tpu.memory_space<vmem_shared>> -> memref<10240x128xf32, #tpu.memory_space<vmem_shared>>
          tpu.enqueue_indirect_dma source(%arg12 : memref<128x128xf32, #tpu.memory_space<vmem>>) target(%dma_start3A_420 : memref<10240x128xf32, #tpu.memory_space<vmem_shared>>) offsets(%dma_start3A_417 : memref<128xi32, #tpu.memory_space<vmem>>) semaphore(%run_scoped3A_414 : memref<!tpu.dma_semaphore, #tpu.memory_space<semaphore_mem>>) {add = true}
          %dma_wait3A_421 = arith.constant 0 : i32
          %dma_wait3A_422 = tpu.memref_slice %arg9[%run_scoped3A_233, %dma_wait3A_421] : memref<16x128xi32, #tpu.memory_space<vmem>> -> memref<1x128xi32, #tpu.memory_space<vmem>>
          %dma_wait3A_423 = tpu.memref_squeeze %dma_wait3A_422 : memref<1x128xi32, #tpu.memory_space<vmem>> -> memref<128xi32, #tpu.memory_space<vmem>>
          %dma_wait3A_424 = arith.constant 0 : i32
          %dma_wait3A_425 = arith.constant 0 : i32
          %dma_wait3A_426 = tpu.memref_slice %arg13[%dma_wait3A_424, %dma_wait3A_425] : memref<10240x128xf32, #tpu.memory_space<vmem_shared>> -> memref<10240x128xf32, #tpu.memory_space<vmem_shared>>
          tpu.wait_indirect_dma semaphore(%run_scoped3A_414 : memref<!tpu.dma_semaphore, #tpu.memory_space<semaphore_mem>>) src(%arg12 : memref<128x128xf32, #tpu.memory_space<vmem>>) dst(%dma_wait3A_426 : memref<10240x128xf32, #tpu.memory_space<vmem_shared>>)
          tpu.yield
        }) : () -> ()
        %dma_wait3A_234 = arith.constant 0 : i32
        %dma_wait3A_235 = arith.constant 0 : i32
        %dma_wait3A_236 = tpu.memref_slice %arg7[%dma_wait3A_234, %dma_wait3A_235] : memref<16x128xi32, #tpu.memory_space<vmem>> -> memref<1x128xi32, #tpu.memory_space<vmem>>
        %dma_wait3A_237 = tpu.memref_squeeze %dma_wait3A_236 : memref<1x128xi32, #tpu.memory_space<vmem>> -> memref<128xi32, #tpu.memory_space<vmem>>
        %dma_wait3A_238 = arith.constant 0 : i32
        %dma_wait3A_239 = arith.constant 0 : i32
        %dma_wait3A_240 = tpu.memref_slice %arg2[%dma_wait3A_238, %dma_wait3A_239] : memref<10000x128xf32, #tpu.memory_space<hbm>> -> memref<10000x128xf32, #tpu.memory_space<hbm>>
        tpu.wait_indirect_dma semaphore(%arg14 : memref<!tpu.dma_semaphore, #tpu.memory_space<semaphore_mem>>) src(%dma_wait3A_240 : memref<10000x128xf32, #tpu.memory_space<hbm>>) dst(%arg11 : memref<128x128xf32, #tpu.memory_space<vmem>>)
        %dma_start3A_241 = arith.constant 5 : i32
        %dma_start3A_242 = arith.constant 0 : i32
        %dma_start3A_243 = tpu.memref_slice %arg7[%dma_start3A_241, %dma_start3A_242] : memref<16x128xi32, #tpu.memory_space<vmem>> -> memref<1x128xi32, #tpu.memory_space<vmem>>
        %dma_start3A_244 = tpu.memref_squeeze %dma_start3A_243 : memref<1x128xi32, #tpu.memory_space<vmem>> -> memref<128xi32, #tpu.memory_space<vmem>>
        %dma_start3A_245 = arith.constant 0 : i32
        %dma_start3A_246 = arith.constant 0 : i32
        %dma_start3A_247 = tpu.memref_slice %arg2[%dma_start3A_245, %dma_start3A_246] : memref<10000x128xf32, #tpu.memory_space<hbm>> -> memref<10000x128xf32, #tpu.memory_space<hbm>>
        tpu.enqueue_indirect_dma source(%dma_start3A_247 : memref<10000x128xf32, #tpu.memory_space<hbm>>) target(%arg12 : memref<128x128xf32, #tpu.memory_space<vmem>>) offsets(%dma_start3A_244 : memref<128xi32, #tpu.memory_space<vmem>>) semaphore(%arg15 : memref<!tpu.dma_semaphore, #tpu.memory_space<semaphore_mem>>)
        %run_scoped3A_248 = arith.constant 4 : i32
        "tpu.region"() ({
          %run_scoped3A_414 = tpu.sem_alloc : memref<!tpu.dma_semaphore, #tpu.memory_space<semaphore_mem>>
          %dma_start3A_415 = arith.constant 0 : i32
          %dma_start3A_416 = tpu.memref_slice %arg9[%run_scoped3A_248, %dma_start3A_415] : memref<16x128xi32, #tpu.memory_space<vmem>> -> memref<1x128xi32, #tpu.memory_space<vmem>>
          %dma_start3A_417 = tpu.memref_squeeze %dma_start3A_416 : memref<1x128xi32, #tpu.memory_space<vmem>> -> memref<128xi32, #tpu.memory_space<vmem>>
          %dma_start3A_418 = arith.constant 0 : i32
          %dma_start3A_419 = arith.constant 0 : i32
          %dma_start3A_420 = tpu.memref_slice %arg13[%dma_start3A_418, %dma_start3A_419] : memref<10240x128xf32, #tpu.memory_space<vmem_shared>> -> memref<10240x128xf32, #tpu.memory_space<vmem_shared>>
          tpu.enqueue_indirect_dma source(%arg11 : memref<128x128xf32, #tpu.memory_space<vmem>>) target(%dma_start3A_420 : memref<10240x128xf32, #tpu.memory_space<vmem_shared>>) offsets(%dma_start3A_417 : memref<128xi32, #tpu.memory_space<vmem>>) semaphore(%run_scoped3A_414 : memref<!tpu.dma_semaphore, #tpu.memory_space<semaphore_mem>>) {add = true}
          %dma_wait3A_421 = arith.constant 0 : i32
          %dma_wait3A_422 = tpu.memref_slice %arg9[%run_scoped3A_248, %dma_wait3A_421] : memref<16x128xi32, #tpu.memory_space<vmem>> -> memref<1x128xi32, #tpu.memory_space<vmem>>
          %dma_wait3A_423 = tpu.memref_squeeze %dma_wait3A_422 : memref<1x128xi32, #tpu.memory_space<vmem>> -> memref<128xi32, #tpu.memory_space<vmem>>
          %dma_wait3A_424 = arith.constant 0 : i32
          %dma_wait3A_425 = arith.constant 0 : i32
          %dma_wait3A_426 = tpu.memref_slice %arg13[%dma_wait3A_424, %dma_wait3A_425] : memref<10240x128xf32, #tpu.memory_space<vmem_shared>> -> memref<10240x128xf32, #tpu.memory_space<vmem_shared>>
          tpu.wait_indirect_dma semaphore(%run_scoped3A_414 : memref<!tpu.dma_semaphore, #tpu.memory_space<semaphore_mem>>) src(%arg11 : memref<128x128xf32, #tpu.memory_space<vmem>>) dst(%dma_wait3A_426 : memref<10240x128xf32, #tpu.memory_space<vmem_shared>>)
          tpu.yield
        }) : () -> ()
        %dma_wait3A_249 = arith.constant 0 : i32
        %dma_wait3A_250 = arith.constant 0 : i32
        %dma_wait3A_251 = tpu.memref_slice %arg7[%dma_wait3A_249, %dma_wait3A_250] : memref<16x128xi32, #tpu.memory_space<vmem>> -> memref<1x128xi32, #tpu.memory_space<vmem>>
        %dma_wait3A_252 = tpu.memref_squeeze %dma_wait3A_251 : memref<1x128xi32, #tpu.memory_space<vmem>> -> memref<128xi32, #tpu.memory_space<vmem>>
        %dma_wait3A_253 = arith.constant 0 : i32
        %dma_wait3A_254 = arith.constant 0 : i32
        %dma_wait3A_255 = tpu.memref_slice %arg2[%dma_wait3A_253, %dma_wait3A_254] : memref<10000x128xf32, #tpu.memory_space<hbm>> -> memref<10000x128xf32, #tpu.memory_space<hbm>>
        tpu.wait_indirect_dma semaphore(%arg15 : memref<!tpu.dma_semaphore, #tpu.memory_space<semaphore_mem>>) src(%dma_wait3A_255 : memref<10000x128xf32, #tpu.memory_space<hbm>>) dst(%arg12 : memref<128x128xf32, #tpu.memory_space<vmem>>)
        %dma_start3A_256 = arith.constant 6 : i32
        %dma_start3A_257 = arith.constant 0 : i32
        %dma_start3A_258 = tpu.memref_slice %arg7[%dma_start3A_256, %dma_start3A_257] : memref<16x128xi32, #tpu.memory_space<vmem>> -> memref<1x128xi32, #tpu.memory_space<vmem>>
        %dma_start3A_259 = tpu.memref_squeeze %dma_start3A_258 : memref<1x128xi32, #tpu.memory_space<vmem>> -> memref<128xi32, #tpu.memory_space<vmem>>
        %dma_start3A_260 = arith.constant 0 : i32
        %dma_start3A_261 = arith.constant 0 : i32
        %dma_start3A_262 = tpu.memref_slice %arg2[%dma_start3A_260, %dma_start3A_261] : memref<10000x128xf32, #tpu.memory_space<hbm>> -> memref<10000x128xf32, #tpu.memory_space<hbm>>
        tpu.enqueue_indirect_dma source(%dma_start3A_262 : memref<10000x128xf32, #tpu.memory_space<hbm>>) target(%arg11 : memref<128x128xf32, #tpu.memory_space<vmem>>) offsets(%dma_start3A_259 : memref<128xi32, #tpu.memory_space<vmem>>) semaphore(%arg14 : memref<!tpu.dma_semaphore, #tpu.memory_space<semaphore_mem>>)
        %run_scoped3A_263 = arith.constant 5 : i32
        "tpu.region"() ({
          %run_scoped3A_414 = tpu.sem_alloc : memref<!tpu.dma_semaphore, #tpu.memory_space<semaphore_mem>>
          %dma_start3A_415 = arith.constant 0 : i32
          %dma_start3A_416 = tpu.memref_slice %arg9[%run_scoped3A_263, %dma_start3A_415] : memref<16x128xi32, #tpu.memory_space<vmem>> -> memref<1x128xi32, #tpu.memory_space<vmem>>
          %dma_start3A_417 = tpu.memref_squeeze %dma_start3A_416 : memref<1x128xi32, #tpu.memory_space<vmem>> -> memref<128xi32, #tpu.memory_space<vmem>>
          %dma_start3A_418 = arith.constant 0 : i32
          %dma_start3A_419 = arith.constant 0 : i32
          %dma_start3A_420 = tpu.memref_slice %arg13[%dma_start3A_418, %dma_start3A_419] : memref<10240x128xf32, #tpu.memory_space<vmem_shared>> -> memref<10240x128xf32, #tpu.memory_space<vmem_shared>>
          tpu.enqueue_indirect_dma source(%arg12 : memref<128x128xf32, #tpu.memory_space<vmem>>) target(%dma_start3A_420 : memref<10240x128xf32, #tpu.memory_space<vmem_shared>>) offsets(%dma_start3A_417 : memref<128xi32, #tpu.memory_space<vmem>>) semaphore(%run_scoped3A_414 : memref<!tpu.dma_semaphore, #tpu.memory_space<semaphore_mem>>) {add = true}
          %dma_wait3A_421 = arith.constant 0 : i32
          %dma_wait3A_422 = tpu.memref_slice %arg9[%run_scoped3A_263, %dma_wait3A_421] : memref<16x128xi32, #tpu.memory_space<vmem>> -> memref<1x128xi32, #tpu.memory_space<vmem>>
          %dma_wait3A_423 = tpu.memref_squeeze %dma_wait3A_422 : memref<1x128xi32, #tpu.memory_space<vmem>> -> memref<128xi32, #tpu.memory_space<vmem>>
          %dma_wait3A_424 = arith.constant 0 : i32
          %dma_wait3A_425 = arith.constant 0 : i32
          %dma_wait3A_426 = tpu.memref_slice %arg13[%dma_wait3A_424, %dma_wait3A_425] : memref<10240x128xf32, #tpu.memory_space<vmem_shared>> -> memref<10240x128xf32, #tpu.memory_space<vmem_shared>>
          tpu.wait_indirect_dma semaphore(%run_scoped3A_414 : memref<!tpu.dma_semaphore, #tpu.memory_space<semaphore_mem>>) src(%arg12 : memref<128x128xf32, #tpu.memory_space<vmem>>) dst(%dma_wait3A_426 : memref<10240x128xf32, #tpu.memory_space<vmem_shared>>)
          tpu.yield
        }) : () -> ()
        %dma_wait3A_264 = arith.constant 0 : i32
        %dma_wait3A_265 = arith.constant 0 : i32
        %dma_wait3A_266 = tpu.memref_slice %arg7[%dma_wait3A_264, %dma_wait3A_265] : memref<16x128xi32, #tpu.memory_space<vmem>> -> memref<1x128xi32, #tpu.memory_space<vmem>>
        %dma_wait3A_267 = tpu.memref_squeeze %dma_wait3A_266 : memref<1x128xi32, #tpu.memory_space<vmem>> -> memref<128xi32, #tpu.memory_space<vmem>>
        %dma_wait3A_268 = arith.constant 0 : i32
        %dma_wait3A_269 = arith.constant 0 : i32
        %dma_wait3A_270 = tpu.memref_slice %arg2[%dma_wait3A_268, %dma_wait3A_269] : memref<10000x128xf32, #tpu.memory_space<hbm>> -> memref<10000x128xf32, #tpu.memory_space<hbm>>
        tpu.wait_indirect_dma semaphore(%arg14 : memref<!tpu.dma_semaphore, #tpu.memory_space<semaphore_mem>>) src(%dma_wait3A_270 : memref<10000x128xf32, #tpu.memory_space<hbm>>) dst(%arg11 : memref<128x128xf32, #tpu.memory_space<vmem>>)
        %dma_start3A_271 = arith.constant 7 : i32
        %dma_start3A_272 = arith.constant 0 : i32
        %dma_start3A_273 = tpu.memref_slice %arg7[%dma_start3A_271, %dma_start3A_272] : memref<16x128xi32, #tpu.memory_space<vmem>> -> memref<1x128xi32, #tpu.memory_space<vmem>>
        %dma_start3A_274 = tpu.memref_squeeze %dma_start3A_273 : memref<1x128xi32, #tpu.memory_space<vmem>> -> memref<128xi32, #tpu.memory_space<vmem>>
        %dma_start3A_275 = arith.constant 0 : i32
        %dma_start3A_276 = arith.constant 0 : i32
        %dma_start3A_277 = tpu.memref_slice %arg2[%dma_start3A_275, %dma_start3A_276] : memref<10000x128xf32, #tpu.memory_space<hbm>> -> memref<10000x128xf32, #tpu.memory_space<hbm>>
        tpu.enqueue_indirect_dma source(%dma_start3A_277 : memref<10000x128xf32, #tpu.memory_space<hbm>>) target(%arg12 : memref<128x128xf32, #tpu.memory_space<vmem>>) offsets(%dma_start3A_274 : memref<128xi32, #tpu.memory_space<vmem>>) semaphore(%arg15 : memref<!tpu.dma_semaphore, #tpu.memory_space<semaphore_mem>>)
        %run_scoped3A_278 = arith.constant 6 : i32
        "tpu.region"() ({
          %run_scoped3A_414 = tpu.sem_alloc : memref<!tpu.dma_semaphore, #tpu.memory_space<semaphore_mem>>
          %dma_start3A_415 = arith.constant 0 : i32
          %dma_start3A_416 = tpu.memref_slice %arg9[%run_scoped3A_278, %dma_start3A_415] : memref<16x128xi32, #tpu.memory_space<vmem>> -> memref<1x128xi32, #tpu.memory_space<vmem>>
          %dma_start3A_417 = tpu.memref_squeeze %dma_start3A_416 : memref<1x128xi32, #tpu.memory_space<vmem>> -> memref<128xi32, #tpu.memory_space<vmem>>
          %dma_start3A_418 = arith.constant 0 : i32
          %dma_start3A_419 = arith.constant 0 : i32
          %dma_start3A_420 = tpu.memref_slice %arg13[%dma_start3A_418, %dma_start3A_419] : memref<10240x128xf32, #tpu.memory_space<vmem_shared>> -> memref<10240x128xf32, #tpu.memory_space<vmem_shared>>
          tpu.enqueue_indirect_dma source(%arg11 : memref<128x128xf32, #tpu.memory_space<vmem>>) target(%dma_start3A_420 : memref<10240x128xf32, #tpu.memory_space<vmem_shared>>) offsets(%dma_start3A_417 : memref<128xi32, #tpu.memory_space<vmem>>) semaphore(%run_scoped3A_414 : memref<!tpu.dma_semaphore, #tpu.memory_space<semaphore_mem>>) {add = true}
          %dma_wait3A_421 = arith.constant 0 : i32
          %dma_wait3A_422 = tpu.memref_slice %arg9[%run_scoped3A_278, %dma_wait3A_421] : memref<16x128xi32, #tpu.memory_space<vmem>> -> memref<1x128xi32, #tpu.memory_space<vmem>>
          %dma_wait3A_423 = tpu.memref_squeeze %dma_wait3A_422 : memref<1x128xi32, #tpu.memory_space<vmem>> -> memref<128xi32, #tpu.memory_space<vmem>>
          %dma_wait3A_424 = arith.constant 0 : i32
          %dma_wait3A_425 = arith.constant 0 : i32
          %dma_wait3A_426 = tpu.memref_slice %arg13[%dma_wait3A_424, %dma_wait3A_425] : memref<10240x128xf32, #tpu.memory_space<vmem_shared>> -> memref<10240x128xf32, #tpu.memory_space<vmem_shared>>
          tpu.wait_indirect_dma semaphore(%run_scoped3A_414 : memref<!tpu.dma_semaphore, #tpu.memory_space<semaphore_mem>>) src(%arg11 : memref<128x128xf32, #tpu.memory_space<vmem>>) dst(%dma_wait3A_426 : memref<10240x128xf32, #tpu.memory_space<vmem_shared>>)
          tpu.yield
        }) : () -> ()
        %dma_wait3A_279 = arith.constant 0 : i32
        %dma_wait3A_280 = arith.constant 0 : i32
        %dma_wait3A_281 = tpu.memref_slice %arg7[%dma_wait3A_279, %dma_wait3A_280] : memref<16x128xi32, #tpu.memory_space<vmem>> -> memref<1x128xi32, #tpu.memory_space<vmem>>
        %dma_wait3A_282 = tpu.memref_squeeze %dma_wait3A_281 : memref<1x128xi32, #tpu.memory_space<vmem>> -> memref<128xi32, #tpu.memory_space<vmem>>
        %dma_wait3A_283 = arith.constant 0 : i32
        %dma_wait3A_284 = arith.constant 0 : i32
        %dma_wait3A_285 = tpu.memref_slice %arg2[%dma_wait3A_283, %dma_wait3A_284] : memref<10000x128xf32, #tpu.memory_space<hbm>> -> memref<10000x128xf32, #tpu.memory_space<hbm>>
        tpu.wait_indirect_dma semaphore(%arg15 : memref<!tpu.dma_semaphore, #tpu.memory_space<semaphore_mem>>) src(%dma_wait3A_285 : memref<10000x128xf32, #tpu.memory_space<hbm>>) dst(%arg12 : memref<128x128xf32, #tpu.memory_space<vmem>>)
        %dma_start3A_286 = arith.constant 8 : i32
        %dma_start3A_287 = arith.constant 0 : i32
        %dma_start3A_288 = tpu.memref_slice %arg7[%dma_start3A_286, %dma_start3A_287] : memref<16x128xi32, #tpu.memory_space<vmem>> -> memref<1x128xi32, #tpu.memory_space<vmem>>
        %dma_start3A_289 = tpu.memref_squeeze %dma_start3A_288 : memref<1x128xi32, #tpu.memory_space<vmem>> -> memref<128xi32, #tpu.memory_space<vmem>>
        %dma_start3A_290 = arith.constant 0 : i32
        %dma_start3A_291 = arith.constant 0 : i32
        %dma_start3A_292 = tpu.memref_slice %arg2[%dma_start3A_290, %dma_start3A_291] : memref<10000x128xf32, #tpu.memory_space<hbm>> -> memref<10000x128xf32, #tpu.memory_space<hbm>>
        tpu.enqueue_indirect_dma source(%dma_start3A_292 : memref<10000x128xf32, #tpu.memory_space<hbm>>) target(%arg11 : memref<128x128xf32, #tpu.memory_space<vmem>>) offsets(%dma_start3A_289 : memref<128xi32, #tpu.memory_space<vmem>>) semaphore(%arg14 : memref<!tpu.dma_semaphore, #tpu.memory_space<semaphore_mem>>)
        %run_scoped3A_293 = arith.constant 7 : i32
        "tpu.region"() ({
          %run_scoped3A_414 = tpu.sem_alloc : memref<!tpu.dma_semaphore, #tpu.memory_space<semaphore_mem>>
          %dma_start3A_415 = arith.constant 0 : i32
          %dma_start3A_416 = tpu.memref_slice %arg9[%run_scoped3A_293, %dma_start3A_415] : memref<16x128xi32, #tpu.memory_space<vmem>> -> memref<1x128xi32, #tpu.memory_space<vmem>>
          %dma_start3A_417 = tpu.memref_squeeze %dma_start3A_416 : memref<1x128xi32, #tpu.memory_space<vmem>> -> memref<128xi32, #tpu.memory_space<vmem>>
          %dma_start3A_418 = arith.constant 0 : i32
          %dma_start3A_419 = arith.constant 0 : i32
          %dma_start3A_420 = tpu.memref_slice %arg13[%dma_start3A_418, %dma_start3A_419] : memref<10240x128xf32, #tpu.memory_space<vmem_shared>> -> memref<10240x128xf32, #tpu.memory_space<vmem_shared>>
          tpu.enqueue_indirect_dma source(%arg12 : memref<128x128xf32, #tpu.memory_space<vmem>>) target(%dma_start3A_420 : memref<10240x128xf32, #tpu.memory_space<vmem_shared>>) offsets(%dma_start3A_417 : memref<128xi32, #tpu.memory_space<vmem>>) semaphore(%run_scoped3A_414 : memref<!tpu.dma_semaphore, #tpu.memory_space<semaphore_mem>>) {add = true}
          %dma_wait3A_421 = arith.constant 0 : i32
          %dma_wait3A_422 = tpu.memref_slice %arg9[%run_scoped3A_293, %dma_wait3A_421] : memref<16x128xi32, #tpu.memory_space<vmem>> -> memref<1x128xi32, #tpu.memory_space<vmem>>
          %dma_wait3A_423 = tpu.memref_squeeze %dma_wait3A_422 : memref<1x128xi32, #tpu.memory_space<vmem>> -> memref<128xi32, #tpu.memory_space<vmem>>
          %dma_wait3A_424 = arith.constant 0 : i32
          %dma_wait3A_425 = arith.constant 0 : i32
          %dma_wait3A_426 = tpu.memref_slice %arg13[%dma_wait3A_424, %dma_wait3A_425] : memref<10240x128xf32, #tpu.memory_space<vmem_shared>> -> memref<10240x128xf32, #tpu.memory_space<vmem_shared>>
          tpu.wait_indirect_dma semaphore(%run_scoped3A_414 : memref<!tpu.dma_semaphore, #tpu.memory_space<semaphore_mem>>) src(%arg12 : memref<128x128xf32, #tpu.memory_space<vmem>>) dst(%dma_wait3A_426 : memref<10240x128xf32, #tpu.memory_space<vmem_shared>>)
          tpu.yield
        }) : () -> ()
        %dma_wait3A_294 = arith.constant 0 : i32
        %dma_wait3A_295 = arith.constant 0 : i32
        %dma_wait3A_296 = tpu.memref_slice %arg7[%dma_wait3A_294, %dma_wait3A_295] : memref<16x128xi32, #tpu.memory_space<vmem>> -> memref<1x128xi32, #tpu.memory_space<vmem>>
        %dma_wait3A_297 = tpu.memref_squeeze %dma_wait3A_296 : memref<1x128xi32, #tpu.memory_space<vmem>> -> memref<128xi32, #tpu.memory_space<vmem>>
        %dma_wait3A_298 = arith.constant 0 : i32
        %dma_wait3A_299 = arith.constant 0 : i32
        %dma_wait3A_300 = tpu.memref_slice %arg2[%dma_wait3A_298, %dma_wait3A_299] : memref<10000x128xf32, #tpu.memory_space<hbm>> -> memref<10000x128xf32, #tpu.memory_space<hbm>>
        tpu.wait_indirect_dma semaphore(%arg14 : memref<!tpu.dma_semaphore, #tpu.memory_space<semaphore_mem>>) src(%dma_wait3A_300 : memref<10000x128xf32, #tpu.memory_space<hbm>>) dst(%arg11 : memref<128x128xf32, #tpu.memory_space<vmem>>)
        %dma_start3A_301 = arith.constant 9 : i32
        %dma_start3A_302 = arith.constant 0 : i32
        %dma_start3A_303 = tpu.memref_slice %arg7[%dma_start3A_301, %dma_start3A_302] : memref<16x128xi32, #tpu.memory_space<vmem>> -> memref<1x128xi32, #tpu.memory_space<vmem>>
        %dma_start3A_304 = tpu.memref_squeeze %dma_start3A_303 : memref<1x128xi32, #tpu.memory_space<vmem>> -> memref<128xi32, #tpu.memory_space<vmem>>
        %dma_start3A_305 = arith.constant 0 : i32
        %dma_start3A_306 = arith.constant 0 : i32
        %dma_start3A_307 = tpu.memref_slice %arg2[%dma_start3A_305, %dma_start3A_306] : memref<10000x128xf32, #tpu.memory_space<hbm>> -> memref<10000x128xf32, #tpu.memory_space<hbm>>
        tpu.enqueue_indirect_dma source(%dma_start3A_307 : memref<10000x128xf32, #tpu.memory_space<hbm>>) target(%arg12 : memref<128x128xf32, #tpu.memory_space<vmem>>) offsets(%dma_start3A_304 : memref<128xi32, #tpu.memory_space<vmem>>) semaphore(%arg15 : memref<!tpu.dma_semaphore, #tpu.memory_space<semaphore_mem>>)
        %run_scoped3A_308 = arith.constant 8 : i32
        "tpu.region"() ({
          %run_scoped3A_414 = tpu.sem_alloc : memref<!tpu.dma_semaphore, #tpu.memory_space<semaphore_mem>>
          %dma_start3A_415 = arith.constant 0 : i32
          %dma_start3A_416 = tpu.memref_slice %arg9[%run_scoped3A_308, %dma_start3A_415] : memref<16x128xi32, #tpu.memory_space<vmem>> -> memref<1x128xi32, #tpu.memory_space<vmem>>
          %dma_start3A_417 = tpu.memref_squeeze %dma_start3A_416 : memref<1x128xi32, #tpu.memory_space<vmem>> -> memref<128xi32, #tpu.memory_space<vmem>>
          %dma_start3A_418 = arith.constant 0 : i32
          %dma_start3A_419 = arith.constant 0 : i32
          %dma_start3A_420 = tpu.memref_slice %arg13[%dma_start3A_418, %dma_start3A_419] : memref<10240x128xf32, #tpu.memory_space<vmem_shared>> -> memref<10240x128xf32, #tpu.memory_space<vmem_shared>>
          tpu.enqueue_indirect_dma source(%arg11 : memref<128x128xf32, #tpu.memory_space<vmem>>) target(%dma_start3A_420 : memref<10240x128xf32, #tpu.memory_space<vmem_shared>>) offsets(%dma_start3A_417 : memref<128xi32, #tpu.memory_space<vmem>>) semaphore(%run_scoped3A_414 : memref<!tpu.dma_semaphore, #tpu.memory_space<semaphore_mem>>) {add = true}
          %dma_wait3A_421 = arith.constant 0 : i32
          %dma_wait3A_422 = tpu.memref_slice %arg9[%run_scoped3A_308, %dma_wait3A_421] : memref<16x128xi32, #tpu.memory_space<vmem>> -> memref<1x128xi32, #tpu.memory_space<vmem>>
          %dma_wait3A_423 = tpu.memref_squeeze %dma_wait3A_422 : memref<1x128xi32, #tpu.memory_space<vmem>> -> memref<128xi32, #tpu.memory_space<vmem>>
          %dma_wait3A_424 = arith.constant 0 : i32
          %dma_wait3A_425 = arith.constant 0 : i32
          %dma_wait3A_426 = tpu.memref_slice %arg13[%dma_wait3A_424, %dma_wait3A_425] : memref<10240x128xf32, #tpu.memory_space<vmem_shared>> -> memref<10240x128xf32, #tpu.memory_space<vmem_shared>>
          tpu.wait_indirect_dma semaphore(%run_scoped3A_414 : memref<!tpu.dma_semaphore, #tpu.memory_space<semaphore_mem>>) src(%arg11 : memref<128x128xf32, #tpu.memory_space<vmem>>) dst(%dma_wait3A_426 : memref<10240x128xf32, #tpu.memory_space<vmem_shared>>)
          tpu.yield
        }) : () -> ()
        %dma_wait3A_309 = arith.constant 0 : i32
        %dma_wait3A_310 = arith.constant 0 : i32
        %dma_wait3A_311 = tpu.memref_slice %arg7[%dma_wait3A_309, %dma_wait3A_310] : memref<16x128xi32, #tpu.memory_space<vmem>> -> memref<1x128xi32, #tpu.memory_space<vmem>>
        %dma_wait3A_312 = tpu.memref_squeeze %dma_wait3A_311 : memref<1x128xi32, #tpu.memory_space<vmem>> -> memref<128xi32, #tpu.memory_space<vmem>>
        %dma_wait3A_313 = arith.constant 0 : i32
        %dma_wait3A_314 = arith.constant 0 : i32
        %dma_wait3A_315 = tpu.memref_slice %arg2[%dma_wait3A_313, %dma_wait3A_314] : memref<10000x128xf32, #tpu.memory_space<hbm>> -> memref<10000x128xf32, #tpu.memory_space<hbm>>
        tpu.wait_indirect_dma semaphore(%arg15 : memref<!tpu.dma_semaphore, #tpu.memory_space<semaphore_mem>>) src(%dma_wait3A_315 : memref<10000x128xf32, #tpu.memory_space<hbm>>) dst(%arg12 : memref<128x128xf32, #tpu.memory_space<vmem>>)
        %dma_start3A_316 = arith.constant 10 : i32
        %dma_start3A_317 = arith.constant 0 : i32
        %dma_start3A_318 = tpu.memref_slice %arg7[%dma_start3A_316, %dma_start3A_317] : memref<16x128xi32, #tpu.memory_space<vmem>> -> memref<1x128xi32, #tpu.memory_space<vmem>>
        %dma_start3A_319 = tpu.memref_squeeze %dma_start3A_318 : memref<1x128xi32, #tpu.memory_space<vmem>> -> memref<128xi32, #tpu.memory_space<vmem>>
        %dma_start3A_320 = arith.constant 0 : i32
        %dma_start3A_321 = arith.constant 0 : i32
        %dma_start3A_322 = tpu.memref_slice %arg2[%dma_start3A_320, %dma_start3A_321] : memref<10000x128xf32, #tpu.memory_space<hbm>> -> memref<10000x128xf32, #tpu.memory_space<hbm>>
        tpu.enqueue_indirect_dma source(%dma_start3A_322 : memref<10000x128xf32, #tpu.memory_space<hbm>>) target(%arg11 : memref<128x128xf32, #tpu.memory_space<vmem>>) offsets(%dma_start3A_319 : memref<128xi32, #tpu.memory_space<vmem>>) semaphore(%arg14 : memref<!tpu.dma_semaphore, #tpu.memory_space<semaphore_mem>>)
        %run_scoped3A_323 = arith.constant 9 : i32
        "tpu.region"() ({
          %run_scoped3A_414 = tpu.sem_alloc : memref<!tpu.dma_semaphore, #tpu.memory_space<semaphore_mem>>
          %dma_start3A_415 = arith.constant 0 : i32
          %dma_start3A_416 = tpu.memref_slice %arg9[%run_scoped3A_323, %dma_start3A_415] : memref<16x128xi32, #tpu.memory_space<vmem>> -> memref<1x128xi32, #tpu.memory_space<vmem>>
          %dma_start3A_417 = tpu.memref_squeeze %dma_start3A_416 : memref<1x128xi32, #tpu.memory_space<vmem>> -> memref<128xi32, #tpu.memory_space<vmem>>
          %dma_start3A_418 = arith.constant 0 : i32
          %dma_start3A_419 = arith.constant 0 : i32
          %dma_start3A_420 = tpu.memref_slice %arg13[%dma_start3A_418, %dma_start3A_419] : memref<10240x128xf32, #tpu.memory_space<vmem_shared>> -> memref<10240x128xf32, #tpu.memory_space<vmem_shared>>
          tpu.enqueue_indirect_dma source(%arg12 : memref<128x128xf32, #tpu.memory_space<vmem>>) target(%dma_start3A_420 : memref<10240x128xf32, #tpu.memory_space<vmem_shared>>) offsets(%dma_start3A_417 : memref<128xi32, #tpu.memory_space<vmem>>) semaphore(%run_scoped3A_414 : memref<!tpu.dma_semaphore, #tpu.memory_space<semaphore_mem>>) {add = true}
          %dma_wait3A_421 = arith.constant 0 : i32
          %dma_wait3A_422 = tpu.memref_slice %arg9[%run_scoped3A_323, %dma_wait3A_421] : memref<16x128xi32, #tpu.memory_space<vmem>> -> memref<1x128xi32, #tpu.memory_space<vmem>>
          %dma_wait3A_423 = tpu.memref_squeeze %dma_wait3A_422 : memref<1x128xi32, #tpu.memory_space<vmem>> -> memref<128xi32, #tpu.memory_space<vmem>>
          %dma_wait3A_424 = arith.constant 0 : i32
          %dma_wait3A_425 = arith.constant 0 : i32
          %dma_wait3A_426 = tpu.memref_slice %arg13[%dma_wait3A_424, %dma_wait3A_425] : memref<10240x128xf32, #tpu.memory_space<vmem_shared>> -> memref<10240x128xf32, #tpu.memory_space<vmem_shared>>
          tpu.wait_indirect_dma semaphore(%run_scoped3A_414 : memref<!tpu.dma_semaphore, #tpu.memory_space<semaphore_mem>>) src(%arg12 : memref<128x128xf32, #tpu.memory_space<vmem>>) dst(%dma_wait3A_426 : memref<10240x128xf32, #tpu.memory_space<vmem_shared>>)
          tpu.yield
        }) : () -> ()
        %dma_wait3A_324 = arith.constant 0 : i32
        %dma_wait3A_325 = arith.constant 0 : i32
        %dma_wait3A_326 = tpu.memref_slice %arg7[%dma_wait3A_324, %dma_wait3A_325] : memref<16x128xi32, #tpu.memory_space<vmem>> -> memref<1x128xi32, #tpu.memory_space<vmem>>
        %dma_wait3A_327 = tpu.memref_squeeze %dma_wait3A_326 : memref<1x128xi32, #tpu.memory_space<vmem>> -> memref<128xi32, #tpu.memory_space<vmem>>
        %dma_wait3A_328 = arith.constant 0 : i32
        %dma_wait3A_329 = arith.constant 0 : i32
        %dma_wait3A_330 = tpu.memref_slice %arg2[%dma_wait3A_328, %dma_wait3A_329] : memref<10000x128xf32, #tpu.memory_space<hbm>> -> memref<10000x128xf32, #tpu.memory_space<hbm>>
        tpu.wait_indirect_dma semaphore(%arg14 : memref<!tpu.dma_semaphore, #tpu.memory_space<semaphore_mem>>) src(%dma_wait3A_330 : memref<10000x128xf32, #tpu.memory_space<hbm>>) dst(%arg11 : memref<128x128xf32, #tpu.memory_space<vmem>>)
        %dma_start3A_331 = arith.constant 11 : i32
        %dma_start3A_332 = arith.constant 0 : i32
        %dma_start3A_333 = tpu.memref_slice %arg7[%dma_start3A_331, %dma_start3A_332] : memref<16x128xi32, #tpu.memory_space<vmem>> -> memref<1x128xi32, #tpu.memory_space<vmem>>
        %dma_start3A_334 = tpu.memref_squeeze %dma_start3A_333 : memref<1x128xi32, #tpu.memory_space<vmem>> -> memref<128xi32, #tpu.memory_space<vmem>>
        %dma_start3A_335 = arith.constant 0 : i32
        %dma_start3A_336 = arith.constant 0 : i32
        %dma_start3A_337 = tpu.memref_slice %arg2[%dma_start3A_335, %dma_start3A_336] : memref<10000x128xf32, #tpu.memory_space<hbm>> -> memref<10000x128xf32, #tpu.memory_space<hbm>>
        tpu.enqueue_indirect_dma source(%dma_start3A_337 : memref<10000x128xf32, #tpu.memory_space<hbm>>) target(%arg12 : memref<128x128xf32, #tpu.memory_space<vmem>>) offsets(%dma_start3A_334 : memref<128xi32, #tpu.memory_space<vmem>>) semaphore(%arg15 : memref<!tpu.dma_semaphore, #tpu.memory_space<semaphore_mem>>)
        %run_scoped3A_338 = arith.constant 10 : i32
        "tpu.region"() ({
          %run_scoped3A_414 = tpu.sem_alloc : memref<!tpu.dma_semaphore, #tpu.memory_space<semaphore_mem>>
          %dma_start3A_415 = arith.constant 0 : i32
          %dma_start3A_416 = tpu.memref_slice %arg9[%run_scoped3A_338, %dma_start3A_415] : memref<16x128xi32, #tpu.memory_space<vmem>> -> memref<1x128xi32, #tpu.memory_space<vmem>>
          %dma_start3A_417 = tpu.memref_squeeze %dma_start3A_416 : memref<1x128xi32, #tpu.memory_space<vmem>> -> memref<128xi32, #tpu.memory_space<vmem>>
          %dma_start3A_418 = arith.constant 0 : i32
          %dma_start3A_419 = arith.constant 0 : i32
          %dma_start3A_420 = tpu.memref_slice %arg13[%dma_start3A_418, %dma_start3A_419] : memref<10240x128xf32, #tpu.memory_space<vmem_shared>> -> memref<10240x128xf32, #tpu.memory_space<vmem_shared>>
          tpu.enqueue_indirect_dma source(%arg11 : memref<128x128xf32, #tpu.memory_space<vmem>>) target(%dma_start3A_420 : memref<10240x128xf32, #tpu.memory_space<vmem_shared>>) offsets(%dma_start3A_417 : memref<128xi32, #tpu.memory_space<vmem>>) semaphore(%run_scoped3A_414 : memref<!tpu.dma_semaphore, #tpu.memory_space<semaphore_mem>>) {add = true}
          %dma_wait3A_421 = arith.constant 0 : i32
          %dma_wait3A_422 = tpu.memref_slice %arg9[%run_scoped3A_338, %dma_wait3A_421] : memref<16x128xi32, #tpu.memory_space<vmem>> -> memref<1x128xi32, #tpu.memory_space<vmem>>
          %dma_wait3A_423 = tpu.memref_squeeze %dma_wait3A_422 : memref<1x128xi32, #tpu.memory_space<vmem>> -> memref<128xi32, #tpu.memory_space<vmem>>
          %dma_wait3A_424 = arith.constant 0 : i32
          %dma_wait3A_425 = arith.constant 0 : i32
          %dma_wait3A_426 = tpu.memref_slice %arg13[%dma_wait3A_424, %dma_wait3A_425] : memref<10240x128xf32, #tpu.memory_space<vmem_shared>> -> memref<10240x128xf32, #tpu.memory_space<vmem_shared>>
          tpu.wait_indirect_dma semaphore(%run_scoped3A_414 : memref<!tpu.dma_semaphore, #tpu.memory_space<semaphore_mem>>) src(%arg11 : memref<128x128xf32, #tpu.memory_space<vmem>>) dst(%dma_wait3A_426 : memref<10240x128xf32, #tpu.memory_space<vmem_shared>>)
          tpu.yield
        }) : () -> ()
        %dma_wait3A_339 = arith.constant 0 : i32
        %dma_wait3A_340 = arith.constant 0 : i32
        %dma_wait3A_341 = tpu.memref_slice %arg7[%dma_wait3A_339, %dma_wait3A_340] : memref<16x128xi32, #tpu.memory_space<vmem>> -> memref<1x128xi32, #tpu.memory_space<vmem>>
        %dma_wait3A_342 = tpu.memref_squeeze %dma_wait3A_341 : memref<1x128xi32, #tpu.memory_space<vmem>> -> memref<128xi32, #tpu.memory_space<vmem>>
        %dma_wait3A_343 = arith.constant 0 : i32
        %dma_wait3A_344 = arith.constant 0 : i32
        %dma_wait3A_345 = tpu.memref_slice %arg2[%dma_wait3A_343, %dma_wait3A_344] : memref<10000x128xf32, #tpu.memory_space<hbm>> -> memref<10000x128xf32, #tpu.memory_space<hbm>>
        tpu.wait_indirect_dma semaphore(%arg15 : memref<!tpu.dma_semaphore, #tpu.memory_space<semaphore_mem>>) src(%dma_wait3A_345 : memref<10000x128xf32, #tpu.memory_space<hbm>>) dst(%arg12 : memref<128x128xf32, #tpu.memory_space<vmem>>)
        %dma_start3A_346 = arith.constant 12 : i32
        %dma_start3A_347 = arith.constant 0 : i32
        %dma_start3A_348 = tpu.memref_slice %arg7[%dma_start3A_346, %dma_start3A_347] : memref<16x128xi32, #tpu.memory_space<vmem>> -> memref<1x128xi32, #tpu.memory_space<vmem>>
        %dma_start3A_349 = tpu.memref_squeeze %dma_start3A_348 : memref<1x128xi32, #tpu.memory_space<vmem>> -> memref<128xi32, #tpu.memory_space<vmem>>
        %dma_start3A_350 = arith.constant 0 : i32
        %dma_start3A_351 = arith.constant 0 : i32
        %dma_start3A_352 = tpu.memref_slice %arg2[%dma_start3A_350, %dma_start3A_351] : memref<10000x128xf32, #tpu.memory_space<hbm>> -> memref<10000x128xf32, #tpu.memory_space<hbm>>
        tpu.enqueue_indirect_dma source(%dma_start3A_352 : memref<10000x128xf32, #tpu.memory_space<hbm>>) target(%arg11 : memref<128x128xf32, #tpu.memory_space<vmem>>) offsets(%dma_start3A_349 : memref<128xi32, #tpu.memory_space<vmem>>) semaphore(%arg14 : memref<!tpu.dma_semaphore, #tpu.memory_space<semaphore_mem>>)
        %run_scoped3A_353 = arith.constant 11 : i32
        "tpu.region"() ({
          %run_scoped3A_414 = tpu.sem_alloc : memref<!tpu.dma_semaphore, #tpu.memory_space<semaphore_mem>>
          %dma_start3A_415 = arith.constant 0 : i32
          %dma_start3A_416 = tpu.memref_slice %arg9[%run_scoped3A_353, %dma_start3A_415] : memref<16x128xi32, #tpu.memory_space<vmem>> -> memref<1x128xi32, #tpu.memory_space<vmem>>
          %dma_start3A_417 = tpu.memref_squeeze %dma_start3A_416 : memref<1x128xi32, #tpu.memory_space<vmem>> -> memref<128xi32, #tpu.memory_space<vmem>>
          %dma_start3A_418 = arith.constant 0 : i32
          %dma_start3A_419 = arith.constant 0 : i32
          %dma_start3A_420 = tpu.memref_slice %arg13[%dma_start3A_418, %dma_start3A_419] : memref<10240x128xf32, #tpu.memory_space<vmem_shared>> -> memref<10240x128xf32, #tpu.memory_space<vmem_shared>>
          tpu.enqueue_indirect_dma source(%arg12 : memref<128x128xf32, #tpu.memory_space<vmem>>) target(%dma_start3A_420 : memref<10240x128xf32, #tpu.memory_space<vmem_shared>>) offsets(%dma_start3A_417 : memref<128xi32, #tpu.memory_space<vmem>>) semaphore(%run_scoped3A_414 : memref<!tpu.dma_semaphore, #tpu.memory_space<semaphore_mem>>) {add = true}
          %dma_wait3A_421 = arith.constant 0 : i32
          %dma_wait3A_422 = tpu.memref_slice %arg9[%run_scoped3A_353, %dma_wait3A_421] : memref<16x128xi32, #tpu.memory_space<vmem>> -> memref<1x128xi32, #tpu.memory_space<vmem>>
          %dma_wait3A_423 = tpu.memref_squeeze %dma_wait3A_422 : memref<1x128xi32, #tpu.memory_space<vmem>> -> memref<128xi32, #tpu.memory_space<vmem>>
          %dma_wait3A_424 = arith.constant 0 : i32
          %dma_wait3A_425 = arith.constant 0 : i32
          %dma_wait3A_426 = tpu.memref_slice %arg13[%dma_wait3A_424, %dma_wait3A_425] : memref<10240x128xf32, #tpu.memory_space<vmem_shared>> -> memref<10240x128xf32, #tpu.memory_space<vmem_shared>>
          tpu.wait_indirect_dma semaphore(%run_scoped3A_414 : memref<!tpu.dma_semaphore, #tpu.memory_space<semaphore_mem>>) src(%arg12 : memref<128x128xf32, #tpu.memory_space<vmem>>) dst(%dma_wait3A_426 : memref<10240x128xf32, #tpu.memory_space<vmem_shared>>)
          tpu.yield
        }) : () -> ()
        %dma_wait3A_354 = arith.constant 0 : i32
        %dma_wait3A_355 = arith.constant 0 : i32
        %dma_wait3A_356 = tpu.memref_slice %arg7[%dma_wait3A_354, %dma_wait3A_355] : memref<16x128xi32, #tpu.memory_space<vmem>> -> memref<1x128xi32, #tpu.memory_space<vmem>>
        %dma_wait3A_357 = tpu.memref_squeeze %dma_wait3A_356 : memref<1x128xi32, #tpu.memory_space<vmem>> -> memref<128xi32, #tpu.memory_space<vmem>>
        %dma_wait3A_358 = arith.constant 0 : i32
        %dma_wait3A_359 = arith.constant 0 : i32
        %dma_wait3A_360 = tpu.memref_slice %arg2[%dma_wait3A_358, %dma_wait3A_359] : memref<10000x128xf32, #tpu.memory_space<hbm>> -> memref<10000x128xf32, #tpu.memory_space<hbm>>
        tpu.wait_indirect_dma semaphore(%arg14 : memref<!tpu.dma_semaphore, #tpu.memory_space<semaphore_mem>>) src(%dma_wait3A_360 : memref<10000x128xf32, #tpu.memory_space<hbm>>) dst(%arg11 : memref<128x128xf32, #tpu.memory_space<vmem>>)
        %dma_start3A_361 = arith.constant 13 : i32
        %dma_start3A_362 = arith.constant 0 : i32
        %dma_start3A_363 = tpu.memref_slice %arg7[%dma_start3A_361, %dma_start3A_362] : memref<16x128xi32, #tpu.memory_space<vmem>> -> memref<1x128xi32, #tpu.memory_space<vmem>>
        %dma_start3A_364 = tpu.memref_squeeze %dma_start3A_363 : memref<1x128xi32, #tpu.memory_space<vmem>> -> memref<128xi32, #tpu.memory_space<vmem>>
        %dma_start3A_365 = arith.constant 0 : i32
        %dma_start3A_366 = arith.constant 0 : i32
        %dma_start3A_367 = tpu.memref_slice %arg2[%dma_start3A_365, %dma_start3A_366] : memref<10000x128xf32, #tpu.memory_space<hbm>> -> memref<10000x128xf32, #tpu.memory_space<hbm>>
        tpu.enqueue_indirect_dma source(%dma_start3A_367 : memref<10000x128xf32, #tpu.memory_space<hbm>>) target(%arg12 : memref<128x128xf32, #tpu.memory_space<vmem>>) offsets(%dma_start3A_364 : memref<128xi32, #tpu.memory_space<vmem>>) semaphore(%arg15 : memref<!tpu.dma_semaphore, #tpu.memory_space<semaphore_mem>>)
        %run_scoped3A_368 = arith.constant 12 : i32
        "tpu.region"() ({
          %run_scoped3A_414 = tpu.sem_alloc : memref<!tpu.dma_semaphore, #tpu.memory_space<semaphore_mem>>
          %dma_start3A_415 = arith.constant 0 : i32
          %dma_start3A_416 = tpu.memref_slice %arg9[%run_scoped3A_368, %dma_start3A_415] : memref<16x128xi32, #tpu.memory_space<vmem>> -> memref<1x128xi32, #tpu.memory_space<vmem>>
          %dma_start3A_417 = tpu.memref_squeeze %dma_start3A_416 : memref<1x128xi32, #tpu.memory_space<vmem>> -> memref<128xi32, #tpu.memory_space<vmem>>
          %dma_start3A_418 = arith.constant 0 : i32
          %dma_start3A_419 = arith.constant 0 : i32
          %dma_start3A_420 = tpu.memref_slice %arg13[%dma_start3A_418, %dma_start3A_419] : memref<10240x128xf32, #tpu.memory_space<vmem_shared>> -> memref<10240x128xf32, #tpu.memory_space<vmem_shared>>
          tpu.enqueue_indirect_dma source(%arg11 : memref<128x128xf32, #tpu.memory_space<vmem>>) target(%dma_start3A_420 : memref<10240x128xf32, #tpu.memory_space<vmem_shared>>) offsets(%dma_start3A_417 : memref<128xi32, #tpu.memory_space<vmem>>) semaphore(%run_scoped3A_414 : memref<!tpu.dma_semaphore, #tpu.memory_space<semaphore_mem>>) {add = true}
          %dma_wait3A_421 = arith.constant 0 : i32
          %dma_wait3A_422 = tpu.memref_slice %arg9[%run_scoped3A_368, %dma_wait3A_421] : memref<16x128xi32, #tpu.memory_space<vmem>> -> memref<1x128xi32, #tpu.memory_space<vmem>>
          %dma_wait3A_423 = tpu.memref_squeeze %dma_wait3A_422 : memref<1x128xi32, #tpu.memory_space<vmem>> -> memref<128xi32, #tpu.memory_space<vmem>>
          %dma_wait3A_424 = arith.constant 0 : i32
          %dma_wait3A_425 = arith.constant 0 : i32
          %dma_wait3A_426 = tpu.memref_slice %arg13[%dma_wait3A_424, %dma_wait3A_425] : memref<10240x128xf32, #tpu.memory_space<vmem_shared>> -> memref<10240x128xf32, #tpu.memory_space<vmem_shared>>
          tpu.wait_indirect_dma semaphore(%run_scoped3A_414 : memref<!tpu.dma_semaphore, #tpu.memory_space<semaphore_mem>>) src(%arg11 : memref<128x128xf32, #tpu.memory_space<vmem>>) dst(%dma_wait3A_426 : memref<10240x128xf32, #tpu.memory_space<vmem_shared>>)
          tpu.yield
        }) : () -> ()
        %dma_wait3A_369 = arith.constant 0 : i32
        %dma_wait3A_370 = arith.constant 0 : i32
        %dma_wait3A_371 = tpu.memref_slice %arg7[%dma_wait3A_369, %dma_wait3A_370] : memref<16x128xi32, #tpu.memory_space<vmem>> -> memref<1x128xi32, #tpu.memory_space<vmem>>
        %dma_wait3A_372 = tpu.memref_squeeze %dma_wait3A_371 : memref<1x128xi32, #tpu.memory_space<vmem>> -> memref<128xi32, #tpu.memory_space<vmem>>
        %dma_wait3A_373 = arith.constant 0 : i32
        %dma_wait3A_374 = arith.constant 0 : i32
        %dma_wait3A_375 = tpu.memref_slice %arg2[%dma_wait3A_373, %dma_wait3A_374] : memref<10000x128xf32, #tpu.memory_space<hbm>> -> memref<10000x128xf32, #tpu.memory_space<hbm>>
        tpu.wait_indirect_dma semaphore(%arg15 : memref<!tpu.dma_semaphore, #tpu.memory_space<semaphore_mem>>) src(%dma_wait3A_375 : memref<10000x128xf32, #tpu.memory_space<hbm>>) dst(%arg12 : memref<128x128xf32, #tpu.memory_space<vmem>>)
        %dma_start3A_376 = arith.constant 14 : i32
        %dma_start3A_377 = arith.constant 0 : i32
        %dma_start3A_378 = tpu.memref_slice %arg7[%dma_start3A_376, %dma_start3A_377] : memref<16x128xi32, #tpu.memory_space<vmem>> -> memref<1x128xi32, #tpu.memory_space<vmem>>
        %dma_start3A_379 = tpu.memref_squeeze %dma_start3A_378 : memref<1x128xi32, #tpu.memory_space<vmem>> -> memref<128xi32, #tpu.memory_space<vmem>>
        %dma_start3A_380 = arith.constant 0 : i32
        %dma_start3A_381 = arith.constant 0 : i32
        %dma_start3A_382 = tpu.memref_slice %arg2[%dma_start3A_380, %dma_start3A_381] : memref<10000x128xf32, #tpu.memory_space<hbm>> -> memref<10000x128xf32, #tpu.memory_space<hbm>>
        tpu.enqueue_indirect_dma source(%dma_start3A_382 : memref<10000x128xf32, #tpu.memory_space<hbm>>) target(%arg11 : memref<128x128xf32, #tpu.memory_space<vmem>>) offsets(%dma_start3A_379 : memref<128xi32, #tpu.memory_space<vmem>>) semaphore(%arg14 : memref<!tpu.dma_semaphore, #tpu.memory_space<semaphore_mem>>)
        %run_scoped3A_383 = arith.constant 13 : i32
        "tpu.region"() ({
          %run_scoped3A_414 = tpu.sem_alloc : memref<!tpu.dma_semaphore, #tpu.memory_space<semaphore_mem>>
          %dma_start3A_415 = arith.constant 0 : i32
          %dma_start3A_416 = tpu.memref_slice %arg9[%run_scoped3A_383, %dma_start3A_415] : memref<16x128xi32, #tpu.memory_space<vmem>> -> memref<1x128xi32, #tpu.memory_space<vmem>>
          %dma_start3A_417 = tpu.memref_squeeze %dma_start3A_416 : memref<1x128xi32, #tpu.memory_space<vmem>> -> memref<128xi32, #tpu.memory_space<vmem>>
          %dma_start3A_418 = arith.constant 0 : i32
          %dma_start3A_419 = arith.constant 0 : i32
          %dma_start3A_420 = tpu.memref_slice %arg13[%dma_start3A_418, %dma_start3A_419] : memref<10240x128xf32, #tpu.memory_space<vmem_shared>> -> memref<10240x128xf32, #tpu.memory_space<vmem_shared>>
          tpu.enqueue_indirect_dma source(%arg12 : memref<128x128xf32, #tpu.memory_space<vmem>>) target(%dma_start3A_420 : memref<10240x128xf32, #tpu.memory_space<vmem_shared>>) offsets(%dma_start3A_417 : memref<128xi32, #tpu.memory_space<vmem>>) semaphore(%run_scoped3A_414 : memref<!tpu.dma_semaphore, #tpu.memory_space<semaphore_mem>>) {add = true}
          %dma_wait3A_421 = arith.constant 0 : i32
          %dma_wait3A_422 = tpu.memref_slice %arg9[%run_scoped3A_383, %dma_wait3A_421] : memref<16x128xi32, #tpu.memory_space<vmem>> -> memref<1x128xi32, #tpu.memory_space<vmem>>
          %dma_wait3A_423 = tpu.memref_squeeze %dma_wait3A_422 : memref<1x128xi32, #tpu.memory_space<vmem>> -> memref<128xi32, #tpu.memory_space<vmem>>
          %dma_wait3A_424 = arith.constant 0 : i32
          %dma_wait3A_425 = arith.constant 0 : i32
          %dma_wait3A_426 = tpu.memref_slice %arg13[%dma_wait3A_424, %dma_wait3A_425] : memref<10240x128xf32, #tpu.memory_space<vmem_shared>> -> memref<10240x128xf32, #tpu.memory_space<vmem_shared>>
          tpu.wait_indirect_dma semaphore(%run_scoped3A_414 : memref<!tpu.dma_semaphore, #tpu.memory_space<semaphore_mem>>) src(%arg12 : memref<128x128xf32, #tpu.memory_space<vmem>>) dst(%dma_wait3A_426 : memref<10240x128xf32, #tpu.memory_space<vmem_shared>>)
          tpu.yield
        }) : () -> ()
        %dma_wait3A_384 = arith.constant 0 : i32
        %dma_wait3A_385 = arith.constant 0 : i32
        %dma_wait3A_386 = tpu.memref_slice %arg7[%dma_wait3A_384, %dma_wait3A_385] : memref<16x128xi32, #tpu.memory_space<vmem>> -> memref<1x128xi32, #tpu.memory_space<vmem>>
        %dma_wait3A_387 = tpu.memref_squeeze %dma_wait3A_386 : memref<1x128xi32, #tpu.memory_space<vmem>> -> memref<128xi32, #tpu.memory_space<vmem>>
        %dma_wait3A_388 = arith.constant 0 : i32
        %dma_wait3A_389 = arith.constant 0 : i32
        %dma_wait3A_390 = tpu.memref_slice %arg2[%dma_wait3A_388, %dma_wait3A_389] : memref<10000x128xf32, #tpu.memory_space<hbm>> -> memref<10000x128xf32, #tpu.memory_space<hbm>>
        tpu.wait_indirect_dma semaphore(%arg14 : memref<!tpu.dma_semaphore, #tpu.memory_space<semaphore_mem>>) src(%dma_wait3A_390 : memref<10000x128xf32, #tpu.memory_space<hbm>>) dst(%arg11 : memref<128x128xf32, #tpu.memory_space<vmem>>)
        %dma_start3A_391 = arith.constant 15 : i32
        %dma_start3A_392 = arith.constant 0 : i32
        %dma_start3A_393 = tpu.memref_slice %arg7[%dma_start3A_391, %dma_start3A_392] : memref<16x128xi32, #tpu.memory_space<vmem>> -> memref<1x128xi32, #tpu.memory_space<vmem>>
        %dma_start3A_394 = tpu.memref_squeeze %dma_start3A_393 : memref<1x128xi32, #tpu.memory_space<vmem>> -> memref<128xi32, #tpu.memory_space<vmem>>
        %dma_start3A_395 = arith.constant 0 : i32
        %dma_start3A_396 = arith.constant 0 : i32
        %dma_start3A_397 = tpu.memref_slice %arg2[%dma_start3A_395, %dma_start3A_396] : memref<10000x128xf32, #tpu.memory_space<hbm>> -> memref<10000x128xf32, #tpu.memory_space<hbm>>
        tpu.enqueue_indirect_dma source(%dma_start3A_397 : memref<10000x128xf32, #tpu.memory_space<hbm>>) target(%arg12 : memref<128x128xf32, #tpu.memory_space<vmem>>) offsets(%dma_start3A_394 : memref<128xi32, #tpu.memory_space<vmem>>) semaphore(%arg15 : memref<!tpu.dma_semaphore, #tpu.memory_space<semaphore_mem>>)
        %run_scoped3A_398 = arith.constant 14 : i32
        "tpu.region"() ({
          %run_scoped3A_414 = tpu.sem_alloc : memref<!tpu.dma_semaphore, #tpu.memory_space<semaphore_mem>>
          %dma_start3A_415 = arith.constant 0 : i32
          %dma_start3A_416 = tpu.memref_slice %arg9[%run_scoped3A_398, %dma_start3A_415] : memref<16x128xi32, #tpu.memory_space<vmem>> -> memref<1x128xi32, #tpu.memory_space<vmem>>
          %dma_start3A_417 = tpu.memref_squeeze %dma_start3A_416 : memref<1x128xi32, #tpu.memory_space<vmem>> -> memref<128xi32, #tpu.memory_space<vmem>>
          %dma_start3A_418 = arith.constant 0 : i32
          %dma_start3A_419 = arith.constant 0 : i32
          %dma_start3A_420 = tpu.memref_slice %arg13[%dma_start3A_418, %dma_start3A_419] : memref<10240x128xf32, #tpu.memory_space<vmem_shared>> -> memref<10240x128xf32, #tpu.memory_space<vmem_shared>>
          tpu.enqueue_indirect_dma source(%arg11 : memref<128x128xf32, #tpu.memory_space<vmem>>) target(%dma_start3A_420 : memref<10240x128xf32, #tpu.memory_space<vmem_shared>>) offsets(%dma_start3A_417 : memref<128xi32, #tpu.memory_space<vmem>>) semaphore(%run_scoped3A_414 : memref<!tpu.dma_semaphore, #tpu.memory_space<semaphore_mem>>) {add = true}
          %dma_wait3A_421 = arith.constant 0 : i32
          %dma_wait3A_422 = tpu.memref_slice %arg9[%run_scoped3A_398, %dma_wait3A_421] : memref<16x128xi32, #tpu.memory_space<vmem>> -> memref<1x128xi32, #tpu.memory_space<vmem>>
          %dma_wait3A_423 = tpu.memref_squeeze %dma_wait3A_422 : memref<1x128xi32, #tpu.memory_space<vmem>> -> memref<128xi32, #tpu.memory_space<vmem>>
          %dma_wait3A_424 = arith.constant 0 : i32
          %dma_wait3A_425 = arith.constant 0 : i32
          %dma_wait3A_426 = tpu.memref_slice %arg13[%dma_wait3A_424, %dma_wait3A_425] : memref<10240x128xf32, #tpu.memory_space<vmem_shared>> -> memref<10240x128xf32, #tpu.memory_space<vmem_shared>>
          tpu.wait_indirect_dma semaphore(%run_scoped3A_414 : memref<!tpu.dma_semaphore, #tpu.memory_space<semaphore_mem>>) src(%arg11 : memref<128x128xf32, #tpu.memory_space<vmem>>) dst(%dma_wait3A_426 : memref<10240x128xf32, #tpu.memory_space<vmem_shared>>)
          tpu.yield
        }) : () -> ()
        %dma_wait3A_399 = arith.constant 0 : i32
        %dma_wait3A_400 = arith.constant 0 : i32
        %dma_wait3A_401 = tpu.memref_slice %arg7[%dma_wait3A_399, %dma_wait3A_400] : memref<16x128xi32, #tpu.memory_space<vmem>> -> memref<1x128xi32, #tpu.memory_space<vmem>>
        %dma_wait3A_402 = tpu.memref_squeeze %dma_wait3A_401 : memref<1x128xi32, #tpu.memory_space<vmem>> -> memref<128xi32, #tpu.memory_space<vmem>>
        %dma_wait3A_403 = arith.constant 0 : i32
        %dma_wait3A_404 = arith.constant 0 : i32
        %dma_wait3A_405 = tpu.memref_slice %arg2[%dma_wait3A_403, %dma_wait3A_404] : memref<10000x128xf32, #tpu.memory_space<hbm>> -> memref<10000x128xf32, #tpu.memory_space<hbm>>
        tpu.wait_indirect_dma semaphore(%arg15 : memref<!tpu.dma_semaphore, #tpu.memory_space<semaphore_mem>>) src(%dma_wait3A_405 : memref<10000x128xf32, #tpu.memory_space<hbm>>) dst(%arg12 : memref<128x128xf32, #tpu.memory_space<vmem>>)
        %add3A_406 = arith.constant 1 : i32
        %add3A_407 = arith.addi %add3A_131, %add3A_406 : i32
        %lt3A_408 = arith.constant 5 : i32
        %lt3A_409 = arith.cmpi slt, %add3A_407, %lt3A_408 : i32
        %convert_element_type3A_410 = arith.extui %lt3A_409 : i1 to i32
        %cond3A_411 = arith.constant 0 : i32
        %cond3A_412 = arith.cmpi ne, %convert_element_type3A_410, %cond3A_411 : i32
        scf.if %cond3A_412 {
          %dma_wait3A_414 = arith.constant 0 : i32
          %dma_wait3A_415 = arith.constant 0 : i32
          %dma_wait3A_416 = tpu.memref_slice %arg3[%dma_wait3A_414, %dma_wait3A_415] : memref<2560x128xi32, #tpu.memory_space<hbm>> -> memref<16x128xi32, #tpu.memory_space<hbm>>
          %dma_wait3A_417 = arith.constant 0 : i32
          %dma_wait3A_418 = arith.constant 0 : i32
          %dma_wait3A_419 = tpu.memref_slice %arg3[%dma_wait3A_417, %dma_wait3A_418] : memref<2560x128xi32, #tpu.memory_space<hbm>> -> memref<16x128xi32, #tpu.memory_space<hbm>>
          tpu.wait_dma2 semaphore(%arg16 : memref<!tpu.dma_semaphore, #tpu.memory_space<semaphore_mem>>) src(%dma_wait3A_419 : memref<16x128xi32, #tpu.memory_space<hbm>>) dst(%arg8 : memref<16x128xi32, #tpu.memory_space<vmem>>)
          %dma_wait3A_420 = arith.constant 0 : i32
          %dma_wait3A_421 = arith.constant 0 : i32
          %dma_wait3A_422 = tpu.memref_slice %arg4[%dma_wait3A_420, %dma_wait3A_421] : memref<2560x128xi32, #tpu.memory_space<hbm>> -> memref<16x128xi32, #tpu.memory_space<hbm>>
          %dma_wait3A_423 = arith.constant 0 : i32
          %dma_wait3A_424 = arith.constant 0 : i32
          %dma_wait3A_425 = tpu.memref_slice %arg4[%dma_wait3A_423, %dma_wait3A_424] : memref<2560x128xi32, #tpu.memory_space<hbm>> -> memref<16x128xi32, #tpu.memory_space<hbm>>
          tpu.wait_dma2 semaphore(%arg16 : memref<!tpu.dma_semaphore, #tpu.memory_space<semaphore_mem>>) src(%dma_wait3A_425 : memref<16x128xi32, #tpu.memory_space<hbm>>) dst(%arg10 : memref<16x128xi32, #tpu.memory_space<vmem>>)
          %dma_start3A_426 = arith.constant 0 : i32
          %dma_start3A_427 = arith.constant 0 : i32
          %dma_start3A_428 = tpu.memref_slice %arg8[%dma_start3A_426, %dma_start3A_427] : memref<16x128xi32, #tpu.memory_space<vmem>> -> memref<1x128xi32, #tpu.memory_space<vmem>>
          %dma_start3A_429 = tpu.memref_squeeze %dma_start3A_428 : memref<1x128xi32, #tpu.memory_space<vmem>> -> memref<128xi32, #tpu.memory_space<vmem>>
          %dma_start3A_430 = arith.constant 0 : i32
          %dma_start3A_431 = arith.constant 0 : i32
          %dma_start3A_432 = tpu.memref_slice %arg2[%dma_start3A_430, %dma_start3A_431] : memref<10000x128xf32, #tpu.memory_space<hbm>> -> memref<10000x128xf32, #tpu.memory_space<hbm>>
          tpu.enqueue_indirect_dma source(%dma_start3A_432 : memref<10000x128xf32, #tpu.memory_space<hbm>>) target(%arg11 : memref<128x128xf32, #tpu.memory_space<vmem>>) offsets(%dma_start3A_429 : memref<128xi32, #tpu.memory_space<vmem>>) semaphore(%arg14 : memref<!tpu.dma_semaphore, #tpu.memory_space<semaphore_mem>>)
        } else {
        }
        %run_scoped3A_413 = arith.constant 15 : i32
        "tpu.region"() ({
          %run_scoped3A_414 = tpu.sem_alloc : memref<!tpu.dma_semaphore, #tpu.memory_space<semaphore_mem>>
          %dma_start3A_415 = arith.constant 0 : i32
          %dma_start3A_416 = tpu.memref_slice %arg9[%run_scoped3A_413, %dma_start3A_415] : memref<16x128xi32, #tpu.memory_space<vmem>> -> memref<1x128xi32, #tpu.memory_space<vmem>>
          %dma_start3A_417 = tpu.memref_squeeze %dma_start3A_416 : memref<1x128xi32, #tpu.memory_space<vmem>> -> memref<128xi32, #tpu.memory_space<vmem>>
          %dma_start3A_418 = arith.constant 0 : i32
          %dma_start3A_419 = arith.constant 0 : i32
          %dma_start3A_420 = tpu.memref_slice %arg13[%dma_start3A_418, %dma_start3A_419] : memref<10240x128xf32, #tpu.memory_space<vmem_shared>> -> memref<10240x128xf32, #tpu.memory_space<vmem_shared>>
          tpu.enqueue_indirect_dma source(%arg12 : memref<128x128xf32, #tpu.memory_space<vmem>>) target(%dma_start3A_420 : memref<10240x128xf32, #tpu.memory_space<vmem_shared>>) offsets(%dma_start3A_417 : memref<128xi32, #tpu.memory_space<vmem>>) semaphore(%run_scoped3A_414 : memref<!tpu.dma_semaphore, #tpu.memory_space<semaphore_mem>>) {add = true}
          %dma_wait3A_421 = arith.constant 0 : i32
          %dma_wait3A_422 = tpu.memref_slice %arg9[%run_scoped3A_413, %dma_wait3A_421] : memref<16x128xi32, #tpu.memory_space<vmem>> -> memref<1x128xi32, #tpu.memory_space<vmem>>
          %dma_wait3A_423 = tpu.memref_squeeze %dma_wait3A_422 : memref<1x128xi32, #tpu.memory_space<vmem>> -> memref<128xi32, #tpu.memory_space<vmem>>
          %dma_wait3A_424 = arith.constant 0 : i32
          %dma_wait3A_425 = arith.constant 0 : i32
          %dma_wait3A_426 = tpu.memref_slice %arg13[%dma_wait3A_424, %dma_wait3A_425] : memref<10240x128xf32, #tpu.memory_space<vmem_shared>> -> memref<10240x128xf32, #tpu.memory_space<vmem_shared>>
          tpu.wait_indirect_dma semaphore(%run_scoped3A_414 : memref<!tpu.dma_semaphore, #tpu.memory_space<semaphore_mem>>) src(%arg12 : memref<128x128xf32, #tpu.memory_space<vmem>>) dst(%dma_wait3A_426 : memref<10240x128xf32, #tpu.memory_space<vmem_shared>>)
          tpu.yield
        }) : () -> ()
      } else {
      }
      %jit3A_147 = arith.constant 2 : i32
      %eq3A_148 = arith.constant 0 : i32
      %eq3A_149 = arith.cmpi eq, %jit3A_147, %eq3A_148 : i32
      %jit3A_150 = arith.constant 1 : i32
      %select_n3A_151 = arith.select %eq3A_149, %jit3A_150, %jit3A_147 : i32
      %rem3A_152 = arith.remsi %add3A_131, %select_n3A_151 : i32
      %ne3A_153 = arith.constant 0 : i32
      %ne3A_154 = arith.cmpi ne, %rem3A_152, %ne3A_153 : i32
      %lt3A_155 = arith.constant 0 : i32
      %lt3A_156 = arith.cmpi slt, %rem3A_152, %lt3A_155 : i32
      %lt3A_157 = arith.constant 0 : i32
      %lt3A_158 = arith.cmpi slt, %select_n3A_151, %lt3A_157 : i32
      %ne3A_159 = arith.xori %lt3A_156, %lt3A_158 : i1
      %and3A_160 = arith.andi %ne3A_159, %ne3A_154 : i1
      %add3A_161 = arith.addi %rem3A_152, %select_n3A_151 : i32
      %select_n3A_162 = arith.select %and3A_160, %add3A_161, %rem3A_152 : i32
      %eq3A_163 = arith.constant 1 : i32
      %eq3A_164 = arith.cmpi eq, %select_n3A_162, %eq3A_163 : i32
      %convert_element_type3A_165 = arith.extui %eq3A_164 : i1 to i32
      %cond3A_166 = arith.constant 0 : i32
      %cond3A_167 = arith.cmpi ne, %convert_element_type3A_165, %cond3A_166 : i32
      scf.if %cond3A_167 {
        %add3A_168 = arith.constant 1 : i32
        %add3A_169 = arith.addi %add3A_131, %add3A_168 : i32
        %lt3A_170 = arith.constant 5 : i32
        %lt3A_171 = arith.cmpi slt, %add3A_169, %lt3A_170 : i32
        %convert_element_type3A_172 = arith.extui %lt3A_171 : i1 to i32
        %cond3A_173 = arith.constant 0 : i32
        %cond3A_174 = arith.cmpi ne, %convert_element_type3A_172, %cond3A_173 : i32
        scf.if %cond3A_174 {
          %add3A_414 = arith.constant 1 : i32
          %add3A_415 = arith.addi %add3A_131, %add3A_414 : i32
          %mul3A_416 = arith.constant 80 : i32
          %mul3A_417 = arith.muli %add3A, %mul3A_416 : i32
          %mul3A_418 = arith.constant 16 : i32
          %mul3A_419 = arith.muli %add3A_415, %mul3A_418 : i32
          %add3A_420 = arith.addi %mul3A_417, %mul3A_419 : i32
          %dma_start3A_421 = arith.constant 0 : i32
          %dma_start3A_422 = tpu.memref_slice %arg3[%add3A_420, %dma_start3A_421] : memref<2560x128xi32, #tpu.memory_space<hbm>> -> memref<16x128xi32, #tpu.memory_space<hbm>>
          %dma_start3A_423 = arith.constant 0 : i32
          %dma_start3A_424 = tpu.memref_slice %arg3[%add3A_420, %dma_start3A_423] : memref<2560x128xi32, #tpu.memory_space<hbm>> -> memref<16x128xi32, #tpu.memory_space<hbm>>
          tpu.enqueue_dma source(%dma_start3A_424 : memref<16x128xi32, #tpu.memory_space<hbm>>) target(%arg7 : memref<16x128xi32, #tpu.memory_space<vmem>>) target_semaphore(%arg16 : memref<!tpu.dma_semaphore, #tpu.memory_space<semaphore_mem>>)
          %dma_start3A_425 = arith.constant 0 : i32
          %dma_start3A_426 = tpu.memref_slice %arg4[%add3A_420, %dma_start3A_425] : memref<2560x128xi32, #tpu.memory_space<hbm>> -> memref<16x128xi32, #tpu.memory_space<hbm>>
          %dma_start3A_427 = arith.constant 0 : i32
          %dma_start3A_428 = tpu.memref_slice %arg4[%add3A_420, %dma_start3A_427] : memref<2560x128xi32, #tpu.memory_space<hbm>> -> memref<16x128xi32, #tpu.memory_space<hbm>>
          tpu.enqueue_dma source(%dma_start3A_428 : memref<16x128xi32, #tpu.memory_space<hbm>>) target(%arg9 : memref<16x128xi32, #tpu.memory_space<vmem>>) target_semaphore(%arg16 : memref<!tpu.dma_semaphore, #tpu.memory_space<semaphore_mem>>)
        } else {
        }
        %dma_wait3A_175 = arith.constant 0 : i32
        %dma_wait3A_176 = arith.constant 0 : i32
        %dma_wait3A_177 = tpu.memref_slice %arg7[%dma_wait3A_175, %dma_wait3A_176] : memref<16x128xi32, #tpu.memory_space<vmem>> -> memref<1x128xi32, #tpu.memory_space<vmem>>
        %dma_wait3A_178 = tpu.memref_squeeze %dma_wait3A_177 : memref<1x128xi32, #tpu.memory_space<vmem>> -> memref<128xi32, #tpu.memory_space<vmem>>
        %dma_wait3A_179 = arith.constant 0 : i32
        %dma_wait3A_180 = arith.constant 0 : i32
        %dma_wait3A_181 = tpu.memref_slice %arg2[%dma_wait3A_179, %dma_wait3A_180] : memref<10000x128xf32, #tpu.memory_space<hbm>> -> memref<10000x128xf32, #tpu.memory_space<hbm>>
        tpu.wait_indirect_dma semaphore(%arg14 : memref<!tpu.dma_semaphore, #tpu.memory_space<semaphore_mem>>) src(%dma_wait3A_181 : memref<10000x128xf32, #tpu.memory_space<hbm>>) dst(%arg11 : memref<128x128xf32, #tpu.memory_space<vmem>>)
        %dma_start3A_182 = arith.constant 1 : i32
        %dma_start3A_183 = arith.constant 0 : i32
        %dma_start3A_184 = tpu.memref_slice %arg8[%dma_start3A_182, %dma_start3A_183] : memref<16x128xi32, #tpu.memory_space<vmem>> -> memref<1x128xi32, #tpu.memory_space<vmem>>
        %dma_start3A_185 = tpu.memref_squeeze %dma_start3A_184 : memref<1x128xi32, #tpu.memory_space<vmem>> -> memref<128xi32, #tpu.memory_space<vmem>>
        %dma_start3A_186 = arith.constant 0 : i32
        %dma_start3A_187 = arith.constant 0 : i32
        %dma_start3A_188 = tpu.memref_slice %arg2[%dma_start3A_186, %dma_start3A_187] : memref<10000x128xf32, #tpu.memory_space<hbm>> -> memref<10000x128xf32, #tpu.memory_space<hbm>>
        tpu.enqueue_indirect_dma source(%dma_start3A_188 : memref<10000x128xf32, #tpu.memory_space<hbm>>) target(%arg12 : memref<128x128xf32, #tpu.memory_space<vmem>>) offsets(%dma_start3A_185 : memref<128xi32, #tpu.memory_space<vmem>>) semaphore(%arg15 : memref<!tpu.dma_semaphore, #tpu.memory_space<semaphore_mem>>)
        %run_scoped3A = arith.constant 0 : i32
        "tpu.region"() ({
          %run_scoped3A_414 = tpu.sem_alloc : memref<!tpu.dma_semaphore, #tpu.memory_space<semaphore_mem>>
          %dma_start3A_415 = arith.constant 0 : i32
          %dma_start3A_416 = tpu.memref_slice %arg10[%run_scoped3A, %dma_start3A_415] : memref<16x128xi32, #tpu.memory_space<vmem>> -> memref<1x128xi32, #tpu.memory_space<vmem>>
          %dma_start3A_417 = tpu.memref_squeeze %dma_start3A_416 : memref<1x128xi32, #tpu.memory_space<vmem>> -> memref<128xi32, #tpu.memory_space<vmem>>
          %dma_start3A_418 = arith.constant 0 : i32
          %dma_start3A_419 = arith.constant 0 : i32
          %dma_start3A_420 = tpu.memref_slice %arg13[%dma_start3A_418, %dma_start3A_419] : memref<10240x128xf32, #tpu.memory_space<vmem_shared>> -> memref<10240x128xf32, #tpu.memory_space<vmem_shared>>
          tpu.enqueue_indirect_dma source(%arg11 : memref<128x128xf32, #tpu.memory_space<vmem>>) target(%dma_start3A_420 : memref<10240x128xf32, #tpu.memory_space<vmem_shared>>) offsets(%dma_start3A_417 : memref<128xi32, #tpu.memory_space<vmem>>) semaphore(%run_scoped3A_414 : memref<!tpu.dma_semaphore, #tpu.memory_space<semaphore_mem>>) {add = true}
          %dma_wait3A_421 = arith.constant 0 : i32
          %dma_wait3A_422 = tpu.memref_slice %arg10[%run_scoped3A, %dma_wait3A_421] : memref<16x128xi32, #tpu.memory_space<vmem>> -> memref<1x128xi32, #tpu.memory_space<vmem>>
          %dma_wait3A_423 = tpu.memref_squeeze %dma_wait3A_422 : memref<1x128xi32, #tpu.memory_space<vmem>> -> memref<128xi32, #tpu.memory_space<vmem>>
          %dma_wait3A_424 = arith.constant 0 : i32
          %dma_wait3A_425 = arith.constant 0 : i32
          %dma_wait3A_426 = tpu.memref_slice %arg13[%dma_wait3A_424, %dma_wait3A_425] : memref<10240x128xf32, #tpu.memory_space<vmem_shared>> -> memref<10240x128xf32, #tpu.memory_space<vmem_shared>>
          tpu.wait_indirect_dma semaphore(%run_scoped3A_414 : memref<!tpu.dma_semaphore, #tpu.memory_space<semaphore_mem>>) src(%arg11 : memref<128x128xf32, #tpu.memory_space<vmem>>) dst(%dma_wait3A_426 : memref<10240x128xf32, #tpu.memory_space<vmem_shared>>)
          tpu.yield
        }) : () -> ()
        %dma_wait3A_189 = arith.constant 0 : i32
        %dma_wait3A_190 = arith.constant 0 : i32
        %dma_wait3A_191 = tpu.memref_slice %arg7[%dma_wait3A_189, %dma_wait3A_190] : memref<16x128xi32, #tpu.memory_space<vmem>> -> memref<1x128xi32, #tpu.memory_space<vmem>>
        %dma_wait3A_192 = tpu.memref_squeeze %dma_wait3A_191 : memref<1x128xi32, #tpu.memory_space<vmem>> -> memref<128xi32, #tpu.memory_space<vmem>>
        %dma_wait3A_193 = arith.constant 0 : i32
        %dma_wait3A_194 = arith.constant 0 : i32
        %dma_wait3A_195 = tpu.memref_slice %arg2[%dma_wait3A_193, %dma_wait3A_194] : memref<10000x128xf32, #tpu.memory_space<hbm>> -> memref<10000x128xf32, #tpu.memory_space<hbm>>
        tpu.wait_indirect_dma semaphore(%arg15 : memref<!tpu.dma_semaphore, #tpu.memory_space<semaphore_mem>>) src(%dma_wait3A_195 : memref<10000x128xf32, #tpu.memory_space<hbm>>) dst(%arg12 : memref<128x128xf32, #tpu.memory_space<vmem>>)
        %dma_start3A_196 = arith.constant 2 : i32
        %dma_start3A_197 = arith.constant 0 : i32
        %dma_start3A_198 = tpu.memref_slice %arg8[%dma_start3A_196, %dma_start3A_197] : memref<16x128xi32, #tpu.memory_space<vmem>> -> memref<1x128xi32, #tpu.memory_space<vmem>>
        %dma_start3A_199 = tpu.memref_squeeze %dma_start3A_198 : memref<1x128xi32, #tpu.memory_space<vmem>> -> memref<128xi32, #tpu.memory_space<vmem>>
        %dma_start3A_200 = arith.constant 0 : i32
        %dma_start3A_201 = arith.constant 0 : i32
        %dma_start3A_202 = tpu.memref_slice %arg2[%dma_start3A_200, %dma_start3A_201] : memref<10000x128xf32, #tpu.memory_space<hbm>> -> memref<10000x128xf32, #tpu.memory_space<hbm>>
        tpu.enqueue_indirect_dma source(%dma_start3A_202 : memref<10000x128xf32, #tpu.memory_space<hbm>>) target(%arg11 : memref<128x128xf32, #tpu.memory_space<vmem>>) offsets(%dma_start3A_199 : memref<128xi32, #tpu.memory_space<vmem>>) semaphore(%arg14 : memref<!tpu.dma_semaphore, #tpu.memory_space<semaphore_mem>>)
        %run_scoped3A_203 = arith.constant 1 : i32
        "tpu.region"() ({
          %run_scoped3A_414 = tpu.sem_alloc : memref<!tpu.dma_semaphore, #tpu.memory_space<semaphore_mem>>
          %dma_start3A_415 = arith.constant 0 : i32
          %dma_start3A_416 = tpu.memref_slice %arg10[%run_scoped3A_203, %dma_start3A_415] : memref<16x128xi32, #tpu.memory_space<vmem>> -> memref<1x128xi32, #tpu.memory_space<vmem>>
          %dma_start3A_417 = tpu.memref_squeeze %dma_start3A_416 : memref<1x128xi32, #tpu.memory_space<vmem>> -> memref<128xi32, #tpu.memory_space<vmem>>
          %dma_start3A_418 = arith.constant 0 : i32
          %dma_start3A_419 = arith.constant 0 : i32
          %dma_start3A_420 = tpu.memref_slice %arg13[%dma_start3A_418, %dma_start3A_419] : memref<10240x128xf32, #tpu.memory_space<vmem_shared>> -> memref<10240x128xf32, #tpu.memory_space<vmem_shared>>
          tpu.enqueue_indirect_dma source(%arg12 : memref<128x128xf32, #tpu.memory_space<vmem>>) target(%dma_start3A_420 : memref<10240x128xf32, #tpu.memory_space<vmem_shared>>) offsets(%dma_start3A_417 : memref<128xi32, #tpu.memory_space<vmem>>) semaphore(%run_scoped3A_414 : memref<!tpu.dma_semaphore, #tpu.memory_space<semaphore_mem>>) {add = true}
          %dma_wait3A_421 = arith.constant 0 : i32
          %dma_wait3A_422 = tpu.memref_slice %arg10[%run_scoped3A_203, %dma_wait3A_421] : memref<16x128xi32, #tpu.memory_space<vmem>> -> memref<1x128xi32, #tpu.memory_space<vmem>>
          %dma_wait3A_423 = tpu.memref_squeeze %dma_wait3A_422 : memref<1x128xi32, #tpu.memory_space<vmem>> -> memref<128xi32, #tpu.memory_space<vmem>>
          %dma_wait3A_424 = arith.constant 0 : i32
          %dma_wait3A_425 = arith.constant 0 : i32
          %dma_wait3A_426 = tpu.memref_slice %arg13[%dma_wait3A_424, %dma_wait3A_425] : memref<10240x128xf32, #tpu.memory_space<vmem_shared>> -> memref<10240x128xf32, #tpu.memory_space<vmem_shared>>
          tpu.wait_indirect_dma semaphore(%run_scoped3A_414 : memref<!tpu.dma_semaphore, #tpu.memory_space<semaphore_mem>>) src(%arg12 : memref<128x128xf32, #tpu.memory_space<vmem>>) dst(%dma_wait3A_426 : memref<10240x128xf32, #tpu.memory_space<vmem_shared>>)
          tpu.yield
        }) : () -> ()
        %dma_wait3A_204 = arith.constant 0 : i32
        %dma_wait3A_205 = arith.constant 0 : i32
        %dma_wait3A_206 = tpu.memref_slice %arg7[%dma_wait3A_204, %dma_wait3A_205] : memref<16x128xi32, #tpu.memory_space<vmem>> -> memref<1x128xi32, #tpu.memory_space<vmem>>
        %dma_wait3A_207 = tpu.memref_squeeze %dma_wait3A_206 : memref<1x128xi32, #tpu.memory_space<vmem>> -> memref<128xi32, #tpu.memory_space<vmem>>
        %dma_wait3A_208 = arith.constant 0 : i32
        %dma_wait3A_209 = arith.constant 0 : i32
        %dma_wait3A_210 = tpu.memref_slice %arg2[%dma_wait3A_208, %dma_wait3A_209] : memref<10000x128xf32, #tpu.memory_space<hbm>> -> memref<10000x128xf32, #tpu.memory_space<hbm>>
        tpu.wait_indirect_dma semaphore(%arg14 : memref<!tpu.dma_semaphore, #tpu.memory_space<semaphore_mem>>) src(%dma_wait3A_210 : memref<10000x128xf32, #tpu.memory_space<hbm>>) dst(%arg11 : memref<128x128xf32, #tpu.memory_space<vmem>>)
        %dma_start3A_211 = arith.constant 3 : i32
        %dma_start3A_212 = arith.constant 0 : i32
        %dma_start3A_213 = tpu.memref_slice %arg8[%dma_start3A_211, %dma_start3A_212] : memref<16x128xi32, #tpu.memory_space<vmem>> -> memref<1x128xi32, #tpu.memory_space<vmem>>
        %dma_start3A_214 = tpu.memref_squeeze %dma_start3A_213 : memref<1x128xi32, #tpu.memory_space<vmem>> -> memref<128xi32, #tpu.memory_space<vmem>>
        %dma_start3A_215 = arith.constant 0 : i32
        %dma_start3A_216 = arith.constant 0 : i32
        %dma_start3A_217 = tpu.memref_slice %arg2[%dma_start3A_215, %dma_start3A_216] : memref<10000x128xf32, #tpu.memory_space<hbm>> -> memref<10000x128xf32, #tpu.memory_space<hbm>>
        tpu.enqueue_indirect_dma source(%dma_start3A_217 : memref<10000x128xf32, #tpu.memory_space<hbm>>) target(%arg12 : memref<128x128xf32, #tpu.memory_space<vmem>>) offsets(%dma_start3A_214 : memref<128xi32, #tpu.memory_space<vmem>>) semaphore(%arg15 : memref<!tpu.dma_semaphore, #tpu.memory_space<semaphore_mem>>)
        %run_scoped3A_218 = arith.constant 2 : i32
        "tpu.region"() ({
          %run_scoped3A_414 = tpu.sem_alloc : memref<!tpu.dma_semaphore, #tpu.memory_space<semaphore_mem>>
          %dma_start3A_415 = arith.constant 0 : i32
          %dma_start3A_416 = tpu.memref_slice %arg10[%run_scoped3A_218, %dma_start3A_415] : memref<16x128xi32, #tpu.memory_space<vmem>> -> memref<1x128xi32, #tpu.memory_space<vmem>>
          %dma_start3A_417 = tpu.memref_squeeze %dma_start3A_416 : memref<1x128xi32, #tpu.memory_space<vmem>> -> memref<128xi32, #tpu.memory_space<vmem>>
          %dma_start3A_418 = arith.constant 0 : i32
          %dma_start3A_419 = arith.constant 0 : i32
          %dma_start3A_420 = tpu.memref_slice %arg13[%dma_start3A_418, %dma_start3A_419] : memref<10240x128xf32, #tpu.memory_space<vmem_shared>> -> memref<10240x128xf32, #tpu.memory_space<vmem_shared>>
          tpu.enqueue_indirect_dma source(%arg11 : memref<128x128xf32, #tpu.memory_space<vmem>>) target(%dma_start3A_420 : memref<10240x128xf32, #tpu.memory_space<vmem_shared>>) offsets(%dma_start3A_417 : memref<128xi32, #tpu.memory_space<vmem>>) semaphore(%run_scoped3A_414 : memref<!tpu.dma_semaphore, #tpu.memory_space<semaphore_mem>>) {add = true}
          %dma_wait3A_421 = arith.constant 0 : i32
          %dma_wait3A_422 = tpu.memref_slice %arg10[%run_scoped3A_218, %dma_wait3A_421] : memref<16x128xi32, #tpu.memory_space<vmem>> -> memref<1x128xi32, #tpu.memory_space<vmem>>
          %dma_wait3A_423 = tpu.memref_squeeze %dma_wait3A_422 : memref<1x128xi32, #tpu.memory_space<vmem>> -> memref<128xi32, #tpu.memory_space<vmem>>
          %dma_wait3A_424 = arith.constant 0 : i32
          %dma_wait3A_425 = arith.constant 0 : i32
          %dma_wait3A_426 = tpu.memref_slice %arg13[%dma_wait3A_424, %dma_wait3A_425] : memref<10240x128xf32, #tpu.memory_space<vmem_shared>> -> memref<10240x128xf32, #tpu.memory_space<vmem_shared>>
          tpu.wait_indirect_dma semaphore(%run_scoped3A_414 : memref<!tpu.dma_semaphore, #tpu.memory_space<semaphore_mem>>) src(%arg11 : memref<128x128xf32, #tpu.memory_space<vmem>>) dst(%dma_wait3A_426 : memref<10240x128xf32, #tpu.memory_space<vmem_shared>>)
          tpu.yield
        }) : () -> ()
        %dma_wait3A_219 = arith.constant 0 : i32
        %dma_wait3A_220 = arith.constant 0 : i32
        %dma_wait3A_221 = tpu.memref_slice %arg7[%dma_wait3A_219, %dma_wait3A_220] : memref<16x128xi32, #tpu.memory_space<vmem>> -> memref<1x128xi32, #tpu.memory_space<vmem>>
        %dma_wait3A_222 = tpu.memref_squeeze %dma_wait3A_221 : memref<1x128xi32, #tpu.memory_space<vmem>> -> memref<128xi32, #tpu.memory_space<vmem>>
        %dma_wait3A_223 = arith.constant 0 : i32
        %dma_wait3A_224 = arith.constant 0 : i32
        %dma_wait3A_225 = tpu.memref_slice %arg2[%dma_wait3A_223, %dma_wait3A_224] : memref<10000x128xf32, #tpu.memory_space<hbm>> -> memref<10000x128xf32, #tpu.memory_space<hbm>>
        tpu.wait_indirect_dma semaphore(%arg15 : memref<!tpu.dma_semaphore, #tpu.memory_space<semaphore_mem>>) src(%dma_wait3A_225 : memref<10000x128xf32, #tpu.memory_space<hbm>>) dst(%arg12 : memref<128x128xf32, #tpu.memory_space<vmem>>)
        %dma_start3A_226 = arith.constant 4 : i32
        %dma_start3A_227 = arith.constant 0 : i32
        %dma_start3A_228 = tpu.memref_slice %arg8[%dma_start3A_226, %dma_start3A_227] : memref<16x128xi32, #tpu.memory_space<vmem>> -> memref<1x128xi32, #tpu.memory_space<vmem>>
        %dma_start3A_229 = tpu.memref_squeeze %dma_start3A_228 : memref<1x128xi32, #tpu.memory_space<vmem>> -> memref<128xi32, #tpu.memory_space<vmem>>
        %dma_start3A_230 = arith.constant 0 : i32
        %dma_start3A_231 = arith.constant 0 : i32
        %dma_start3A_232 = tpu.memref_slice %arg2[%dma_start3A_230, %dma_start3A_231] : memref<10000x128xf32, #tpu.memory_space<hbm>> -> memref<10000x128xf32, #tpu.memory_space<hbm>>
        tpu.enqueue_indirect_dma source(%dma_start3A_232 : memref<10000x128xf32, #tpu.memory_space<hbm>>) target(%arg11 : memref<128x128xf32, #tpu.memory_space<vmem>>) offsets(%dma_start3A_229 : memref<128xi32, #tpu.memory_space<vmem>>) semaphore(%arg14 : memref<!tpu.dma_semaphore, #tpu.memory_space<semaphore_mem>>)
        %run_scoped3A_233 = arith.constant 3 : i32
        "tpu.region"() ({
          %run_scoped3A_414 = tpu.sem_alloc : memref<!tpu.dma_semaphore, #tpu.memory_space<semaphore_mem>>
          %dma_start3A_415 = arith.constant 0 : i32
          %dma_start3A_416 = tpu.memref_slice %arg10[%run_scoped3A_233, %dma_start3A_415] : memref<16x128xi32, #tpu.memory_space<vmem>> -> memref<1x128xi32, #tpu.memory_space<vmem>>
          %dma_start3A_417 = tpu.memref_squeeze %dma_start3A_416 : memref<1x128xi32, #tpu.memory_space<vmem>> -> memref<128xi32, #tpu.memory_space<vmem>>
          %dma_start3A_418 = arith.constant 0 : i32
          %dma_start3A_419 = arith.constant 0 : i32
          %dma_start3A_420 = tpu.memref_slice %arg13[%dma_start3A_418, %dma_start3A_419] : memref<10240x128xf32, #tpu.memory_space<vmem_shared>> -> memref<10240x128xf32, #tpu.memory_space<vmem_shared>>
          tpu.enqueue_indirect_dma source(%arg12 : memref<128x128xf32, #tpu.memory_space<vmem>>) target(%dma_start3A_420 : memref<10240x128xf32, #tpu.memory_space<vmem_shared>>) offsets(%dma_start3A_417 : memref<128xi32, #tpu.memory_space<vmem>>) semaphore(%run_scoped3A_414 : memref<!tpu.dma_semaphore, #tpu.memory_space<semaphore_mem>>) {add = true}
          %dma_wait3A_421 = arith.constant 0 : i32
          %dma_wait3A_422 = tpu.memref_slice %arg10[%run_scoped3A_233, %dma_wait3A_421] : memref<16x128xi32, #tpu.memory_space<vmem>> -> memref<1x128xi32, #tpu.memory_space<vmem>>
          %dma_wait3A_423 = tpu.memref_squeeze %dma_wait3A_422 : memref<1x128xi32, #tpu.memory_space<vmem>> -> memref<128xi32, #tpu.memory_space<vmem>>
          %dma_wait3A_424 = arith.constant 0 : i32
          %dma_wait3A_425 = arith.constant 0 : i32
          %dma_wait3A_426 = tpu.memref_slice %arg13[%dma_wait3A_424, %dma_wait3A_425] : memref<10240x128xf32, #tpu.memory_space<vmem_shared>> -> memref<10240x128xf32, #tpu.memory_space<vmem_shared>>
          tpu.wait_indirect_dma semaphore(%run_scoped3A_414 : memref<!tpu.dma_semaphore, #tpu.memory_space<semaphore_mem>>) src(%arg12 : memref<128x128xf32, #tpu.memory_space<vmem>>) dst(%dma_wait3A_426 : memref<10240x128xf32, #tpu.memory_space<vmem_shared>>)
          tpu.yield
        }) : () -> ()
        %dma_wait3A_234 = arith.constant 0 : i32
        %dma_wait3A_235 = arith.constant 0 : i32
        %dma_wait3A_236 = tpu.memref_slice %arg7[%dma_wait3A_234, %dma_wait3A_235] : memref<16x128xi32, #tpu.memory_space<vmem>> -> memref<1x128xi32, #tpu.memory_space<vmem>>
        %dma_wait3A_237 = tpu.memref_squeeze %dma_wait3A_236 : memref<1x128xi32, #tpu.memory_space<vmem>> -> memref<128xi32, #tpu.memory_space<vmem>>
        %dma_wait3A_238 = arith.constant 0 : i32
        %dma_wait3A_239 = arith.constant 0 : i32
        %dma_wait3A_240 = tpu.memref_slice %arg2[%dma_wait3A_238, %dma_wait3A_239] : memref<10000x128xf32, #tpu.memory_space<hbm>> -> memref<10000x128xf32, #tpu.memory_space<hbm>>
        tpu.wait_indirect_dma semaphore(%arg14 : memref<!tpu.dma_semaphore, #tpu.memory_space<semaphore_mem>>) src(%dma_wait3A_240 : memref<10000x128xf32, #tpu.memory_space<hbm>>) dst(%arg11 : memref<128x128xf32, #tpu.memory_space<vmem>>)
        %dma_start3A_241 = arith.constant 5 : i32
        %dma_start3A_242 = arith.constant 0 : i32
        %dma_start3A_243 = tpu.memref_slice %arg8[%dma_start3A_241, %dma_start3A_242] : memref<16x128xi32, #tpu.memory_space<vmem>> -> memref<1x128xi32, #tpu.memory_space<vmem>>
        %dma_start3A_244 = tpu.memref_squeeze %dma_start3A_243 : memref<1x128xi32, #tpu.memory_space<vmem>> -> memref<128xi32, #tpu.memory_space<vmem>>
        %dma_start3A_245 = arith.constant 0 : i32
        %dma_start3A_246 = arith.constant 0 : i32
        %dma_start3A_247 = tpu.memref_slice %arg2[%dma_start3A_245, %dma_start3A_246] : memref<10000x128xf32, #tpu.memory_space<hbm>> -> memref<10000x128xf32, #tpu.memory_space<hbm>>
        tpu.enqueue_indirect_dma source(%dma_start3A_247 : memref<10000x128xf32, #tpu.memory_space<hbm>>) target(%arg12 : memref<128x128xf32, #tpu.memory_space<vmem>>) offsets(%dma_start3A_244 : memref<128xi32, #tpu.memory_space<vmem>>) semaphore(%arg15 : memref<!tpu.dma_semaphore, #tpu.memory_space<semaphore_mem>>)
        %run_scoped3A_248 = arith.constant 4 : i32
        "tpu.region"() ({
          %run_scoped3A_414 = tpu.sem_alloc : memref<!tpu.dma_semaphore, #tpu.memory_space<semaphore_mem>>
          %dma_start3A_415 = arith.constant 0 : i32
          %dma_start3A_416 = tpu.memref_slice %arg10[%run_scoped3A_248, %dma_start3A_415] : memref<16x128xi32, #tpu.memory_space<vmem>> -> memref<1x128xi32, #tpu.memory_space<vmem>>
          %dma_start3A_417 = tpu.memref_squeeze %dma_start3A_416 : memref<1x128xi32, #tpu.memory_space<vmem>> -> memref<128xi32, #tpu.memory_space<vmem>>
          %dma_start3A_418 = arith.constant 0 : i32
          %dma_start3A_419 = arith.constant 0 : i32
          %dma_start3A_420 = tpu.memref_slice %arg13[%dma_start3A_418, %dma_start3A_419] : memref<10240x128xf32, #tpu.memory_space<vmem_shared>> -> memref<10240x128xf32, #tpu.memory_space<vmem_shared>>
          tpu.enqueue_indirect_dma source(%arg11 : memref<128x128xf32, #tpu.memory_space<vmem>>) target(%dma_start3A_420 : memref<10240x128xf32, #tpu.memory_space<vmem_shared>>) offsets(%dma_start3A_417 : memref<128xi32, #tpu.memory_space<vmem>>) semaphore(%run_scoped3A_414 : memref<!tpu.dma_semaphore, #tpu.memory_space<semaphore_mem>>) {add = true}
          %dma_wait3A_421 = arith.constant 0 : i32
          %dma_wait3A_422 = tpu.memref_slice %arg10[%run_scoped3A_248, %dma_wait3A_421] : memref<16x128xi32, #tpu.memory_space<vmem>> -> memref<1x128xi32, #tpu.memory_space<vmem>>
          %dma_wait3A_423 = tpu.memref_squeeze %dma_wait3A_422 : memref<1x128xi32, #tpu.memory_space<vmem>> -> memref<128xi32, #tpu.memory_space<vmem>>
          %dma_wait3A_424 = arith.constant 0 : i32
          %dma_wait3A_425 = arith.constant 0 : i32
          %dma_wait3A_426 = tpu.memref_slice %arg13[%dma_wait3A_424, %dma_wait3A_425] : memref<10240x128xf32, #tpu.memory_space<vmem_shared>> -> memref<10240x128xf32, #tpu.memory_space<vmem_shared>>
          tpu.wait_indirect_dma semaphore(%run_scoped3A_414 : memref<!tpu.dma_semaphore, #tpu.memory_space<semaphore_mem>>) src(%arg11 : memref<128x128xf32, #tpu.memory_space<vmem>>) dst(%dma_wait3A_426 : memref<10240x128xf32, #tpu.memory_space<vmem_shared>>)
          tpu.yield
        }) : () -> ()
        %dma_wait3A_249 = arith.constant 0 : i32
        %dma_wait3A_250 = arith.constant 0 : i32
        %dma_wait3A_251 = tpu.memref_slice %arg7[%dma_wait3A_249, %dma_wait3A_250] : memref<16x128xi32, #tpu.memory_space<vmem>> -> memref<1x128xi32, #tpu.memory_space<vmem>>
        %dma_wait3A_252 = tpu.memref_squeeze %dma_wait3A_251 : memref<1x128xi32, #tpu.memory_space<vmem>> -> memref<128xi32, #tpu.memory_space<vmem>>
        %dma_wait3A_253 = arith.constant 0 : i32
        %dma_wait3A_254 = arith.constant 0 : i32
        %dma_wait3A_255 = tpu.memref_slice %arg2[%dma_wait3A_253, %dma_wait3A_254] : memref<10000x128xf32, #tpu.memory_space<hbm>> -> memref<10000x128xf32, #tpu.memory_space<hbm>>
        tpu.wait_indirect_dma semaphore(%arg15 : memref<!tpu.dma_semaphore, #tpu.memory_space<semaphore_mem>>) src(%dma_wait3A_255 : memref<10000x128xf32, #tpu.memory_space<hbm>>) dst(%arg12 : memref<128x128xf32, #tpu.memory_space<vmem>>)
        %dma_start3A_256 = arith.constant 6 : i32
        %dma_start3A_257 = arith.constant 0 : i32
        %dma_start3A_258 = tpu.memref_slice %arg8[%dma_start3A_256, %dma_start3A_257] : memref<16x128xi32, #tpu.memory_space<vmem>> -> memref<1x128xi32, #tpu.memory_space<vmem>>
        %dma_start3A_259 = tpu.memref_squeeze %dma_start3A_258 : memref<1x128xi32, #tpu.memory_space<vmem>> -> memref<128xi32, #tpu.memory_space<vmem>>
        %dma_start3A_260 = arith.constant 0 : i32
        %dma_start3A_261 = arith.constant 0 : i32
        %dma_start3A_262 = tpu.memref_slice %arg2[%dma_start3A_260, %dma_start3A_261] : memref<10000x128xf32, #tpu.memory_space<hbm>> -> memref<10000x128xf32, #tpu.memory_space<hbm>>
        tpu.enqueue_indirect_dma source(%dma_start3A_262 : memref<10000x128xf32, #tpu.memory_space<hbm>>) target(%arg11 : memref<128x128xf32, #tpu.memory_space<vmem>>) offsets(%dma_start3A_259 : memref<128xi32, #tpu.memory_space<vmem>>) semaphore(%arg14 : memref<!tpu.dma_semaphore, #tpu.memory_space<semaphore_mem>>)
        %run_scoped3A_263 = arith.constant 5 : i32
        "tpu.region"() ({
          %run_scoped3A_414 = tpu.sem_alloc : memref<!tpu.dma_semaphore, #tpu.memory_space<semaphore_mem>>
          %dma_start3A_415 = arith.constant 0 : i32
          %dma_start3A_416 = tpu.memref_slice %arg10[%run_scoped3A_263, %dma_start3A_415] : memref<16x128xi32, #tpu.memory_space<vmem>> -> memref<1x128xi32, #tpu.memory_space<vmem>>
          %dma_start3A_417 = tpu.memref_squeeze %dma_start3A_416 : memref<1x128xi32, #tpu.memory_space<vmem>> -> memref<128xi32, #tpu.memory_space<vmem>>
          %dma_start3A_418 = arith.constant 0 : i32
          %dma_start3A_419 = arith.constant 0 : i32
          %dma_start3A_420 = tpu.memref_slice %arg13[%dma_start3A_418, %dma_start3A_419] : memref<10240x128xf32, #tpu.memory_space<vmem_shared>> -> memref<10240x128xf32, #tpu.memory_space<vmem_shared>>
          tpu.enqueue_indirect_dma source(%arg12 : memref<128x128xf32, #tpu.memory_space<vmem>>) target(%dma_start3A_420 : memref<10240x128xf32, #tpu.memory_space<vmem_shared>>) offsets(%dma_start3A_417 : memref<128xi32, #tpu.memory_space<vmem>>) semaphore(%run_scoped3A_414 : memref<!tpu.dma_semaphore, #tpu.memory_space<semaphore_mem>>) {add = true}
          %dma_wait3A_421 = arith.constant 0 : i32
          %dma_wait3A_422 = tpu.memref_slice %arg10[%run_scoped3A_263, %dma_wait3A_421] : memref<16x128xi32, #tpu.memory_space<vmem>> -> memref<1x128xi32, #tpu.memory_space<vmem>>
          %dma_wait3A_423 = tpu.memref_squeeze %dma_wait3A_422 : memref<1x128xi32, #tpu.memory_space<vmem>> -> memref<128xi32, #tpu.memory_space<vmem>>
          %dma_wait3A_424 = arith.constant 0 : i32
          %dma_wait3A_425 = arith.constant 0 : i32
          %dma_wait3A_426 = tpu.memref_slice %arg13[%dma_wait3A_424, %dma_wait3A_425] : memref<10240x128xf32, #tpu.memory_space<vmem_shared>> -> memref<10240x128xf32, #tpu.memory_space<vmem_shared>>
          tpu.wait_indirect_dma semaphore(%run_scoped3A_414 : memref<!tpu.dma_semaphore, #tpu.memory_space<semaphore_mem>>) src(%arg12 : memref<128x128xf32, #tpu.memory_space<vmem>>) dst(%dma_wait3A_426 : memref<10240x128xf32, #tpu.memory_space<vmem_shared>>)
          tpu.yield
        }) : () -> ()
        %dma_wait3A_264 = arith.constant 0 : i32
        %dma_wait3A_265 = arith.constant 0 : i32
        %dma_wait3A_266 = tpu.memref_slice %arg7[%dma_wait3A_264, %dma_wait3A_265] : memref<16x128xi32, #tpu.memory_space<vmem>> -> memref<1x128xi32, #tpu.memory_space<vmem>>
        %dma_wait3A_267 = tpu.memref_squeeze %dma_wait3A_266 : memref<1x128xi32, #tpu.memory_space<vmem>> -> memref<128xi32, #tpu.memory_space<vmem>>
        %dma_wait3A_268 = arith.constant 0 : i32
        %dma_wait3A_269 = arith.constant 0 : i32
        %dma_wait3A_270 = tpu.memref_slice %arg2[%dma_wait3A_268, %dma_wait3A_269] : memref<10000x128xf32, #tpu.memory_space<hbm>> -> memref<10000x128xf32, #tpu.memory_space<hbm>>
        tpu.wait_indirect_dma semaphore(%arg14 : memref<!tpu.dma_semaphore, #tpu.memory_space<semaphore_mem>>) src(%dma_wait3A_270 : memref<10000x128xf32, #tpu.memory_space<hbm>>) dst(%arg11 : memref<128x128xf32, #tpu.memory_space<vmem>>)
        %dma_start3A_271 = arith.constant 7 : i32
        %dma_start3A_272 = arith.constant 0 : i32
        %dma_start3A_273 = tpu.memref_slice %arg8[%dma_start3A_271, %dma_start3A_272] : memref<16x128xi32, #tpu.memory_space<vmem>> -> memref<1x128xi32, #tpu.memory_space<vmem>>
        %dma_start3A_274 = tpu.memref_squeeze %dma_start3A_273 : memref<1x128xi32, #tpu.memory_space<vmem>> -> memref<128xi32, #tpu.memory_space<vmem>>
        %dma_start3A_275 = arith.constant 0 : i32
        %dma_start3A_276 = arith.constant 0 : i32
        %dma_start3A_277 = tpu.memref_slice %arg2[%dma_start3A_275, %dma_start3A_276] : memref<10000x128xf32, #tpu.memory_space<hbm>> -> memref<10000x128xf32, #tpu.memory_space<hbm>>
        tpu.enqueue_indirect_dma source(%dma_start3A_277 : memref<10000x128xf32, #tpu.memory_space<hbm>>) target(%arg12 : memref<128x128xf32, #tpu.memory_space<vmem>>) offsets(%dma_start3A_274 : memref<128xi32, #tpu.memory_space<vmem>>) semaphore(%arg15 : memref<!tpu.dma_semaphore, #tpu.memory_space<semaphore_mem>>)
        %run_scoped3A_278 = arith.constant 6 : i32
        "tpu.region"() ({
          %run_scoped3A_414 = tpu.sem_alloc : memref<!tpu.dma_semaphore, #tpu.memory_space<semaphore_mem>>
          %dma_start3A_415 = arith.constant 0 : i32
          %dma_start3A_416 = tpu.memref_slice %arg10[%run_scoped3A_278, %dma_start3A_415] : memref<16x128xi32, #tpu.memory_space<vmem>> -> memref<1x128xi32, #tpu.memory_space<vmem>>
          %dma_start3A_417 = tpu.memref_squeeze %dma_start3A_416 : memref<1x128xi32, #tpu.memory_space<vmem>> -> memref<128xi32, #tpu.memory_space<vmem>>
          %dma_start3A_418 = arith.constant 0 : i32
          %dma_start3A_419 = arith.constant 0 : i32
          %dma_start3A_420 = tpu.memref_slice %arg13[%dma_start3A_418, %dma_start3A_419] : memref<10240x128xf32, #tpu.memory_space<vmem_shared>> -> memref<10240x128xf32, #tpu.memory_space<vmem_shared>>
          tpu.enqueue_indirect_dma source(%arg11 : memref<128x128xf32, #tpu.memory_space<vmem>>) target(%dma_start3A_420 : memref<10240x128xf32, #tpu.memory_space<vmem_shared>>) offsets(%dma_start3A_417 : memref<128xi32, #tpu.memory_space<vmem>>) semaphore(%run_scoped3A_414 : memref<!tpu.dma_semaphore, #tpu.memory_space<semaphore_mem>>) {add = true}
          %dma_wait3A_421 = arith.constant 0 : i32
          %dma_wait3A_422 = tpu.memref_slice %arg10[%run_scoped3A_278, %dma_wait3A_421] : memref<16x128xi32, #tpu.memory_space<vmem>> -> memref<1x128xi32, #tpu.memory_space<vmem>>
          %dma_wait3A_423 = tpu.memref_squeeze %dma_wait3A_422 : memref<1x128xi32, #tpu.memory_space<vmem>> -> memref<128xi32, #tpu.memory_space<vmem>>
          %dma_wait3A_424 = arith.constant 0 : i32
          %dma_wait3A_425 = arith.constant 0 : i32
          %dma_wait3A_426 = tpu.memref_slice %arg13[%dma_wait3A_424, %dma_wait3A_425] : memref<10240x128xf32, #tpu.memory_space<vmem_shared>> -> memref<10240x128xf32, #tpu.memory_space<vmem_shared>>
          tpu.wait_indirect_dma semaphore(%run_scoped3A_414 : memref<!tpu.dma_semaphore, #tpu.memory_space<semaphore_mem>>) src(%arg11 : memref<128x128xf32, #tpu.memory_space<vmem>>) dst(%dma_wait3A_426 : memref<10240x128xf32, #tpu.memory_space<vmem_shared>>)
          tpu.yield
        }) : () -> ()
        %dma_wait3A_279 = arith.constant 0 : i32
        %dma_wait3A_280 = arith.constant 0 : i32
        %dma_wait3A_281 = tpu.memref_slice %arg7[%dma_wait3A_279, %dma_wait3A_280] : memref<16x128xi32, #tpu.memory_space<vmem>> -> memref<1x128xi32, #tpu.memory_space<vmem>>
        %dma_wait3A_282 = tpu.memref_squeeze %dma_wait3A_281 : memref<1x128xi32, #tpu.memory_space<vmem>> -> memref<128xi32, #tpu.memory_space<vmem>>
        %dma_wait3A_283 = arith.constant 0 : i32
        %dma_wait3A_284 = arith.constant 0 : i32
        %dma_wait3A_285 = tpu.memref_slice %arg2[%dma_wait3A_283, %dma_wait3A_284] : memref<10000x128xf32, #tpu.memory_space<hbm>> -> memref<10000x128xf32, #tpu.memory_space<hbm>>
        tpu.wait_indirect_dma semaphore(%arg15 : memref<!tpu.dma_semaphore, #tpu.memory_space<semaphore_mem>>) src(%dma_wait3A_285 : memref<10000x128xf32, #tpu.memory_space<hbm>>) dst(%arg12 : memref<128x128xf32, #tpu.memory_space<vmem>>)
        %dma_start3A_286 = arith.constant 8 : i32
        %dma_start3A_287 = arith.constant 0 : i32
        %dma_start3A_288 = tpu.memref_slice %arg8[%dma_start3A_286, %dma_start3A_287] : memref<16x128xi32, #tpu.memory_space<vmem>> -> memref<1x128xi32, #tpu.memory_space<vmem>>
        %dma_start3A_289 = tpu.memref_squeeze %dma_start3A_288 : memref<1x128xi32, #tpu.memory_space<vmem>> -> memref<128xi32, #tpu.memory_space<vmem>>
        %dma_start3A_290 = arith.constant 0 : i32
        %dma_start3A_291 = arith.constant 0 : i32
        %dma_start3A_292 = tpu.memref_slice %arg2[%dma_start3A_290, %dma_start3A_291] : memref<10000x128xf32, #tpu.memory_space<hbm>> -> memref<10000x128xf32, #tpu.memory_space<hbm>>
        tpu.enqueue_indirect_dma source(%dma_start3A_292 : memref<10000x128xf32, #tpu.memory_space<hbm>>) target(%arg11 : memref<128x128xf32, #tpu.memory_space<vmem>>) offsets(%dma_start3A_289 : memref<128xi32, #tpu.memory_space<vmem>>) semaphore(%arg14 : memref<!tpu.dma_semaphore, #tpu.memory_space<semaphore_mem>>)
        %run_scoped3A_293 = arith.constant 7 : i32
        "tpu.region"() ({
          %run_scoped3A_414 = tpu.sem_alloc : memref<!tpu.dma_semaphore, #tpu.memory_space<semaphore_mem>>
          %dma_start3A_415 = arith.constant 0 : i32
          %dma_start3A_416 = tpu.memref_slice %arg10[%run_scoped3A_293, %dma_start3A_415] : memref<16x128xi32, #tpu.memory_space<vmem>> -> memref<1x128xi32, #tpu.memory_space<vmem>>
          %dma_start3A_417 = tpu.memref_squeeze %dma_start3A_416 : memref<1x128xi32, #tpu.memory_space<vmem>> -> memref<128xi32, #tpu.memory_space<vmem>>
          %dma_start3A_418 = arith.constant 0 : i32
          %dma_start3A_419 = arith.constant 0 : i32
          %dma_start3A_420 = tpu.memref_slice %arg13[%dma_start3A_418, %dma_start3A_419] : memref<10240x128xf32, #tpu.memory_space<vmem_shared>> -> memref<10240x128xf32, #tpu.memory_space<vmem_shared>>
          tpu.enqueue_indirect_dma source(%arg12 : memref<128x128xf32, #tpu.memory_space<vmem>>) target(%dma_start3A_420 : memref<10240x128xf32, #tpu.memory_space<vmem_shared>>) offsets(%dma_start3A_417 : memref<128xi32, #tpu.memory_space<vmem>>) semaphore(%run_scoped3A_414 : memref<!tpu.dma_semaphore, #tpu.memory_space<semaphore_mem>>) {add = true}
          %dma_wait3A_421 = arith.constant 0 : i32
          %dma_wait3A_422 = tpu.memref_slice %arg10[%run_scoped3A_293, %dma_wait3A_421] : memref<16x128xi32, #tpu.memory_space<vmem>> -> memref<1x128xi32, #tpu.memory_space<vmem>>
          %dma_wait3A_423 = tpu.memref_squeeze %dma_wait3A_422 : memref<1x128xi32, #tpu.memory_space<vmem>> -> memref<128xi32, #tpu.memory_space<vmem>>
          %dma_wait3A_424 = arith.constant 0 : i32
          %dma_wait3A_425 = arith.constant 0 : i32
          %dma_wait3A_426 = tpu.memref_slice %arg13[%dma_wait3A_424, %dma_wait3A_425] : memref<10240x128xf32, #tpu.memory_space<vmem_shared>> -> memref<10240x128xf32, #tpu.memory_space<vmem_shared>>
          tpu.wait_indirect_dma semaphore(%run_scoped3A_414 : memref<!tpu.dma_semaphore, #tpu.memory_space<semaphore_mem>>) src(%arg12 : memref<128x128xf32, #tpu.memory_space<vmem>>) dst(%dma_wait3A_426 : memref<10240x128xf32, #tpu.memory_space<vmem_shared>>)
          tpu.yield
        }) : () -> ()
        %dma_wait3A_294 = arith.constant 0 : i32
        %dma_wait3A_295 = arith.constant 0 : i32
        %dma_wait3A_296 = tpu.memref_slice %arg7[%dma_wait3A_294, %dma_wait3A_295] : memref<16x128xi32, #tpu.memory_space<vmem>> -> memref<1x128xi32, #tpu.memory_space<vmem>>
        %dma_wait3A_297 = tpu.memref_squeeze %dma_wait3A_296 : memref<1x128xi32, #tpu.memory_space<vmem>> -> memref<128xi32, #tpu.memory_space<vmem>>
        %dma_wait3A_298 = arith.constant 0 : i32
        %dma_wait3A_299 = arith.constant 0 : i32
        %dma_wait3A_300 = tpu.memref_slice %arg2[%dma_wait3A_298, %dma_wait3A_299] : memref<10000x128xf32, #tpu.memory_space<hbm>> -> memref<10000x128xf32, #tpu.memory_space<hbm>>
        tpu.wait_indirect_dma semaphore(%arg14 : memref<!tpu.dma_semaphore, #tpu.memory_space<semaphore_mem>>) src(%dma_wait3A_300 : memref<10000x128xf32, #tpu.memory_space<hbm>>) dst(%arg11 : memref<128x128xf32, #tpu.memory_space<vmem>>)
        %dma_start3A_301 = arith.constant 9 : i32
        %dma_start3A_302 = arith.constant 0 : i32
        %dma_start3A_303 = tpu.memref_slice %arg8[%dma_start3A_301, %dma_start3A_302] : memref<16x128xi32, #tpu.memory_space<vmem>> -> memref<1x128xi32, #tpu.memory_space<vmem>>
        %dma_start3A_304 = tpu.memref_squeeze %dma_start3A_303 : memref<1x128xi32, #tpu.memory_space<vmem>> -> memref<128xi32, #tpu.memory_space<vmem>>
        %dma_start3A_305 = arith.constant 0 : i32
        %dma_start3A_306 = arith.constant 0 : i32
        %dma_start3A_307 = tpu.memref_slice %arg2[%dma_start3A_305, %dma_start3A_306] : memref<10000x128xf32, #tpu.memory_space<hbm>> -> memref<10000x128xf32, #tpu.memory_space<hbm>>
        tpu.enqueue_indirect_dma source(%dma_start3A_307 : memref<10000x128xf32, #tpu.memory_space<hbm>>) target(%arg12 : memref<128x128xf32, #tpu.memory_space<vmem>>) offsets(%dma_start3A_304 : memref<128xi32, #tpu.memory_space<vmem>>) semaphore(%arg15 : memref<!tpu.dma_semaphore, #tpu.memory_space<semaphore_mem>>)
        %run_scoped3A_308 = arith.constant 8 : i32
        "tpu.region"() ({
          %run_scoped3A_414 = tpu.sem_alloc : memref<!tpu.dma_semaphore, #tpu.memory_space<semaphore_mem>>
          %dma_start3A_415 = arith.constant 0 : i32
          %dma_start3A_416 = tpu.memref_slice %arg10[%run_scoped3A_308, %dma_start3A_415] : memref<16x128xi32, #tpu.memory_space<vmem>> -> memref<1x128xi32, #tpu.memory_space<vmem>>
          %dma_start3A_417 = tpu.memref_squeeze %dma_start3A_416 : memref<1x128xi32, #tpu.memory_space<vmem>> -> memref<128xi32, #tpu.memory_space<vmem>>
          %dma_start3A_418 = arith.constant 0 : i32
          %dma_start3A_419 = arith.constant 0 : i32
          %dma_start3A_420 = tpu.memref_slice %arg13[%dma_start3A_418, %dma_start3A_419] : memref<10240x128xf32, #tpu.memory_space<vmem_shared>> -> memref<10240x128xf32, #tpu.memory_space<vmem_shared>>
          tpu.enqueue_indirect_dma source(%arg11 : memref<128x128xf32, #tpu.memory_space<vmem>>) target(%dma_start3A_420 : memref<10240x128xf32, #tpu.memory_space<vmem_shared>>) offsets(%dma_start3A_417 : memref<128xi32, #tpu.memory_space<vmem>>) semaphore(%run_scoped3A_414 : memref<!tpu.dma_semaphore, #tpu.memory_space<semaphore_mem>>) {add = true}
          %dma_wait3A_421 = arith.constant 0 : i32
          %dma_wait3A_422 = tpu.memref_slice %arg10[%run_scoped3A_308, %dma_wait3A_421] : memref<16x128xi32, #tpu.memory_space<vmem>> -> memref<1x128xi32, #tpu.memory_space<vmem>>
          %dma_wait3A_423 = tpu.memref_squeeze %dma_wait3A_422 : memref<1x128xi32, #tpu.memory_space<vmem>> -> memref<128xi32, #tpu.memory_space<vmem>>
          %dma_wait3A_424 = arith.constant 0 : i32
          %dma_wait3A_425 = arith.constant 0 : i32
          %dma_wait3A_426 = tpu.memref_slice %arg13[%dma_wait3A_424, %dma_wait3A_425] : memref<10240x128xf32, #tpu.memory_space<vmem_shared>> -> memref<10240x128xf32, #tpu.memory_space<vmem_shared>>
          tpu.wait_indirect_dma semaphore(%run_scoped3A_414 : memref<!tpu.dma_semaphore, #tpu.memory_space<semaphore_mem>>) src(%arg11 : memref<128x128xf32, #tpu.memory_space<vmem>>) dst(%dma_wait3A_426 : memref<10240x128xf32, #tpu.memory_space<vmem_shared>>)
          tpu.yield
        }) : () -> ()
        %dma_wait3A_309 = arith.constant 0 : i32
        %dma_wait3A_310 = arith.constant 0 : i32
        %dma_wait3A_311 = tpu.memref_slice %arg7[%dma_wait3A_309, %dma_wait3A_310] : memref<16x128xi32, #tpu.memory_space<vmem>> -> memref<1x128xi32, #tpu.memory_space<vmem>>
        %dma_wait3A_312 = tpu.memref_squeeze %dma_wait3A_311 : memref<1x128xi32, #tpu.memory_space<vmem>> -> memref<128xi32, #tpu.memory_space<vmem>>
        %dma_wait3A_313 = arith.constant 0 : i32
        %dma_wait3A_314 = arith.constant 0 : i32
        %dma_wait3A_315 = tpu.memref_slice %arg2[%dma_wait3A_313, %dma_wait3A_314] : memref<10000x128xf32, #tpu.memory_space<hbm>> -> memref<10000x128xf32, #tpu.memory_space<hbm>>
        tpu.wait_indirect_dma semaphore(%arg15 : memref<!tpu.dma_semaphore, #tpu.memory_space<semaphore_mem>>) src(%dma_wait3A_315 : memref<10000x128xf32, #tpu.memory_space<hbm>>) dst(%arg12 : memref<128x128xf32, #tpu.memory_space<vmem>>)
        %dma_start3A_316 = arith.constant 10 : i32
        %dma_start3A_317 = arith.constant 0 : i32
        %dma_start3A_318 = tpu.memref_slice %arg8[%dma_start3A_316, %dma_start3A_317] : memref<16x128xi32, #tpu.memory_space<vmem>> -> memref<1x128xi32, #tpu.memory_space<vmem>>
        %dma_start3A_319 = tpu.memref_squeeze %dma_start3A_318 : memref<1x128xi32, #tpu.memory_space<vmem>> -> memref<128xi32, #tpu.memory_space<vmem>>
        %dma_start3A_320 = arith.constant 0 : i32
        %dma_start3A_321 = arith.constant 0 : i32
        %dma_start3A_322 = tpu.memref_slice %arg2[%dma_start3A_320, %dma_start3A_321] : memref<10000x128xf32, #tpu.memory_space<hbm>> -> memref<10000x128xf32, #tpu.memory_space<hbm>>
        tpu.enqueue_indirect_dma source(%dma_start3A_322 : memref<10000x128xf32, #tpu.memory_space<hbm>>) target(%arg11 : memref<128x128xf32, #tpu.memory_space<vmem>>) offsets(%dma_start3A_319 : memref<128xi32, #tpu.memory_space<vmem>>) semaphore(%arg14 : memref<!tpu.dma_semaphore, #tpu.memory_space<semaphore_mem>>)
        %run_scoped3A_323 = arith.constant 9 : i32
        "tpu.region"() ({
          %run_scoped3A_414 = tpu.sem_alloc : memref<!tpu.dma_semaphore, #tpu.memory_space<semaphore_mem>>
          %dma_start3A_415 = arith.constant 0 : i32
          %dma_start3A_416 = tpu.memref_slice %arg10[%run_scoped3A_323, %dma_start3A_415] : memref<16x128xi32, #tpu.memory_space<vmem>> -> memref<1x128xi32, #tpu.memory_space<vmem>>
          %dma_start3A_417 = tpu.memref_squeeze %dma_start3A_416 : memref<1x128xi32, #tpu.memory_space<vmem>> -> memref<128xi32, #tpu.memory_space<vmem>>
          %dma_start3A_418 = arith.constant 0 : i32
          %dma_start3A_419 = arith.constant 0 : i32
          %dma_start3A_420 = tpu.memref_slice %arg13[%dma_start3A_418, %dma_start3A_419] : memref<10240x128xf32, #tpu.memory_space<vmem_shared>> -> memref<10240x128xf32, #tpu.memory_space<vmem_shared>>
          tpu.enqueue_indirect_dma source(%arg12 : memref<128x128xf32, #tpu.memory_space<vmem>>) target(%dma_start3A_420 : memref<10240x128xf32, #tpu.memory_space<vmem_shared>>) offsets(%dma_start3A_417 : memref<128xi32, #tpu.memory_space<vmem>>) semaphore(%run_scoped3A_414 : memref<!tpu.dma_semaphore, #tpu.memory_space<semaphore_mem>>) {add = true}
          %dma_wait3A_421 = arith.constant 0 : i32
          %dma_wait3A_422 = tpu.memref_slice %arg10[%run_scoped3A_323, %dma_wait3A_421] : memref<16x128xi32, #tpu.memory_space<vmem>> -> memref<1x128xi32, #tpu.memory_space<vmem>>
          %dma_wait3A_423 = tpu.memref_squeeze %dma_wait3A_422 : memref<1x128xi32, #tpu.memory_space<vmem>> -> memref<128xi32, #tpu.memory_space<vmem>>
          %dma_wait3A_424 = arith.constant 0 : i32
          %dma_wait3A_425 = arith.constant 0 : i32
          %dma_wait3A_426 = tpu.memref_slice %arg13[%dma_wait3A_424, %dma_wait3A_425] : memref<10240x128xf32, #tpu.memory_space<vmem_shared>> -> memref<10240x128xf32, #tpu.memory_space<vmem_shared>>
          tpu.wait_indirect_dma semaphore(%run_scoped3A_414 : memref<!tpu.dma_semaphore, #tpu.memory_space<semaphore_mem>>) src(%arg12 : memref<128x128xf32, #tpu.memory_space<vmem>>) dst(%dma_wait3A_426 : memref<10240x128xf32, #tpu.memory_space<vmem_shared>>)
          tpu.yield
        }) : () -> ()
        %dma_wait3A_324 = arith.constant 0 : i32
        %dma_wait3A_325 = arith.constant 0 : i32
        %dma_wait3A_326 = tpu.memref_slice %arg7[%dma_wait3A_324, %dma_wait3A_325] : memref<16x128xi32, #tpu.memory_space<vmem>> -> memref<1x128xi32, #tpu.memory_space<vmem>>
        %dma_wait3A_327 = tpu.memref_squeeze %dma_wait3A_326 : memref<1x128xi32, #tpu.memory_space<vmem>> -> memref<128xi32, #tpu.memory_space<vmem>>
        %dma_wait3A_328 = arith.constant 0 : i32
        %dma_wait3A_329 = arith.constant 0 : i32
        %dma_wait3A_330 = tpu.memref_slice %arg2[%dma_wait3A_328, %dma_wait3A_329] : memref<10000x128xf32, #tpu.memory_space<hbm>> -> memref<10000x128xf32, #tpu.memory_space<hbm>>
        tpu.wait_indirect_dma semaphore(%arg14 : memref<!tpu.dma_semaphore, #tpu.memory_space<semaphore_mem>>) src(%dma_wait3A_330 : memref<10000x128xf32, #tpu.memory_space<hbm>>) dst(%arg11 : memref<128x128xf32, #tpu.memory_space<vmem>>)
        %dma_start3A_331 = arith.constant 11 : i32
        %dma_start3A_332 = arith.constant 0 : i32
        %dma_start3A_333 = tpu.memref_slice %arg8[%dma_start3A_331, %dma_start3A_332] : memref<16x128xi32, #tpu.memory_space<vmem>> -> memref<1x128xi32, #tpu.memory_space<vmem>>
        %dma_start3A_334 = tpu.memref_squeeze %dma_start3A_333 : memref<1x128xi32, #tpu.memory_space<vmem>> -> memref<128xi32, #tpu.memory_space<vmem>>
        %dma_start3A_335 = arith.constant 0 : i32
        %dma_start3A_336 = arith.constant 0 : i32
        %dma_start3A_337 = tpu.memref_slice %arg2[%dma_start3A_335, %dma_start3A_336] : memref<10000x128xf32, #tpu.memory_space<hbm>> -> memref<10000x128xf32, #tpu.memory_space<hbm>>
        tpu.enqueue_indirect_dma source(%dma_start3A_337 : memref<10000x128xf32, #tpu.memory_space<hbm>>) target(%arg12 : memref<128x128xf32, #tpu.memory_space<vmem>>) offsets(%dma_start3A_334 : memref<128xi32, #tpu.memory_space<vmem>>) semaphore(%arg15 : memref<!tpu.dma_semaphore, #tpu.memory_space<semaphore_mem>>)
        %run_scoped3A_338 = arith.constant 10 : i32
        "tpu.region"() ({
          %run_scoped3A_414 = tpu.sem_alloc : memref<!tpu.dma_semaphore, #tpu.memory_space<semaphore_mem>>
          %dma_start3A_415 = arith.constant 0 : i32
          %dma_start3A_416 = tpu.memref_slice %arg10[%run_scoped3A_338, %dma_start3A_415] : memref<16x128xi32, #tpu.memory_space<vmem>> -> memref<1x128xi32, #tpu.memory_space<vmem>>
          %dma_start3A_417 = tpu.memref_squeeze %dma_start3A_416 : memref<1x128xi32, #tpu.memory_space<vmem>> -> memref<128xi32, #tpu.memory_space<vmem>>
          %dma_start3A_418 = arith.constant 0 : i32
          %dma_start3A_419 = arith.constant 0 : i32
          %dma_start3A_420 = tpu.memref_slice %arg13[%dma_start3A_418, %dma_start3A_419] : memref<10240x128xf32, #tpu.memory_space<vmem_shared>> -> memref<10240x128xf32, #tpu.memory_space<vmem_shared>>
          tpu.enqueue_indirect_dma source(%arg11 : memref<128x128xf32, #tpu.memory_space<vmem>>) target(%dma_start3A_420 : memref<10240x128xf32, #tpu.memory_space<vmem_shared>>) offsets(%dma_start3A_417 : memref<128xi32, #tpu.memory_space<vmem>>) semaphore(%run_scoped3A_414 : memref<!tpu.dma_semaphore, #tpu.memory_space<semaphore_mem>>) {add = true}
          %dma_wait3A_421 = arith.constant 0 : i32
          %dma_wait3A_422 = tpu.memref_slice %arg10[%run_scoped3A_338, %dma_wait3A_421] : memref<16x128xi32, #tpu.memory_space<vmem>> -> memref<1x128xi32, #tpu.memory_space<vmem>>
          %dma_wait3A_423 = tpu.memref_squeeze %dma_wait3A_422 : memref<1x128xi32, #tpu.memory_space<vmem>> -> memref<128xi32, #tpu.memory_space<vmem>>
          %dma_wait3A_424 = arith.constant 0 : i32
          %dma_wait3A_425 = arith.constant 0 : i32
          %dma_wait3A_426 = tpu.memref_slice %arg13[%dma_wait3A_424, %dma_wait3A_425] : memref<10240x128xf32, #tpu.memory_space<vmem_shared>> -> memref<10240x128xf32, #tpu.memory_space<vmem_shared>>
          tpu.wait_indirect_dma semaphore(%run_scoped3A_414 : memref<!tpu.dma_semaphore, #tpu.memory_space<semaphore_mem>>) src(%arg11 : memref<128x128xf32, #tpu.memory_space<vmem>>) dst(%dma_wait3A_426 : memref<10240x128xf32, #tpu.memory_space<vmem_shared>>)
          tpu.yield
        }) : () -> ()
        %dma_wait3A_339 = arith.constant 0 : i32
        %dma_wait3A_340 = arith.constant 0 : i32
        %dma_wait3A_341 = tpu.memref_slice %arg7[%dma_wait3A_339, %dma_wait3A_340] : memref<16x128xi32, #tpu.memory_space<vmem>> -> memref<1x128xi32, #tpu.memory_space<vmem>>
        %dma_wait3A_342 = tpu.memref_squeeze %dma_wait3A_341 : memref<1x128xi32, #tpu.memory_space<vmem>> -> memref<128xi32, #tpu.memory_space<vmem>>
        %dma_wait3A_343 = arith.constant 0 : i32
        %dma_wait3A_344 = arith.constant 0 : i32
        %dma_wait3A_345 = tpu.memref_slice %arg2[%dma_wait3A_343, %dma_wait3A_344] : memref<10000x128xf32, #tpu.memory_space<hbm>> -> memref<10000x128xf32, #tpu.memory_space<hbm>>
        tpu.wait_indirect_dma semaphore(%arg15 : memref<!tpu.dma_semaphore, #tpu.memory_space<semaphore_mem>>) src(%dma_wait3A_345 : memref<10000x128xf32, #tpu.memory_space<hbm>>) dst(%arg12 : memref<128x128xf32, #tpu.memory_space<vmem>>)
        %dma_start3A_346 = arith.constant 12 : i32
        %dma_start3A_347 = arith.constant 0 : i32
        %dma_start3A_348 = tpu.memref_slice %arg8[%dma_start3A_346, %dma_start3A_347] : memref<16x128xi32, #tpu.memory_space<vmem>> -> memref<1x128xi32, #tpu.memory_space<vmem>>
        %dma_start3A_349 = tpu.memref_squeeze %dma_start3A_348 : memref<1x128xi32, #tpu.memory_space<vmem>> -> memref<128xi32, #tpu.memory_space<vmem>>
        %dma_start3A_350 = arith.constant 0 : i32
        %dma_start3A_351 = arith.constant 0 : i32
        %dma_start3A_352 = tpu.memref_slice %arg2[%dma_start3A_350, %dma_start3A_351] : memref<10000x128xf32, #tpu.memory_space<hbm>> -> memref<10000x128xf32, #tpu.memory_space<hbm>>
        tpu.enqueue_indirect_dma source(%dma_start3A_352 : memref<10000x128xf32, #tpu.memory_space<hbm>>) target(%arg11 : memref<128x128xf32, #tpu.memory_space<vmem>>) offsets(%dma_start3A_349 : memref<128xi32, #tpu.memory_space<vmem>>) semaphore(%arg14 : memref<!tpu.dma_semaphore, #tpu.memory_space<semaphore_mem>>)
        %run_scoped3A_353 = arith.constant 11 : i32
        "tpu.region"() ({
          %run_scoped3A_414 = tpu.sem_alloc : memref<!tpu.dma_semaphore, #tpu.memory_space<semaphore_mem>>
          %dma_start3A_415 = arith.constant 0 : i32
          %dma_start3A_416 = tpu.memref_slice %arg10[%run_scoped3A_353, %dma_start3A_415] : memref<16x128xi32, #tpu.memory_space<vmem>> -> memref<1x128xi32, #tpu.memory_space<vmem>>
          %dma_start3A_417 = tpu.memref_squeeze %dma_start3A_416 : memref<1x128xi32, #tpu.memory_space<vmem>> -> memref<128xi32, #tpu.memory_space<vmem>>
          %dma_start3A_418 = arith.constant 0 : i32
          %dma_start3A_419 = arith.constant 0 : i32
          %dma_start3A_420 = tpu.memref_slice %arg13[%dma_start3A_418, %dma_start3A_419] : memref<10240x128xf32, #tpu.memory_space<vmem_shared>> -> memref<10240x128xf32, #tpu.memory_space<vmem_shared>>
          tpu.enqueue_indirect_dma source(%arg12 : memref<128x128xf32, #tpu.memory_space<vmem>>) target(%dma_start3A_420 : memref<10240x128xf32, #tpu.memory_space<vmem_shared>>) offsets(%dma_start3A_417 : memref<128xi32, #tpu.memory_space<vmem>>) semaphore(%run_scoped3A_414 : memref<!tpu.dma_semaphore, #tpu.memory_space<semaphore_mem>>) {add = true}
          %dma_wait3A_421 = arith.constant 0 : i32
          %dma_wait3A_422 = tpu.memref_slice %arg10[%run_scoped3A_353, %dma_wait3A_421] : memref<16x128xi32, #tpu.memory_space<vmem>> -> memref<1x128xi32, #tpu.memory_space<vmem>>
          %dma_wait3A_423 = tpu.memref_squeeze %dma_wait3A_422 : memref<1x128xi32, #tpu.memory_space<vmem>> -> memref<128xi32, #tpu.memory_space<vmem>>
          %dma_wait3A_424 = arith.constant 0 : i32
          %dma_wait3A_425 = arith.constant 0 : i32
          %dma_wait3A_426 = tpu.memref_slice %arg13[%dma_wait3A_424, %dma_wait3A_425] : memref<10240x128xf32, #tpu.memory_space<vmem_shared>> -> memref<10240x128xf32, #tpu.memory_space<vmem_shared>>
          tpu.wait_indirect_dma semaphore(%run_scoped3A_414 : memref<!tpu.dma_semaphore, #tpu.memory_space<semaphore_mem>>) src(%arg12 : memref<128x128xf32, #tpu.memory_space<vmem>>) dst(%dma_wait3A_426 : memref<10240x128xf32, #tpu.memory_space<vmem_shared>>)
          tpu.yield
        }) : () -> ()
        %dma_wait3A_354 = arith.constant 0 : i32
        %dma_wait3A_355 = arith.constant 0 : i32
        %dma_wait3A_356 = tpu.memref_slice %arg7[%dma_wait3A_354, %dma_wait3A_355] : memref<16x128xi32, #tpu.memory_space<vmem>> -> memref<1x128xi32, #tpu.memory_space<vmem>>
        %dma_wait3A_357 = tpu.memref_squeeze %dma_wait3A_356 : memref<1x128xi32, #tpu.memory_space<vmem>> -> memref<128xi32, #tpu.memory_space<vmem>>
        %dma_wait3A_358 = arith.constant 0 : i32
        %dma_wait3A_359 = arith.constant 0 : i32
        %dma_wait3A_360 = tpu.memref_slice %arg2[%dma_wait3A_358, %dma_wait3A_359] : memref<10000x128xf32, #tpu.memory_space<hbm>> -> memref<10000x128xf32, #tpu.memory_space<hbm>>
        tpu.wait_indirect_dma semaphore(%arg14 : memref<!tpu.dma_semaphore, #tpu.memory_space<semaphore_mem>>) src(%dma_wait3A_360 : memref<10000x128xf32, #tpu.memory_space<hbm>>) dst(%arg11 : memref<128x128xf32, #tpu.memory_space<vmem>>)
        %dma_start3A_361 = arith.constant 13 : i32
        %dma_start3A_362 = arith.constant 0 : i32
        %dma_start3A_363 = tpu.memref_slice %arg8[%dma_start3A_361, %dma_start3A_362] : memref<16x128xi32, #tpu.memory_space<vmem>> -> memref<1x128xi32, #tpu.memory_space<vmem>>
        %dma_start3A_364 = tpu.memref_squeeze %dma_start3A_363 : memref<1x128xi32, #tpu.memory_space<vmem>> -> memref<128xi32, #tpu.memory_space<vmem>>
        %dma_start3A_365 = arith.constant 0 : i32
        %dma_start3A_366 = arith.constant 0 : i32
        %dma_start3A_367 = tpu.memref_slice %arg2[%dma_start3A_365, %dma_start3A_366] : memref<10000x128xf32, #tpu.memory_space<hbm>> -> memref<10000x128xf32, #tpu.memory_space<hbm>>
        tpu.enqueue_indirect_dma source(%dma_start3A_367 : memref<10000x128xf32, #tpu.memory_space<hbm>>) target(%arg12 : memref<128x128xf32, #tpu.memory_space<vmem>>) offsets(%dma_start3A_364 : memref<128xi32, #tpu.memory_space<vmem>>) semaphore(%arg15 : memref<!tpu.dma_semaphore, #tpu.memory_space<semaphore_mem>>)
        %run_scoped3A_368 = arith.constant 12 : i32
        "tpu.region"() ({
          %run_scoped3A_414 = tpu.sem_alloc : memref<!tpu.dma_semaphore, #tpu.memory_space<semaphore_mem>>
          %dma_start3A_415 = arith.constant 0 : i32
          %dma_start3A_416 = tpu.memref_slice %arg10[%run_scoped3A_368, %dma_start3A_415] : memref<16x128xi32, #tpu.memory_space<vmem>> -> memref<1x128xi32, #tpu.memory_space<vmem>>
          %dma_start3A_417 = tpu.memref_squeeze %dma_start3A_416 : memref<1x128xi32, #tpu.memory_space<vmem>> -> memref<128xi32, #tpu.memory_space<vmem>>
          %dma_start3A_418 = arith.constant 0 : i32
          %dma_start3A_419 = arith.constant 0 : i32
          %dma_start3A_420 = tpu.memref_slice %arg13[%dma_start3A_418, %dma_start3A_419] : memref<10240x128xf32, #tpu.memory_space<vmem_shared>> -> memref<10240x128xf32, #tpu.memory_space<vmem_shared>>
          tpu.enqueue_indirect_dma source(%arg11 : memref<128x128xf32, #tpu.memory_space<vmem>>) target(%dma_start3A_420 : memref<10240x128xf32, #tpu.memory_space<vmem_shared>>) offsets(%dma_start3A_417 : memref<128xi32, #tpu.memory_space<vmem>>) semaphore(%run_scoped3A_414 : memref<!tpu.dma_semaphore, #tpu.memory_space<semaphore_mem>>) {add = true}
          %dma_wait3A_421 = arith.constant 0 : i32
          %dma_wait3A_422 = tpu.memref_slice %arg10[%run_scoped3A_368, %dma_wait3A_421] : memref<16x128xi32, #tpu.memory_space<vmem>> -> memref<1x128xi32, #tpu.memory_space<vmem>>
          %dma_wait3A_423 = tpu.memref_squeeze %dma_wait3A_422 : memref<1x128xi32, #tpu.memory_space<vmem>> -> memref<128xi32, #tpu.memory_space<vmem>>
          %dma_wait3A_424 = arith.constant 0 : i32
          %dma_wait3A_425 = arith.constant 0 : i32
          %dma_wait3A_426 = tpu.memref_slice %arg13[%dma_wait3A_424, %dma_wait3A_425] : memref<10240x128xf32, #tpu.memory_space<vmem_shared>> -> memref<10240x128xf32, #tpu.memory_space<vmem_shared>>
          tpu.wait_indirect_dma semaphore(%run_scoped3A_414 : memref<!tpu.dma_semaphore, #tpu.memory_space<semaphore_mem>>) src(%arg11 : memref<128x128xf32, #tpu.memory_space<vmem>>) dst(%dma_wait3A_426 : memref<10240x128xf32, #tpu.memory_space<vmem_shared>>)
          tpu.yield
        }) : () -> ()
        %dma_wait3A_369 = arith.constant 0 : i32
        %dma_wait3A_370 = arith.constant 0 : i32
        %dma_wait3A_371 = tpu.memref_slice %arg7[%dma_wait3A_369, %dma_wait3A_370] : memref<16x128xi32, #tpu.memory_space<vmem>> -> memref<1x128xi32, #tpu.memory_space<vmem>>
        %dma_wait3A_372 = tpu.memref_squeeze %dma_wait3A_371 : memref<1x128xi32, #tpu.memory_space<vmem>> -> memref<128xi32, #tpu.memory_space<vmem>>
        %dma_wait3A_373 = arith.constant 0 : i32
        %dma_wait3A_374 = arith.constant 0 : i32
        %dma_wait3A_375 = tpu.memref_slice %arg2[%dma_wait3A_373, %dma_wait3A_374] : memref<10000x128xf32, #tpu.memory_space<hbm>> -> memref<10000x128xf32, #tpu.memory_space<hbm>>
        tpu.wait_indirect_dma semaphore(%arg15 : memref<!tpu.dma_semaphore, #tpu.memory_space<semaphore_mem>>) src(%dma_wait3A_375 : memref<10000x128xf32, #tpu.memory_space<hbm>>) dst(%arg12 : memref<128x128xf32, #tpu.memory_space<vmem>>)
        %dma_start3A_376 = arith.constant 14 : i32
        %dma_start3A_377 = arith.constant 0 : i32
        %dma_start3A_378 = tpu.memref_slice %arg8[%dma_start3A_376, %dma_start3A_377] : memref<16x128xi32, #tpu.memory_space<vmem>> -> memref<1x128xi32, #tpu.memory_space<vmem>>
        %dma_start3A_379 = tpu.memref_squeeze %dma_start3A_378 : memref<1x128xi32, #tpu.memory_space<vmem>> -> memref<128xi32, #tpu.memory_space<vmem>>
        %dma_start3A_380 = arith.constant 0 : i32
        %dma_start3A_381 = arith.constant 0 : i32
        %dma_start3A_382 = tpu.memref_slice %arg2[%dma_start3A_380, %dma_start3A_381] : memref<10000x128xf32, #tpu.memory_space<hbm>> -> memref<10000x128xf32, #tpu.memory_space<hbm>>
        tpu.enqueue_indirect_dma source(%dma_start3A_382 : memref<10000x128xf32, #tpu.memory_space<hbm>>) target(%arg11 : memref<128x128xf32, #tpu.memory_space<vmem>>) offsets(%dma_start3A_379 : memref<128xi32, #tpu.memory_space<vmem>>) semaphore(%arg14 : memref<!tpu.dma_semaphore, #tpu.memory_space<semaphore_mem>>)
        %run_scoped3A_383 = arith.constant 13 : i32
        "tpu.region"() ({
          %run_scoped3A_414 = tpu.sem_alloc : memref<!tpu.dma_semaphore, #tpu.memory_space<semaphore_mem>>
          %dma_start3A_415 = arith.constant 0 : i32
          %dma_start3A_416 = tpu.memref_slice %arg10[%run_scoped3A_383, %dma_start3A_415] : memref<16x128xi32, #tpu.memory_space<vmem>> -> memref<1x128xi32, #tpu.memory_space<vmem>>
          %dma_start3A_417 = tpu.memref_squeeze %dma_start3A_416 : memref<1x128xi32, #tpu.memory_space<vmem>> -> memref<128xi32, #tpu.memory_space<vmem>>
          %dma_start3A_418 = arith.constant 0 : i32
          %dma_start3A_419 = arith.constant 0 : i32
          %dma_start3A_420 = tpu.memref_slice %arg13[%dma_start3A_418, %dma_start3A_419] : memref<10240x128xf32, #tpu.memory_space<vmem_shared>> -> memref<10240x128xf32, #tpu.memory_space<vmem_shared>>
          tpu.enqueue_indirect_dma source(%arg12 : memref<128x128xf32, #tpu.memory_space<vmem>>) target(%dma_start3A_420 : memref<10240x128xf32, #tpu.memory_space<vmem_shared>>) offsets(%dma_start3A_417 : memref<128xi32, #tpu.memory_space<vmem>>) semaphore(%run_scoped3A_414 : memref<!tpu.dma_semaphore, #tpu.memory_space<semaphore_mem>>) {add = true}
          %dma_wait3A_421 = arith.constant 0 : i32
          %dma_wait3A_422 = tpu.memref_slice %arg10[%run_scoped3A_383, %dma_wait3A_421] : memref<16x128xi32, #tpu.memory_space<vmem>> -> memref<1x128xi32, #tpu.memory_space<vmem>>
          %dma_wait3A_423 = tpu.memref_squeeze %dma_wait3A_422 : memref<1x128xi32, #tpu.memory_space<vmem>> -> memref<128xi32, #tpu.memory_space<vmem>>
          %dma_wait3A_424 = arith.constant 0 : i32
          %dma_wait3A_425 = arith.constant 0 : i32
          %dma_wait3A_426 = tpu.memref_slice %arg13[%dma_wait3A_424, %dma_wait3A_425] : memref<10240x128xf32, #tpu.memory_space<vmem_shared>> -> memref<10240x128xf32, #tpu.memory_space<vmem_shared>>
          tpu.wait_indirect_dma semaphore(%run_scoped3A_414 : memref<!tpu.dma_semaphore, #tpu.memory_space<semaphore_mem>>) src(%arg12 : memref<128x128xf32, #tpu.memory_space<vmem>>) dst(%dma_wait3A_426 : memref<10240x128xf32, #tpu.memory_space<vmem_shared>>)
          tpu.yield
        }) : () -> ()
        %dma_wait3A_384 = arith.constant 0 : i32
        %dma_wait3A_385 = arith.constant 0 : i32
        %dma_wait3A_386 = tpu.memref_slice %arg7[%dma_wait3A_384, %dma_wait3A_385] : memref<16x128xi32, #tpu.memory_space<vmem>> -> memref<1x128xi32, #tpu.memory_space<vmem>>
        %dma_wait3A_387 = tpu.memref_squeeze %dma_wait3A_386 : memref<1x128xi32, #tpu.memory_space<vmem>> -> memref<128xi32, #tpu.memory_space<vmem>>
        %dma_wait3A_388 = arith.constant 0 : i32
        %dma_wait3A_389 = arith.constant 0 : i32
        %dma_wait3A_390 = tpu.memref_slice %arg2[%dma_wait3A_388, %dma_wait3A_389] : memref<10000x128xf32, #tpu.memory_space<hbm>> -> memref<10000x128xf32, #tpu.memory_space<hbm>>
        tpu.wait_indirect_dma semaphore(%arg14 : memref<!tpu.dma_semaphore, #tpu.memory_space<semaphore_mem>>) src(%dma_wait3A_390 : memref<10000x128xf32, #tpu.memory_space<hbm>>) dst(%arg11 : memref<128x128xf32, #tpu.memory_space<vmem>>)
        %dma_start3A_391 = arith.constant 15 : i32
        %dma_start3A_392 = arith.constant 0 : i32
        %dma_start3A_393 = tpu.memref_slice %arg8[%dma_start3A_391, %dma_start3A_392] : memref<16x128xi32, #tpu.memory_space<vmem>> -> memref<1x128xi32, #tpu.memory_space<vmem>>
        %dma_start3A_394 = tpu.memref_squeeze %dma_start3A_393 : memref<1x128xi32, #tpu.memory_space<vmem>> -> memref<128xi32, #tpu.memory_space<vmem>>
        %dma_start3A_395 = arith.constant 0 : i32
        %dma_start3A_396 = arith.constant 0 : i32
        %dma_start3A_397 = tpu.memref_slice %arg2[%dma_start3A_395, %dma_start3A_396] : memref<10000x128xf32, #tpu.memory_space<hbm>> -> memref<10000x128xf32, #tpu.memory_space<hbm>>
        tpu.enqueue_indirect_dma source(%dma_start3A_397 : memref<10000x128xf32, #tpu.memory_space<hbm>>) target(%arg12 : memref<128x128xf32, #tpu.memory_space<vmem>>) offsets(%dma_start3A_394 : memref<128xi32, #tpu.memory_space<vmem>>) semaphore(%arg15 : memref<!tpu.dma_semaphore, #tpu.memory_space<semaphore_mem>>)
        %run_scoped3A_398 = arith.constant 14 : i32
        "tpu.region"() ({
          %run_scoped3A_414 = tpu.sem_alloc : memref<!tpu.dma_semaphore, #tpu.memory_space<semaphore_mem>>
          %dma_start3A_415 = arith.constant 0 : i32
          %dma_start3A_416 = tpu.memref_slice %arg10[%run_scoped3A_398, %dma_start3A_415] : memref<16x128xi32, #tpu.memory_space<vmem>> -> memref<1x128xi32, #tpu.memory_space<vmem>>
          %dma_start3A_417 = tpu.memref_squeeze %dma_start3A_416 : memref<1x128xi32, #tpu.memory_space<vmem>> -> memref<128xi32, #tpu.memory_space<vmem>>
          %dma_start3A_418 = arith.constant 0 : i32
          %dma_start3A_419 = arith.constant 0 : i32
          %dma_start3A_420 = tpu.memref_slice %arg13[%dma_start3A_418, %dma_start3A_419] : memref<10240x128xf32, #tpu.memory_space<vmem_shared>> -> memref<10240x128xf32, #tpu.memory_space<vmem_shared>>
          tpu.enqueue_indirect_dma source(%arg11 : memref<128x128xf32, #tpu.memory_space<vmem>>) target(%dma_start3A_420 : memref<10240x128xf32, #tpu.memory_space<vmem_shared>>) offsets(%dma_start3A_417 : memref<128xi32, #tpu.memory_space<vmem>>) semaphore(%run_scoped3A_414 : memref<!tpu.dma_semaphore, #tpu.memory_space<semaphore_mem>>) {add = true}
          %dma_wait3A_421 = arith.constant 0 : i32
          %dma_wait3A_422 = tpu.memref_slice %arg10[%run_scoped3A_398, %dma_wait3A_421] : memref<16x128xi32, #tpu.memory_space<vmem>> -> memref<1x128xi32, #tpu.memory_space<vmem>>
          %dma_wait3A_423 = tpu.memref_squeeze %dma_wait3A_422 : memref<1x128xi32, #tpu.memory_space<vmem>> -> memref<128xi32, #tpu.memory_space<vmem>>
          %dma_wait3A_424 = arith.constant 0 : i32
          %dma_wait3A_425 = arith.constant 0 : i32
          %dma_wait3A_426 = tpu.memref_slice %arg13[%dma_wait3A_424, %dma_wait3A_425] : memref<10240x128xf32, #tpu.memory_space<vmem_shared>> -> memref<10240x128xf32, #tpu.memory_space<vmem_shared>>
          tpu.wait_indirect_dma semaphore(%run_scoped3A_414 : memref<!tpu.dma_semaphore, #tpu.memory_space<semaphore_mem>>) src(%arg11 : memref<128x128xf32, #tpu.memory_space<vmem>>) dst(%dma_wait3A_426 : memref<10240x128xf32, #tpu.memory_space<vmem_shared>>)
          tpu.yield
        }) : () -> ()
        %dma_wait3A_399 = arith.constant 0 : i32
        %dma_wait3A_400 = arith.constant 0 : i32
        %dma_wait3A_401 = tpu.memref_slice %arg7[%dma_wait3A_399, %dma_wait3A_400] : memref<16x128xi32, #tpu.memory_space<vmem>> -> memref<1x128xi32, #tpu.memory_space<vmem>>
        %dma_wait3A_402 = tpu.memref_squeeze %dma_wait3A_401 : memref<1x128xi32, #tpu.memory_space<vmem>> -> memref<128xi32, #tpu.memory_space<vmem>>
        %dma_wait3A_403 = arith.constant 0 : i32
        %dma_wait3A_404 = arith.constant 0 : i32
        %dma_wait3A_405 = tpu.memref_slice %arg2[%dma_wait3A_403, %dma_wait3A_404] : memref<10000x128xf32, #tpu.memory_space<hbm>> -> memref<10000x128xf32, #tpu.memory_space<hbm>>
        tpu.wait_indirect_dma semaphore(%arg15 : memref<!tpu.dma_semaphore, #tpu.memory_space<semaphore_mem>>) src(%dma_wait3A_405 : memref<10000x128xf32, #tpu.memory_space<hbm>>) dst(%arg12 : memref<128x128xf32, #tpu.memory_space<vmem>>)
        %add3A_406 = arith.constant 1 : i32
        %add3A_407 = arith.addi %add3A_131, %add3A_406 : i32
        %lt3A_408 = arith.constant 5 : i32
        %lt3A_409 = arith.cmpi slt, %add3A_407, %lt3A_408 : i32
        %convert_element_type3A_410 = arith.extui %lt3A_409 : i1 to i32
        %cond3A_411 = arith.constant 0 : i32
        %cond3A_412 = arith.cmpi ne, %convert_element_type3A_410, %cond3A_411 : i32
        scf.if %cond3A_412 {
          %dma_wait3A_414 = arith.constant 0 : i32
          %dma_wait3A_415 = arith.constant 0 : i32
          %dma_wait3A_416 = tpu.memref_slice %arg3[%dma_wait3A_414, %dma_wait3A_415] : memref<2560x128xi32, #tpu.memory_space<hbm>> -> memref<16x128xi32, #tpu.memory_space<hbm>>
          %dma_wait3A_417 = arith.constant 0 : i32
          %dma_wait3A_418 = arith.constant 0 : i32
          %dma_wait3A_419 = tpu.memref_slice %arg3[%dma_wait3A_417, %dma_wait3A_418] : memref<2560x128xi32, #tpu.memory_space<hbm>> -> memref<16x128xi32, #tpu.memory_space<hbm>>
          tpu.wait_dma2 semaphore(%arg16 : memref<!tpu.dma_semaphore, #tpu.memory_space<semaphore_mem>>) src(%dma_wait3A_419 : memref<16x128xi32, #tpu.memory_space<hbm>>) dst(%arg7 : memref<16x128xi32, #tpu.memory_space<vmem>>)
          %dma_wait3A_420 = arith.constant 0 : i32
          %dma_wait3A_421 = arith.constant 0 : i32
          %dma_wait3A_422 = tpu.memref_slice %arg4[%dma_wait3A_420, %dma_wait3A_421] : memref<2560x128xi32, #tpu.memory_space<hbm>> -> memref<16x128xi32, #tpu.memory_space<hbm>>
          %dma_wait3A_423 = arith.constant 0 : i32
          %dma_wait3A_424 = arith.constant 0 : i32
          %dma_wait3A_425 = tpu.memref_slice %arg4[%dma_wait3A_423, %dma_wait3A_424] : memref<2560x128xi32, #tpu.memory_space<hbm>> -> memref<16x128xi32, #tpu.memory_space<hbm>>
          tpu.wait_dma2 semaphore(%arg16 : memref<!tpu.dma_semaphore, #tpu.memory_space<semaphore_mem>>) src(%dma_wait3A_425 : memref<16x128xi32, #tpu.memory_space<hbm>>) dst(%arg9 : memref<16x128xi32, #tpu.memory_space<vmem>>)
          %dma_start3A_426 = arith.constant 0 : i32
          %dma_start3A_427 = arith.constant 0 : i32
          %dma_start3A_428 = tpu.memref_slice %arg7[%dma_start3A_426, %dma_start3A_427] : memref<16x128xi32, #tpu.memory_space<vmem>> -> memref<1x128xi32, #tpu.memory_space<vmem>>
          %dma_start3A_429 = tpu.memref_squeeze %dma_start3A_428 : memref<1x128xi32, #tpu.memory_space<vmem>> -> memref<128xi32, #tpu.memory_space<vmem>>
          %dma_start3A_430 = arith.constant 0 : i32
          %dma_start3A_431 = arith.constant 0 : i32
          %dma_start3A_432 = tpu.memref_slice %arg2[%dma_start3A_430, %dma_start3A_431] : memref<10000x128xf32, #tpu.memory_space<hbm>> -> memref<10000x128xf32, #tpu.memory_space<hbm>>
          tpu.enqueue_indirect_dma source(%dma_start3A_432 : memref<10000x128xf32, #tpu.memory_space<hbm>>) target(%arg11 : memref<128x128xf32, #tpu.memory_space<vmem>>) offsets(%dma_start3A_429 : memref<128xi32, #tpu.memory_space<vmem>>) semaphore(%arg14 : memref<!tpu.dma_semaphore, #tpu.memory_space<semaphore_mem>>)
        } else {
        }
        %run_scoped3A_413 = arith.constant 15 : i32
        "tpu.region"() ({
          %run_scoped3A_414 = tpu.sem_alloc : memref<!tpu.dma_semaphore, #tpu.memory_space<semaphore_mem>>
          %dma_start3A_415 = arith.constant 0 : i32
          %dma_start3A_416 = tpu.memref_slice %arg10[%run_scoped3A_413, %dma_start3A_415] : memref<16x128xi32, #tpu.memory_space<vmem>> -> memref<1x128xi32, #tpu.memory_space<vmem>>
          %dma_start3A_417 = tpu.memref_squeeze %dma_start3A_416 : memref<1x128xi32, #tpu.memory_space<vmem>> -> memref<128xi32, #tpu.memory_space<vmem>>
          %dma_start3A_418 = arith.constant 0 : i32
          %dma_start3A_419 = arith.constant 0 : i32
          %dma_start3A_420 = tpu.memref_slice %arg13[%dma_start3A_418, %dma_start3A_419] : memref<10240x128xf32, #tpu.memory_space<vmem_shared>> -> memref<10240x128xf32, #tpu.memory_space<vmem_shared>>
          tpu.enqueue_indirect_dma source(%arg12 : memref<128x128xf32, #tpu.memory_space<vmem>>) target(%dma_start3A_420 : memref<10240x128xf32, #tpu.memory_space<vmem_shared>>) offsets(%dma_start3A_417 : memref<128xi32, #tpu.memory_space<vmem>>) semaphore(%run_scoped3A_414 : memref<!tpu.dma_semaphore, #tpu.memory_space<semaphore_mem>>) {add = true}
          %dma_wait3A_421 = arith.constant 0 : i32
          %dma_wait3A_422 = tpu.memref_slice %arg10[%run_scoped3A_413, %dma_wait3A_421] : memref<16x128xi32, #tpu.memory_space<vmem>> -> memref<1x128xi32, #tpu.memory_space<vmem>>
          %dma_wait3A_423 = tpu.memref_squeeze %dma_wait3A_422 : memref<1x128xi32, #tpu.memory_space<vmem>> -> memref<128xi32, #tpu.memory_space<vmem>>
          %dma_wait3A_424 = arith.constant 0 : i32
          %dma_wait3A_425 = arith.constant 0 : i32
          %dma_wait3A_426 = tpu.memref_slice %arg13[%dma_wait3A_424, %dma_wait3A_425] : memref<10240x128xf32, #tpu.memory_space<vmem_shared>> -> memref<10240x128xf32, #tpu.memory_space<vmem_shared>>
          tpu.wait_indirect_dma semaphore(%run_scoped3A_414 : memref<!tpu.dma_semaphore, #tpu.memory_space<semaphore_mem>>) src(%arg12 : memref<128x128xf32, #tpu.memory_space<vmem>>) dst(%dma_wait3A_426 : memref<10240x128xf32, #tpu.memory_space<vmem_shared>>)
          tpu.yield
        }) : () -> ()
      } else {
      }
    }
    %scan3A_58 = arith.constant 5 : i32
    %barrier3A_59 = arith.constant 0 : index
    tpu.barrier barrier_id(%barrier3A_59)
    %mul3A_60 = arith.constant 640 : i32
    %mul3A_61 = arith.muli %arg1, %mul3A_60 : i32
    %add3A_62 = arith.constant 0 : i32
    %add3A_63 = arith.addi %mul3A_61, %add3A_62 : i32
    %eq3A = arith.constant 0 : i32
    %eq3A_64 = arith.cmpi eq, %arg0, %eq3A : i32
    %convert_element_type3A = arith.extui %eq3A_64 : i1 to i32
    %cond3A = arith.constant 0 : i32
    %cond3A_65 = arith.cmpi ne, %convert_element_type3A, %cond3A : i32
    scf.if %cond3A_65 {
      "tpu.region"() ({
        %run_scoped3A = tpu.sem_alloc : memref<!tpu.dma_semaphore, #tpu.memory_space<semaphore_mem>>
        %dma_start3A_127 = arith.constant 0 : i32
        %dma_start3A_128 = tpu.memref_slice %arg5[%add3A_63, %dma_start3A_127] : memref<10240x128xf32, #tpu.memory_space<hbm>> -> memref<128x128xf32, #tpu.memory_space<hbm>>
        %dma_start3A_129 = arith.constant 0 : i32
        %dma_start3A_130 = tpu.memref_slice %arg13[%add3A_63, %dma_start3A_129] : memref<10240x128xf32, #tpu.memory_space<vmem_shared>> -> memref<128x128xf32, #tpu.memory_space<vmem_shared>>
        tpu.enqueue_dma source(%dma_start3A_130 : memref<128x128xf32, #tpu.memory_space<vmem_shared>>) target(%dma_start3A_128 : memref<128x128xf32, #tpu.memory_space<hbm>>) target_semaphore(%run_scoped3A : memref<!tpu.dma_semaphore, #tpu.memory_space<semaphore_mem>>)
        %dma_wait3A_131 = arith.constant 0 : i32
        %dma_wait3A_132 = tpu.memref_slice %arg5[%add3A_63, %dma_wait3A_131] : memref<10240x128xf32, #tpu.memory_space<hbm>> -> memref<128x128xf32, #tpu.memory_space<hbm>>
        %dma_wait3A_133 = arith.constant 0 : i32
        %dma_wait3A_134 = tpu.memref_slice %arg13[%add3A_63, %dma_wait3A_133] : memref<10240x128xf32, #tpu.memory_space<vmem_shared>> -> memref<128x128xf32, #tpu.memory_space<vmem_shared>>
        tpu.wait_dma2 semaphore(%run_scoped3A : memref<!tpu.dma_semaphore, #tpu.memory_space<semaphore_mem>>) src(%dma_wait3A_134 : memref<128x128xf32, #tpu.memory_space<vmem_shared>>) dst(%dma_wait3A_132 : memref<128x128xf32, #tpu.memory_space<hbm>>)
        tpu.yield
      }) : () -> ()
    } else {
    }
    %eq3A_66 = arith.constant 1 : i32
    %eq3A_67 = arith.cmpi eq, %arg0, %eq3A_66 : i32
    %convert_element_type3A_68 = arith.extui %eq3A_67 : i1 to i32
    %cond3A_69 = arith.constant 0 : i32
    %cond3A_70 = arith.cmpi ne, %convert_element_type3A_68, %cond3A_69 : i32
    scf.if %cond3A_70 {
      "tpu.region"() ({
        %run_scoped3A = tpu.sem_alloc : memref<!tpu.dma_semaphore, #tpu.memory_space<semaphore_mem>>
        %dma_start3A_127 = arith.constant 0 : i32
        %dma_start3A_128 = tpu.memref_slice %arg6[%add3A_63, %dma_start3A_127] : memref<10240x128xf32, #tpu.memory_space<hbm>> -> memref<128x128xf32, #tpu.memory_space<hbm>>
        %dma_start3A_129 = arith.constant 0 : i32
        %dma_start3A_130 = tpu.memref_slice %arg13[%add3A_63, %dma_start3A_129] : memref<10240x128xf32, #tpu.memory_space<vmem_shared>> -> memref<128x128xf32, #tpu.memory_space<vmem_shared>>
        tpu.enqueue_dma source(%dma_start3A_130 : memref<128x128xf32, #tpu.memory_space<vmem_shared>>) target(%dma_start3A_128 : memref<128x128xf32, #tpu.memory_space<hbm>>) target_semaphore(%run_scoped3A : memref<!tpu.dma_semaphore, #tpu.memory_space<semaphore_mem>>)
        %dma_wait3A_131 = arith.constant 0 : i32
        %dma_wait3A_132 = tpu.memref_slice %arg6[%add3A_63, %dma_wait3A_131] : memref<10240x128xf32, #tpu.memory_space<hbm>> -> memref<128x128xf32, #tpu.memory_space<hbm>>
        %dma_wait3A_133 = arith.constant 0 : i32
        %dma_wait3A_134 = tpu.memref_slice %arg13[%add3A_63, %dma_wait3A_133] : memref<10240x128xf32, #tpu.memory_space<vmem_shared>> -> memref<128x128xf32, #tpu.memory_space<vmem_shared>>
        tpu.wait_dma2 semaphore(%run_scoped3A : memref<!tpu.dma_semaphore, #tpu.memory_space<semaphore_mem>>) src(%dma_wait3A_134 : memref<128x128xf32, #tpu.memory_space<vmem_shared>>) dst(%dma_wait3A_132 : memref<128x128xf32, #tpu.memory_space<hbm>>)
        tpu.yield
      }) : () -> ()
    } else {
    }
    %mul3A_71 = arith.constant 640 : i32
    %mul3A_72 = arith.muli %arg1, %mul3A_71 : i32
    %add3A_73 = arith.constant 128 : i32
    %add3A_74 = arith.addi %mul3A_72, %add3A_73 : i32
    %eq3A_75 = arith.constant 0 : i32
    %eq3A_76 = arith.cmpi eq, %arg0, %eq3A_75 : i32
    %convert_element_type3A_77 = arith.extui %eq3A_76 : i1 to i32
    %cond3A_78 = arith.constant 0 : i32
    %cond3A_79 = arith.cmpi ne, %convert_element_type3A_77, %cond3A_78 : i32
    scf.if %cond3A_79 {
      "tpu.region"() ({
        %run_scoped3A = tpu.sem_alloc : memref<!tpu.dma_semaphore, #tpu.memory_space<semaphore_mem>>
        %dma_start3A_127 = arith.constant 0 : i32
        %dma_start3A_128 = tpu.memref_slice %arg5[%add3A_74, %dma_start3A_127] : memref<10240x128xf32, #tpu.memory_space<hbm>> -> memref<128x128xf32, #tpu.memory_space<hbm>>
        %dma_start3A_129 = arith.constant 0 : i32
        %dma_start3A_130 = tpu.memref_slice %arg13[%add3A_74, %dma_start3A_129] : memref<10240x128xf32, #tpu.memory_space<vmem_shared>> -> memref<128x128xf32, #tpu.memory_space<vmem_shared>>
        tpu.enqueue_dma source(%dma_start3A_130 : memref<128x128xf32, #tpu.memory_space<vmem_shared>>) target(%dma_start3A_128 : memref<128x128xf32, #tpu.memory_space<hbm>>) target_semaphore(%run_scoped3A : memref<!tpu.dma_semaphore, #tpu.memory_space<semaphore_mem>>)
        %dma_wait3A_131 = arith.constant 0 : i32
        %dma_wait3A_132 = tpu.memref_slice %arg5[%add3A_74, %dma_wait3A_131] : memref<10240x128xf32, #tpu.memory_space<hbm>> -> memref<128x128xf32, #tpu.memory_space<hbm>>
        %dma_wait3A_133 = arith.constant 0 : i32
        %dma_wait3A_134 = tpu.memref_slice %arg13[%add3A_74, %dma_wait3A_133] : memref<10240x128xf32, #tpu.memory_space<vmem_shared>> -> memref<128x128xf32, #tpu.memory_space<vmem_shared>>
        tpu.wait_dma2 semaphore(%run_scoped3A : memref<!tpu.dma_semaphore, #tpu.memory_space<semaphore_mem>>) src(%dma_wait3A_134 : memref<128x128xf32, #tpu.memory_space<vmem_shared>>) dst(%dma_wait3A_132 : memref<128x128xf32, #tpu.memory_space<hbm>>)
        tpu.yield
      }) : () -> ()
    } else {
    }
    %eq3A_80 = arith.constant 1 : i32
    %eq3A_81 = arith.cmpi eq, %arg0, %eq3A_80 : i32
    %convert_element_type3A_82 = arith.extui %eq3A_81 : i1 to i32
    %cond3A_83 = arith.constant 0 : i32
    %cond3A_84 = arith.cmpi ne, %convert_element_type3A_82, %cond3A_83 : i32
    scf.if %cond3A_84 {
      "tpu.region"() ({
        %run_scoped3A = tpu.sem_alloc : memref<!tpu.dma_semaphore, #tpu.memory_space<semaphore_mem>>
        %dma_start3A_127 = arith.constant 0 : i32
        %dma_start3A_128 = tpu.memref_slice %arg6[%add3A_74, %dma_start3A_127] : memref<10240x128xf32, #tpu.memory_space<hbm>> -> memref<128x128xf32, #tpu.memory_space<hbm>>
        %dma_start3A_129 = arith.constant 0 : i32
        %dma_start3A_130 = tpu.memref_slice %arg13[%add3A_74, %dma_start3A_129] : memref<10240x128xf32, #tpu.memory_space<vmem_shared>> -> memref<128x128xf32, #tpu.memory_space<vmem_shared>>
        tpu.enqueue_dma source(%dma_start3A_130 : memref<128x128xf32, #tpu.memory_space<vmem_shared>>) target(%dma_start3A_128 : memref<128x128xf32, #tpu.memory_space<hbm>>) target_semaphore(%run_scoped3A : memref<!tpu.dma_semaphore, #tpu.memory_space<semaphore_mem>>)
        %dma_wait3A_131 = arith.constant 0 : i32
        %dma_wait3A_132 = tpu.memref_slice %arg6[%add3A_74, %dma_wait3A_131] : memref<10240x128xf32, #tpu.memory_space<hbm>> -> memref<128x128xf32, #tpu.memory_space<hbm>>
        %dma_wait3A_133 = arith.constant 0 : i32
        %dma_wait3A_134 = tpu.memref_slice %arg13[%add3A_74, %dma_wait3A_133] : memref<10240x128xf32, #tpu.memory_space<vmem_shared>> -> memref<128x128xf32, #tpu.memory_space<vmem_shared>>
        tpu.wait_dma2 semaphore(%run_scoped3A : memref<!tpu.dma_semaphore, #tpu.memory_space<semaphore_mem>>) src(%dma_wait3A_134 : memref<128x128xf32, #tpu.memory_space<vmem_shared>>) dst(%dma_wait3A_132 : memref<128x128xf32, #tpu.memory_space<hbm>>)
        tpu.yield
      }) : () -> ()
    } else {
    }
    %mul3A_85 = arith.constant 640 : i32
    %mul3A_86 = arith.muli %arg1, %mul3A_85 : i32
    %add3A_87 = arith.constant 256 : i32
    %add3A_88 = arith.addi %mul3A_86, %add3A_87 : i32
    %eq3A_89 = arith.constant 0 : i32
    %eq3A_90 = arith.cmpi eq, %arg0, %eq3A_89 : i32
    %convert_element_type3A_91 = arith.extui %eq3A_90 : i1 to i32
    %cond3A_92 = arith.constant 0 : i32
    %cond3A_93 = arith.cmpi ne, %convert_element_type3A_91, %cond3A_92 : i32
    scf.if %cond3A_93 {
      "tpu.region"() ({
        %run_scoped3A = tpu.sem_alloc : memref<!tpu.dma_semaphore, #tpu.memory_space<semaphore_mem>>
        %dma_start3A_127 = arith.constant 0 : i32
        %dma_start3A_128 = tpu.memref_slice %arg5[%add3A_88, %dma_start3A_127] : memref<10240x128xf32, #tpu.memory_space<hbm>> -> memref<128x128xf32, #tpu.memory_space<hbm>>
        %dma_start3A_129 = arith.constant 0 : i32
        %dma_start3A_130 = tpu.memref_slice %arg13[%add3A_88, %dma_start3A_129] : memref<10240x128xf32, #tpu.memory_space<vmem_shared>> -> memref<128x128xf32, #tpu.memory_space<vmem_shared>>
        tpu.enqueue_dma source(%dma_start3A_130 : memref<128x128xf32, #tpu.memory_space<vmem_shared>>) target(%dma_start3A_128 : memref<128x128xf32, #tpu.memory_space<hbm>>) target_semaphore(%run_scoped3A : memref<!tpu.dma_semaphore, #tpu.memory_space<semaphore_mem>>)
        %dma_wait3A_131 = arith.constant 0 : i32
        %dma_wait3A_132 = tpu.memref_slice %arg5[%add3A_88, %dma_wait3A_131] : memref<10240x128xf32, #tpu.memory_space<hbm>> -> memref<128x128xf32, #tpu.memory_space<hbm>>
        %dma_wait3A_133 = arith.constant 0 : i32
        %dma_wait3A_134 = tpu.memref_slice %arg13[%add3A_88, %dma_wait3A_133] : memref<10240x128xf32, #tpu.memory_space<vmem_shared>> -> memref<128x128xf32, #tpu.memory_space<vmem_shared>>
        tpu.wait_dma2 semaphore(%run_scoped3A : memref<!tpu.dma_semaphore, #tpu.memory_space<semaphore_mem>>) src(%dma_wait3A_134 : memref<128x128xf32, #tpu.memory_space<vmem_shared>>) dst(%dma_wait3A_132 : memref<128x128xf32, #tpu.memory_space<hbm>>)
        tpu.yield
      }) : () -> ()
    } else {
    }
    %eq3A_94 = arith.constant 1 : i32
    %eq3A_95 = arith.cmpi eq, %arg0, %eq3A_94 : i32
    %convert_element_type3A_96 = arith.extui %eq3A_95 : i1 to i32
    %cond3A_97 = arith.constant 0 : i32
    %cond3A_98 = arith.cmpi ne, %convert_element_type3A_96, %cond3A_97 : i32
    scf.if %cond3A_98 {
      "tpu.region"() ({
        %run_scoped3A = tpu.sem_alloc : memref<!tpu.dma_semaphore, #tpu.memory_space<semaphore_mem>>
        %dma_start3A_127 = arith.constant 0 : i32
        %dma_start3A_128 = tpu.memref_slice %arg6[%add3A_88, %dma_start3A_127] : memref<10240x128xf32, #tpu.memory_space<hbm>> -> memref<128x128xf32, #tpu.memory_space<hbm>>
        %dma_start3A_129 = arith.constant 0 : i32
        %dma_start3A_130 = tpu.memref_slice %arg13[%add3A_88, %dma_start3A_129] : memref<10240x128xf32, #tpu.memory_space<vmem_shared>> -> memref<128x128xf32, #tpu.memory_space<vmem_shared>>
        tpu.enqueue_dma source(%dma_start3A_130 : memref<128x128xf32, #tpu.memory_space<vmem_shared>>) target(%dma_start3A_128 : memref<128x128xf32, #tpu.memory_space<hbm>>) target_semaphore(%run_scoped3A : memref<!tpu.dma_semaphore, #tpu.memory_space<semaphore_mem>>)
        %dma_wait3A_131 = arith.constant 0 : i32
        %dma_wait3A_132 = tpu.memref_slice %arg6[%add3A_88, %dma_wait3A_131] : memref<10240x128xf32, #tpu.memory_space<hbm>> -> memref<128x128xf32, #tpu.memory_space<hbm>>
        %dma_wait3A_133 = arith.constant 0 : i32
        %dma_wait3A_134 = tpu.memref_slice %arg13[%add3A_88, %dma_wait3A_133] : memref<10240x128xf32, #tpu.memory_space<vmem_shared>> -> memref<128x128xf32, #tpu.memory_space<vmem_shared>>
        tpu.wait_dma2 semaphore(%run_scoped3A : memref<!tpu.dma_semaphore, #tpu.memory_space<semaphore_mem>>) src(%dma_wait3A_134 : memref<128x128xf32, #tpu.memory_space<vmem_shared>>) dst(%dma_wait3A_132 : memref<128x128xf32, #tpu.memory_space<hbm>>)
        tpu.yield
      }) : () -> ()
    } else {
    }
    %mul3A_99 = arith.constant 640 : i32
    %mul3A_100 = arith.muli %arg1, %mul3A_99 : i32
    %add3A_101 = arith.constant 384 : i32
    %add3A_102 = arith.addi %mul3A_100, %add3A_101 : i32
    %eq3A_103 = arith.constant 0 : i32
    %eq3A_104 = arith.cmpi eq, %arg0, %eq3A_103 : i32
    %convert_element_type3A_105 = arith.extui %eq3A_104 : i1 to i32
    %cond3A_106 = arith.constant 0 : i32
    %cond3A_107 = arith.cmpi ne, %convert_element_type3A_105, %cond3A_106 : i32
    scf.if %cond3A_107 {
      "tpu.region"() ({
        %run_scoped3A = tpu.sem_alloc : memref<!tpu.dma_semaphore, #tpu.memory_space<semaphore_mem>>
        %dma_start3A_127 = arith.constant 0 : i32
        %dma_start3A_128 = tpu.memref_slice %arg5[%add3A_102, %dma_start3A_127] : memref<10240x128xf32, #tpu.memory_space<hbm>> -> memref<128x128xf32, #tpu.memory_space<hbm>>
        %dma_start3A_129 = arith.constant 0 : i32
        %dma_start3A_130 = tpu.memref_slice %arg13[%add3A_102, %dma_start3A_129] : memref<10240x128xf32, #tpu.memory_space<vmem_shared>> -> memref<128x128xf32, #tpu.memory_space<vmem_shared>>
        tpu.enqueue_dma source(%dma_start3A_130 : memref<128x128xf32, #tpu.memory_space<vmem_shared>>) target(%dma_start3A_128 : memref<128x128xf32, #tpu.memory_space<hbm>>) target_semaphore(%run_scoped3A : memref<!tpu.dma_semaphore, #tpu.memory_space<semaphore_mem>>)
        %dma_wait3A_131 = arith.constant 0 : i32
        %dma_wait3A_132 = tpu.memref_slice %arg5[%add3A_102, %dma_wait3A_131] : memref<10240x128xf32, #tpu.memory_space<hbm>> -> memref<128x128xf32, #tpu.memory_space<hbm>>
        %dma_wait3A_133 = arith.constant 0 : i32
        %dma_wait3A_134 = tpu.memref_slice %arg13[%add3A_102, %dma_wait3A_133] : memref<10240x128xf32, #tpu.memory_space<vmem_shared>> -> memref<128x128xf32, #tpu.memory_space<vmem_shared>>
        tpu.wait_dma2 semaphore(%run_scoped3A : memref<!tpu.dma_semaphore, #tpu.memory_space<semaphore_mem>>) src(%dma_wait3A_134 : memref<128x128xf32, #tpu.memory_space<vmem_shared>>) dst(%dma_wait3A_132 : memref<128x128xf32, #tpu.memory_space<hbm>>)
        tpu.yield
      }) : () -> ()
    } else {
    }
    %eq3A_108 = arith.constant 1 : i32
    %eq3A_109 = arith.cmpi eq, %arg0, %eq3A_108 : i32
    %convert_element_type3A_110 = arith.extui %eq3A_109 : i1 to i32
    %cond3A_111 = arith.constant 0 : i32
    %cond3A_112 = arith.cmpi ne, %convert_element_type3A_110, %cond3A_111 : i32
    scf.if %cond3A_112 {
      "tpu.region"() ({
        %run_scoped3A = tpu.sem_alloc : memref<!tpu.dma_semaphore, #tpu.memory_space<semaphore_mem>>
        %dma_start3A_127 = arith.constant 0 : i32
        %dma_start3A_128 = tpu.memref_slice %arg6[%add3A_102, %dma_start3A_127] : memref<10240x128xf32, #tpu.memory_space<hbm>> -> memref<128x128xf32, #tpu.memory_space<hbm>>
        %dma_start3A_129 = arith.constant 0 : i32
        %dma_start3A_130 = tpu.memref_slice %arg13[%add3A_102, %dma_start3A_129] : memref<10240x128xf32, #tpu.memory_space<vmem_shared>> -> memref<128x128xf32, #tpu.memory_space<vmem_shared>>
        tpu.enqueue_dma source(%dma_start3A_130 : memref<128x128xf32, #tpu.memory_space<vmem_shared>>) target(%dma_start3A_128 : memref<128x128xf32, #tpu.memory_space<hbm>>) target_semaphore(%run_scoped3A : memref<!tpu.dma_semaphore, #tpu.memory_space<semaphore_mem>>)
        %dma_wait3A_131 = arith.constant 0 : i32
        %dma_wait3A_132 = tpu.memref_slice %arg6[%add3A_102, %dma_wait3A_131] : memref<10240x128xf32, #tpu.memory_space<hbm>> -> memref<128x128xf32, #tpu.memory_space<hbm>>
        %dma_wait3A_133 = arith.constant 0 : i32
        %dma_wait3A_134 = tpu.memref_slice %arg13[%add3A_102, %dma_wait3A_133] : memref<10240x128xf32, #tpu.memory_space<vmem_shared>> -> memref<128x128xf32, #tpu.memory_space<vmem_shared>>
        tpu.wait_dma2 semaphore(%run_scoped3A : memref<!tpu.dma_semaphore, #tpu.memory_space<semaphore_mem>>) src(%dma_wait3A_134 : memref<128x128xf32, #tpu.memory_space<vmem_shared>>) dst(%dma_wait3A_132 : memref<128x128xf32, #tpu.memory_space<hbm>>)
        tpu.yield
      }) : () -> ()
    } else {
    }
    %mul3A_113 = arith.constant 640 : i32
    %mul3A_114 = arith.muli %arg1, %mul3A_113 : i32
    %add3A_115 = arith.constant 512 : i32
    %add3A_116 = arith.addi %mul3A_114, %add3A_115 : i32
    %eq3A_117 = arith.constant 0 : i32
    %eq3A_118 = arith.cmpi eq, %arg0, %eq3A_117 : i32
    %convert_element_type3A_119 = arith.extui %eq3A_118 : i1 to i32
    %cond3A_120 = arith.constant 0 : i32
    %cond3A_121 = arith.cmpi ne, %convert_element_type3A_119, %cond3A_120 : i32
    scf.if %cond3A_121 {
      "tpu.region"() ({
        %run_scoped3A = tpu.sem_alloc : memref<!tpu.dma_semaphore, #tpu.memory_space<semaphore_mem>>
        %dma_start3A_127 = arith.constant 0 : i32
        %dma_start3A_128 = tpu.memref_slice %arg5[%add3A_116, %dma_start3A_127] : memref<10240x128xf32, #tpu.memory_space<hbm>> -> memref<128x128xf32, #tpu.memory_space<hbm>>
        %dma_start3A_129 = arith.constant 0 : i32
        %dma_start3A_130 = tpu.memref_slice %arg13[%add3A_116, %dma_start3A_129] : memref<10240x128xf32, #tpu.memory_space<vmem_shared>> -> memref<128x128xf32, #tpu.memory_space<vmem_shared>>
        tpu.enqueue_dma source(%dma_start3A_130 : memref<128x128xf32, #tpu.memory_space<vmem_shared>>) target(%dma_start3A_128 : memref<128x128xf32, #tpu.memory_space<hbm>>) target_semaphore(%run_scoped3A : memref<!tpu.dma_semaphore, #tpu.memory_space<semaphore_mem>>)
        %dma_wait3A_131 = arith.constant 0 : i32
        %dma_wait3A_132 = tpu.memref_slice %arg5[%add3A_116, %dma_wait3A_131] : memref<10240x128xf32, #tpu.memory_space<hbm>> -> memref<128x128xf32, #tpu.memory_space<hbm>>
        %dma_wait3A_133 = arith.constant 0 : i32
        %dma_wait3A_134 = tpu.memref_slice %arg13[%add3A_116, %dma_wait3A_133] : memref<10240x128xf32, #tpu.memory_space<vmem_shared>> -> memref<128x128xf32, #tpu.memory_space<vmem_shared>>
        tpu.wait_dma2 semaphore(%run_scoped3A : memref<!tpu.dma_semaphore, #tpu.memory_space<semaphore_mem>>) src(%dma_wait3A_134 : memref<128x128xf32, #tpu.memory_space<vmem_shared>>) dst(%dma_wait3A_132 : memref<128x128xf32, #tpu.memory_space<hbm>>)
        tpu.yield
      }) : () -> ()
    } else {
    }
    %eq3A_122 = arith.constant 1 : i32
    %eq3A_123 = arith.cmpi eq, %arg0, %eq3A_122 : i32
    %convert_element_type3A_124 = arith.extui %eq3A_123 : i1 to i32
    %cond3A_125 = arith.constant 0 : i32
    %cond3A_126 = arith.cmpi ne, %convert_element_type3A_124, %cond3A_125 : i32
    scf.if %cond3A_126 {
      "tpu.region"() ({
        %run_scoped3A = tpu.sem_alloc : memref<!tpu.dma_semaphore, #tpu.memory_space<semaphore_mem>>
        %dma_start3A_127 = arith.constant 0 : i32
        %dma_start3A_128 = tpu.memref_slice %arg6[%add3A_116, %dma_start3A_127] : memref<10240x128xf32, #tpu.memory_space<hbm>> -> memref<128x128xf32, #tpu.memory_space<hbm>>
        %dma_start3A_129 = arith.constant 0 : i32
        %dma_start3A_130 = tpu.memref_slice %arg13[%add3A_116, %dma_start3A_129] : memref<10240x128xf32, #tpu.memory_space<vmem_shared>> -> memref<128x128xf32, #tpu.memory_space<vmem_shared>>
        tpu.enqueue_dma source(%dma_start3A_130 : memref<128x128xf32, #tpu.memory_space<vmem_shared>>) target(%dma_start3A_128 : memref<128x128xf32, #tpu.memory_space<hbm>>) target_semaphore(%run_scoped3A : memref<!tpu.dma_semaphore, #tpu.memory_space<semaphore_mem>>)
        %dma_wait3A_131 = arith.constant 0 : i32
        %dma_wait3A_132 = tpu.memref_slice %arg6[%add3A_116, %dma_wait3A_131] : memref<10240x128xf32, #tpu.memory_space<hbm>> -> memref<128x128xf32, #tpu.memory_space<hbm>>
        %dma_wait3A_133 = arith.constant 0 : i32
        %dma_wait3A_134 = tpu.memref_slice %arg13[%add3A_116, %dma_wait3A_133] : memref<10240x128xf32, #tpu.memory_space<vmem_shared>> -> memref<128x128xf32, #tpu.memory_space<vmem_shared>>
        tpu.wait_dma2 semaphore(%run_scoped3A : memref<!tpu.dma_semaphore, #tpu.memory_space<semaphore_mem>>) src(%dma_wait3A_134 : memref<128x128xf32, #tpu.memory_space<vmem_shared>>) dst(%dma_wait3A_132 : memref<128x128xf32, #tpu.memory_space<hbm>>)
        tpu.yield
      }) : () -> ()
    } else {
    }
    return
  }
}

module attributes {stable_mosaic.version = 14 : i64} {
  func.func @_scale_body(%arg0: i32, %arg1: memref<1024x128xf32, #tpu.memory_space<vmem>>, %arg2: memref<1024x1xf32, #tpu.memory_space<vmem>>, %arg3: memref<1024x1xf32, #tpu.memory_space<vmem>>, %arg4: memref<1024x128xf32, #tpu.memory_space<vmem>>) attributes {dimension_semantics = [#tpu.dimension_semantics<arbitrary>], iteration_bounds = array<i64: 10>, scalar_prefetch = 0 : i64, scratch_operands = 0 : i64, tpu.core_type = #tpu.core_type<tc>, window_params = [{transform_indices = @transform_0, window_bounds = array<i64: 1024, 128>}, {transform_indices = @transform_1, window_bounds = array<i64: 1024, 1>}, {transform_indices = @transform_2, window_bounds = array<i64: 1024, 1>}, {transform_indices = @transform_3, window_bounds = array<i64: 1024, 128>}]} {
    %get3A = arith.constant 0 : index
    %get3A_0 = arith.constant 0 : index
    %get3A_1 = vector.load %arg2[%get3A, %get3A_0] : memref<1024x1xf32, #tpu.memory_space<vmem>>, vector<1024x1xf32>
    %get3A_2 = arith.constant 0 : index
    %get3A_3 = arith.constant 0 : index
    %get3A_4 = vector.load %arg3[%get3A_2, %get3A_3] : memref<1024x1xf32, #tpu.memory_space<vmem>>, vector<1024x1xf32>
    %add3A = arith.addf %get3A_1, %get3A_4 : vector<1024x1xf32>
    %add3A_5 = arith.constant 1.000000e+00 : f32
    %add3A_6 = vector.broadcast %add3A_5 : f32 to vector<1024x1xf32>
    %add3A_7 = arith.addf %add3A, %add3A_6 : vector<1024x1xf32>
    %get3A_8 = arith.constant 0 : index
    %get3A_9 = arith.constant 0 : index
    %get3A_10 = vector.load %arg1[%get3A_8, %get3A_9] : memref<1024x128xf32, #tpu.memory_space<vmem>>, vector<1024x128xf32>
    %rsqrt3A = math.rsqrt %add3A_7 : vector<1024x1xf32>
    %mul3A = vector.broadcast %rsqrt3A : vector<1024x1xf32> to vector<1024x128xf32>
    %mul3A_11 = arith.mulf %get3A_10, %mul3A : vector<1024x128xf32>
    %swap3A = arith.constant 0 : index
    %swap3A_12 = arith.constant 0 : index
    %swap3A_13 = vector.load %arg4[%swap3A, %swap3A_12] : memref<1024x128xf32, #tpu.memory_space<vmem>>, vector<1024x128xf32>
    tpu.vector_store %arg4[%swap3A, %swap3A_12], %mul3A_11 {strides = array<i32>} : memref<1024x128xf32, #tpu.memory_space<vmem>>, vector<1024x128xf32>,
    return
  }
  func.func @transform_0(%arg0: i32) -> (i32, i32) {
    %c0_i32 = arith.constant 0 : i32
    %c0_i32_0 = arith.constant 0 : i32
    return %arg0, %c0_i32 : i32, i32
  }
  func.func @transform_1(%arg0: i32) -> (i32, i32) {
    %c0_i32 = arith.constant 0 : i32
    %c0_i32_0 = arith.constant 0 : i32
    return %arg0, %c0_i32 : i32, i32
  }
  func.func @transform_2(%arg0: i32) -> (i32, i32) {
    %c0_i32 = arith.constant 0 : i32
    %c0_i32_0 = arith.constant 0 : i32
    return %arg0, %c0_i32 : i32, i32
  }
  func.func @transform_3(%arg0: i32) -> (i32, i32) {
    %c0_i32 = arith.constant 0 : i32
    %c0_i32_0 = arith.constant 0 : i32
    return %arg0, %c0_i32 : i32, i32
  }
}

module attributes {stable_mosaic.version = 14 : i64} {
  func.func @_finish_body(%arg0: i32, %arg1: memref<1024x128xf32, #tpu.memory_space<vmem>>, %arg2: memref<1024x128xf32, #tpu.memory_space<vmem>>, %arg3: memref<1024x128xf32, #tpu.memory_space<vmem>>, %arg4: memref<1024x1xf32, #tpu.memory_space<vmem>>, %arg5: memref<1024x1xf32, #tpu.memory_space<vmem>>, %arg6: memref<128x128xf32, #tpu.memory_space<vmem>>, %arg7: memref<128x128xf32, #tpu.memory_space<vmem>>, %arg8: memref<1x128xf32, #tpu.memory_space<vmem>>, %arg9: memref<1x128xf32, #tpu.memory_space<vmem>>, %arg10: memref<1024x128xf32, #tpu.memory_space<vmem>>) attributes {dimension_semantics = [#tpu.dimension_semantics<arbitrary>], iteration_bounds = array<i64: 10>, scalar_prefetch = 0 : i64, scratch_operands = 0 : i64, tpu.core_type = #tpu.core_type<tc>, window_params = [{transform_indices = @transform_0, window_bounds = array<i64: 1024, 128>}, {transform_indices = @transform_1, window_bounds = array<i64: 1024, 128>}, {transform_indices = @transform_2, window_bounds = array<i64: 1024, 128>}, {transform_indices = @transform_3, window_bounds = array<i64: 1024, 1>}, {transform_indices = @transform_4, window_bounds = array<i64: 1024, 1>}, {pipeline_mode = #tpu.pipeline_mode<synchronous>, transform_indices = @transform_5, window_bounds = array<i64: 128, 128>}, {pipeline_mode = #tpu.pipeline_mode<synchronous>, transform_indices = @transform_6, window_bounds = array<i64: 128, 128>}, {pipeline_mode = #tpu.pipeline_mode<synchronous>, transform_indices = @transform_7, window_bounds = array<i64: 1, 128>}, {pipeline_mode = #tpu.pipeline_mode<synchronous>, transform_indices = @transform_8, window_bounds = array<i64: 1, 128>}, {transform_indices = @transform_9, window_bounds = array<i64: 1024, 128>}]} {
    %get3A = arith.constant 0 : index
    %get3A_0 = arith.constant 0 : index
    %get3A_1 = vector.load %arg4[%get3A, %get3A_0] : memref<1024x1xf32, #tpu.memory_space<vmem>>, vector<1024x1xf32>
    %get3A_2 = arith.constant 0 : index
    %get3A_3 = arith.constant 0 : index
    %get3A_4 = vector.load %arg5[%get3A_2, %get3A_3] : memref<1024x1xf32, #tpu.memory_space<vmem>>, vector<1024x1xf32>
    %add3A = arith.addf %get3A_1, %get3A_4 : vector<1024x1xf32>
    %add3A_5 = arith.constant 1.000000e+00 : f32
    %add3A_6 = vector.broadcast %add3A_5 : f32 to vector<1024x1xf32>
    %add3A_7 = arith.addf %add3A, %add3A_6 : vector<1024x1xf32>
    %rsqrt3A = math.rsqrt %add3A_7 : vector<1024x1xf32>
    %get3A_8 = arith.constant 0 : index
    %get3A_9 = arith.constant 0 : index
    %get3A_10 = vector.load %arg1[%get3A_8, %get3A_9] : memref<1024x128xf32, #tpu.memory_space<vmem>>, vector<1024x128xf32>
    %get3A_11 = arith.constant 0 : index
    %get3A_12 = arith.constant 0 : index
    %get3A_13 = vector.load %arg2[%get3A_11, %get3A_12] : memref<1024x128xf32, #tpu.memory_space<vmem>>, vector<1024x128xf32>
    %add3A_14 = arith.addf %get3A_10, %get3A_13 : vector<1024x128xf32>
    %get3A_15 = arith.constant 0 : index
    %get3A_16 = arith.constant 0 : index
    %get3A_17 = vector.load %arg3[%get3A_15, %get3A_16] : memref<1024x128xf32, #tpu.memory_space<vmem>>, vector<1024x128xf32>
    %add3A_18 = arith.addf %add3A_14, %get3A_17 : vector<1024x128xf32>
    %mul3A = vector.broadcast %rsqrt3A : vector<1024x1xf32> to vector<1024x128xf32>
    %mul3A_19 = arith.mulf %add3A_18, %mul3A : vector<1024x128xf32>
    %get3A_20 = arith.constant 0 : index
    %get3A_21 = arith.constant 0 : index
    %get3A_22 = vector.load %arg6[%get3A_20, %get3A_21] : memref<128x128xf32, #tpu.memory_space<vmem>>, vector<128x128xf32>
    %dot_general3A = arith.constant dense<0.000000e+00> : vector<1024x128xf32>
    %dot_general3A_23 = tpu.matmul %mul3A_19, %get3A_22, %dot_general3A {dimension_numbers = #tpu.dot_dimension_numbers<[1], [0], [0], [1], [0, 0, 1, 1], [], []>, transpose_lhs_hint = false} : vector<1024x128xf32>, vector<128x128xf32>, vector<1024x128xf32> -> vector<1024x128xf32>
    %get3A_24 = arith.constant 0 : index
    %get3A_25 = arith.constant 0 : index
    %get3A_26 = vector.load %arg8[%get3A_24, %get3A_25] : memref<1x128xf32, #tpu.memory_space<vmem>>, vector<1x128xf32>
    %add3A_27 = vector.broadcast %get3A_26 : vector<1x128xf32> to vector<1024x128xf32>
    %add3A_28 = arith.addf %dot_general3A_23, %add3A_27 : vector<1024x128xf32>
    %max3A = arith.constant 0.000000e+00 : f32
    %max3A_29 = vector.broadcast %max3A : f32 to vector<1024x128xf32>
    %max3A_30 = arith.maximumf %add3A_28, %max3A_29 : vector<1024x128xf32>
    %get3A_31 = arith.constant 0 : index
    %get3A_32 = arith.constant 0 : index
    %get3A_33 = vector.load %arg7[%get3A_31, %get3A_32] : memref<128x128xf32, #tpu.memory_space<vmem>>, vector<128x128xf32>
    %dot_general3A_34 = arith.constant dense<0.000000e+00> : vector<1024x128xf32>
    %dot_general3A_35 = tpu.matmul %mul3A_19, %get3A_33, %dot_general3A_34 {dimension_numbers = #tpu.dot_dimension_numbers<[1], [0], [0], [1], [0, 0, 1, 1], [], []>, transpose_lhs_hint = false} : vector<1024x128xf32>, vector<128x128xf32>, vector<1024x128xf32> -> vector<1024x128xf32>
    %get3A_36 = arith.constant 0 : index
    %get3A_37 = arith.constant 0 : index
    %get3A_38 = vector.load %arg9[%get3A_36, %get3A_37] : memref<1x128xf32, #tpu.memory_space<vmem>>, vector<1x128xf32>
    %add3A_39 = vector.broadcast %get3A_38 : vector<1x128xf32> to vector<1024x128xf32>
    %add3A_40 = arith.addf %dot_general3A_35, %add3A_39 : vector<1024x128xf32>
    %max3A_41 = arith.constant 0.000000e+00 : f32
    %max3A_42 = vector.broadcast %max3A_41 : f32 to vector<1024x128xf32>
    %max3A_43 = arith.maximumf %add3A_40, %max3A_42 : vector<1024x128xf32>
    %add3A_44 = arith.addf %max3A_30, %max3A_43 : vector<1024x128xf32>
    %mul3A_45 = arith.constant 5.000000e-01 : f32
    %mul3A_46 = vector.broadcast %mul3A_45 : f32 to vector<1024x128xf32>
    %mul3A_47 = arith.mulf %add3A_44, %mul3A_46 : vector<1024x128xf32>
    %swap3A = arith.constant 0 : index
    %swap3A_48 = arith.constant 0 : index
    %swap3A_49 = vector.load %arg10[%swap3A, %swap3A_48] : memref<1024x128xf32, #tpu.memory_space<vmem>>, vector<1024x128xf32>
    tpu.vector_store %arg10[%swap3A, %swap3A_48], %mul3A_47 {strides = array<i32>} : memref<1024x128xf32, #tpu.memory_space<vmem>>, vector<1024x128xf32>,
    return
  }
  func.func @transform_0(%arg0: i32) -> (i32, i32) {
    %c0_i32 = arith.constant 0 : i32
    %c0_i32_0 = arith.constant 0 : i32
    return %arg0, %c0_i32 : i32, i32
  }
  func.func @transform_1(%arg0: i32) -> (i32, i32) {
    %c0_i32 = arith.constant 0 : i32
    %c0_i32_0 = arith.constant 0 : i32
    return %arg0, %c0_i32 : i32, i32
  }
  func.func @transform_2(%arg0: i32) -> (i32, i32) {
    %c0_i32 = arith.constant 0 : i32
    %c0_i32_0 = arith.constant 0 : i32
    return %arg0, %c0_i32 : i32, i32
  }
  func.func @transform_3(%arg0: i32) -> (i32, i32) {
    %c0_i32 = arith.constant 0 : i32
    %c0_i32_0 = arith.constant 0 : i32
    return %arg0, %c0_i32 : i32, i32
  }
  func.func @transform_4(%arg0: i32) -> (i32, i32) {
    %c0_i32 = arith.constant 0 : i32
    %c0_i32_0 = arith.constant 0 : i32
    return %arg0, %c0_i32 : i32, i32
  }
  func.func @transform_5(%arg0: i32) -> (i32, i32) {
    %c0_i32 = arith.constant 0 : i32
    %c0_i32_0 = arith.constant 0 : i32
    %c0_i32_1 = arith.constant 0 : i32
    return %c0_i32, %c0_i32_0 : i32, i32
  }
  func.func @transform_6(%arg0: i32) -> (i32, i32) {
    %c0_i32 = arith.constant 0 : i32
    %c0_i32_0 = arith.constant 0 : i32
    %c0_i32_1 = arith.constant 0 : i32
    return %c0_i32, %c0_i32_0 : i32, i32
  }
  func.func @transform_7(%arg0: i32) -> (i32, i32) {
    %c0_i32 = arith.constant 0 : i32
    %c0_i32_0 = arith.constant 0 : i32
    %c0_i32_1 = arith.constant 0 : i32
    return %c0_i32, %c0_i32_0 : i32, i32
  }
  func.func @transform_8(%arg0: i32) -> (i32, i32) {
    %c0_i32 = arith.constant 0 : i32
    %c0_i32_0 = arith.constant 0 : i32
    %c0_i32_1 = arith.constant 0 : i32
    return %c0_i32, %c0_i32_0 : i32, i32
  }
  func.func @transform_9(%arg0: i32) -> (i32, i32) {
    %c0_i32 = arith.constant 0 : i32
    %c0_i32_0 = arith.constant 0 : i32
    return %arg0, %c0_i32 : i32, i32
  }
}

</mosaic_0001>

<sc_bundles>
// kernel: kernel.6.cloned.1.call-start
scs
__scs_entry_jumppad:
0x0: {  	(pc) =	sbr.rel $0x88, $3  }
0x1: {  	(tag) =	ssettag $0x0;
	lr =	simm.s32 $0x1  }
0x2: {  	[smem:$0x3F9B] =	sst lr;
	_ =	strace $0xD0000000  }
0x3: {  	_ = 	snop  }
0x4: {  	_ = 	snop  }
0x5: {  	_ = 	snop  }
0x6: {  	_ = 	snop  }
0x7: {  	_ = 	snop  }
__scs_overlays_trampoline_lowered:
0x8: {  	[smem:$0x3FAA] =	sst s0  }
0x9: {  	[smem:$0x3FAB] =	sst s1  }
0xa: {  	[smem:$0x3FAC] =	sst s2  }
0xb: {  	[smem:$0x3FAD] =	sst s3  }
0xc: {  	[smem:$0x3FAE] =	sst s4  }
0xd: {  	[smem:$0x3FAF] =	sst s5  }
0xe: {  	[smem:$0x3FB0] =	sst s6  }
0xf: {  	[smem:$0x3FB1] =	sst s7  }
0x10: {  	[smem:$0x3FB2] =	sst s8  }
0x11: {  	[smem:$0x3FB3] =	sst s9;
	s0 =	simm.s32 @!p0 $0x0  }
0x12: {  	s1 =	sld [smem:$0x3F99];
	s0 =	simm.s32 @p0 $0x1  }
0x13: {  	[smem:$0x3FB4] =	sst s0;
	s0 =	simm.s32 @!p1 $0x0  }
0x14: {  	s2 =	sld [smem:$0x3F98];
	s0 =	simm.s32 @p1 $0x1  }
0x15: {  	[smem:$0x3FB5] =	sst s0;
	s0 =	simm.s32 @!p2 $0x0  }
0x16: {  	s3 =	sld [smem:$0x3FDB];
	s0 =	simm.s32 @p2 $0x1  }
0x17: {  	s4 =	simm.s32 $0x1BF5;
	[smem:$0x3FB7] =	sst s0  }
0x18: {  	s0 =	sld [smem:$0x3F9A];
	_ =	swait.ge [sflag:s4], $0x0  }
0x19: {  	s7 =	sld [smem:$0x3F9B]  }
0x1a: {  	s8 =	sadd.s32 $0xFFFFE003, lr  }
0x1b: {  	s9 =	sadd.s32 $0xFFFFFEF7, lr;
	s5 =	simm.s32 $0xFFFFFFFF;
	p2 =	slt.u32 s8, $0xFFFFF086  }
0x1c: {  	p1 =	slt.u32 s9, $0xF7A;
	s5 =	simm.s32 @!p2 $0x0  }
0x1d: {  	s5 =	simm.s32 @p1 $0x1;
	p0 =	seq.s32 s7, s2  }
0x1e: {  	s7 =	smul.u32 @!p0 $0xF7A, s2;
	p2 =	seq.s32 @!p0 s5, $0x0  }
0x1f: {  	s9 =	smul.u32 $0xF7A, s1;
	s8 =	simm.s32 @!p0 $0x1BF5;
	p2 =	por !p2, p0  }
0x20: {  	[sflag:s8] =	ssyncset.s32 @!p0 $0xFFFFF086;
	s6 =	sadd.s32 @!p0 s3, s7;
	s7 =	simm.s32 @!p0 $0x108  }
0x21: {  	s3 =	sadd.s32 s3, s9;
	s6 =	sadd.s32 @!p0 $0x88, s6;
	s7 =	simm.s32 @p2 $0x1082  }
0x22: {  	[simem:s7], [sflag:s8] =	dma.local @!p0 [hbm:s6], $0xF7A  }
0x23: {  	s9 =	sor.u32 $0xD0000000, s2;
	s6 =	simm.s32 $0x108;
	_ =	swait.ge @!p0 [sflag:s8], $0x0  }
0x24: {  	s3 =	sadd.s32 $0x88, s3;
	s6 =	simm.s32 @!p1 $0x1082;
	[sflag:s4] =	ssyncset.s32 $0xFFFFF086  }
0x25: {  	[simem:s6], [sflag:s4] =	dma.local [hbm:s3], $0xF7A  }
0x26: {  	[smem:$0x3F9B] =	sst s1;
	(tag) =	ssettag s2;
	_ =	strace s9  }
0x27: {  	s1 =	sld [smem:$0x3FAB]  }
0x28: {  	s2 =	sld [smem:$0x3FAC]  }
0x29: {  	s4 =	sld [smem:$0x3FAE]  }
0x2a: {  	p0 =	seq.s32 s5, $0x0;
	s5 =	sld [smem:$0x3FAF]  }
0x2b: {  	s6 =	sld [smem:$0x3FB0]  }
0x2c: {  	s7 =	sld [smem:$0x3FB1]  }
0x2d: {  	s3 =	simm.s32 $0x108;
	s8 =	sld [smem:$0x3FB2]  }
0x2e: {  	s3 =	simm.s32 @!p0 $0x1082;
	s9 =	sld [smem:$0x3FB3]  }
0x2f: {  	lr =	sadd.s32 s0, s3;
	s0 =	sld [smem:$0x3FAA]  }
0x30: {  	s3 =	sld [smem:$0x3FAD]  }
0x31: {  	[smem:$0x3FB6] =	sst s10  }
0x32: {  	s10 =	sld [smem:$0x3FB4];
	_ =	sdelay $0x3  }
0x33: {  	p0 =	seq.s32 s10, $0x1;
	s10 =	sld [smem:$0x3FB6];
	_ =	sdelay $0x3  }
0x34: {  	[smem:$0x3FB6] =	sst s10  }
0x35: {  	s10 =	sld [smem:$0x3FB5];
	_ =	sdelay $0x3  }
0x36: {  	p1 =	seq.s32 s10, $0x1;
	s10 =	sld [smem:$0x3FB6];
	_ =	sdelay $0x3  }
0x37: {  	[smem:$0x3FB6] =	sst s10  }
0x38: {  	s10 =	sld [smem:$0x3FB7]  }
0x39: {  	_ = 	snop;
	(pc) =	sbr.ind lr, $3  }
0x3a: {  	_ = 	snop  }
0x3b: {  	_ = 	snop  }
0x3c: {  	p2 =	seq.s32 s10, $0x1;
	s10 =	sld [smem:$0x3FB6]  }
0x3d: {  	_ =	shalt  }
0x3e: {  	_ =	shalt  }
0x3f: {  	_ =	shalt  }
0x40: {  	_ =	shalt  }
0x41: {  	_ =	shalt  }
0x42: {  	_ =	shalt  }
0x43: {  	_ =	shalt  }
0x44: {  	_ =	shalt  }
0x45: {  	_ =	shalt  }
0x46: {  	_ =	shalt  }
0x47: {  	_ =	shalt  }
0x48: {  	_ =	shalt  }
0x49: {  	_ =	shalt  }
0x4a: {  	_ =	shalt  }
0x4b: {  	_ =	shalt  }
0x4c: {  	_ =	shalt  }
0x4d: {  	_ =	shalt  }
0x4e: {  	_ =	shalt  }
0x4f: {  	_ =	shalt  }
0x50: {  	_ =	shalt  }
0x51: {  	_ =	shalt  }
0x52: {  	_ =	shalt  }
0x53: {  	_ =	shalt  }
0x54: {  	_ =	shalt  }
0x55: {  	_ =	shalt  }
0x56: {  	_ =	shalt  }
0x57: {  	_ =	shalt  }
0x58: {  	_ =	shalt  }
0x59: {  	_ =	shalt  }
0x5a: {  	_ =	shalt  }
0x5b: {  	_ =	shalt  }
0x5c: {  	_ =	shalt  }
0x5d: {  	_ =	shalt  }
0x5e: {  	_ =	shalt  }
0x5f: {  	_ =	shalt  }
0x60: {  	_ =	shalt  }
0x61: {  	_ =	shalt  }
0x62: {  	_ =	shalt  }
0x63: {  	_ =	shalt  }
0x64: {  	_ =	shalt  }
0x65: {  	_ =	shalt  }
0x66: {  	_ =	shalt  }
0x67: {  	_ =	shalt  }
0x68: {  	_ =	shalt  }
0x69: {  	_ =	shalt  }
0x6a: {  	_ =	shalt  }
0x6b: {  	_ =	shalt  }
0x6c: {  	_ =	shalt  }
0x6d: {  	_ =	shalt  }
0x6e: {  	_ =	shalt  }
0x6f: {  	_ =	shalt  }
0x70: {  	_ =	shalt  }
0x71: {  	_ =	shalt  }
0x72: {  	_ =	shalt  }
0x73: {  	_ =	shalt  }
0x74: {  	_ =	shalt  }
0x75: {  	_ =	shalt  }
0x76: {  	_ =	shalt  }
0x77: {  	_ =	shalt  }
0x78: {  	_ =	shalt  }
0x79: {  	_ =	shalt  }
0x7a: {  	_ =	shalt  }
0x7b: {  	_ =	shalt  }
0x7c: {  	_ =	shalt  }
0x7d: {  	_ =	shalt  }
0x7e: {  	_ =	shalt  }
0x7f: {  	_ =	shalt  }
0x80: {  	_ =	shalt  }
0x81: {  	_ =	shalt  }
0x82: {  	_ =	shalt  }
0x83: {  	_ =	shalt  }
0x84: {  	_ =	shalt  }
0x85: {  	_ =	shalt  }
0x86: {  	_ =	shalt  }
0x87: {  	_ =	shalt  }
.Lfunc_end0:
.L_simem_size_0:
called_computation_lowered:
.L_overlay_start_0:
0x88: {  	s2 =	sld [smem:$0x3FD9]  }
0x89: {  	s3 =	sld [smem:$0x3FFE];
	_ =	sdelay $0x1  }
0x8a: {  	s1 =	srdreg.scid  }
0x8b: {  	s0 =	sand.u32 $0x1, s1  }
0x8c: {  	s17 =	sshll.u32 s0, $0xA;
	s2 =	sadd.s32 s3, s2  }
0x8d: {  	s2 =	sadd.s32 s2, s17  }
0x8e: {  	[smem:$0x3FC2] =	sst s2  }
0x8f: {  	_ = 	snop  }
0x90: {  	s2 =	sld [smem:$0x3FD0];
	(tm) =	ssettm $0x1  }
0x91: {  	s18 =	sld [smem:$0x3FFB];
	_ =	sdelay $0x3  }
0x92: {  	_ =	strace s18  }
0x93: {  	s3 =	sld [smem:$0x3FFC];
	_ =	sdelay $0x3  }
0x94: {  	_ =	strace s3  }
0x95: {  	s3 =	sld [smem:$0x3FFD];
	_ =	sdelay $0x3  }
0x96: {  	_ =	strace s3  }
0x97: {  	_ =	strace $0x8FFFFFFF  }
0x98: {  	s19 =	sld [smem:$0x3FDB];
	_ =	sdelay $0x1  }
0x99: {  	s4 =	simm.s32 $_scs_section_size  }
0x9a: {  	s5 =	simm.s32 $_size__tile_overlayer_lowered;
	s6 =	simm.s32 $_tile_overlayer_lowered  }
0x9b: {  	s22 =	simm.s32 $0x1BFF;
	s21 =	sshll.u32 s6, $0x1;
	s3 =	sadd.s32 s4, s19  }
0x9c: {  	s7 =	simm.s32 $0x0;
	s20 =	sshll.u32 s5, $0x1;
	s5 =	sadd.s32 s21, s3  }
0x9d: {  	[timem:s7], [sflag:s22] =	dma.local [hbm:s5], s20  }
0x9e: {  	_ =	swait.ge [sflag:s22], s20  }
0x9f: {  	s4 =	ssub.s32 $0x0, s20;
	[sflag:s22] =	ssyncset.done $0x0  }
0xa0: {  	[sflag:s22] =	ssyncadd.s32 s4;
	_ =	sdelay $0x1  }
0xa1: {  	s23 =	simm.s32 $0x1B8B  }
0xa2: {  	_ =	swait.ge [sflag:s23], $0x1  }
0xa3: {  	[sflag:s23] =	ssyncset.done $0x0  }
0xa4: {  	s25 =	simm.s32 $0x1B8E;
	s24 =	sld [smem:$0x3FFE];
	[sflag:s23] =	ssyncadd.s32 $0xFFFFFFFF  }
0xa5: {  	s26 =	simm.s32 $execute0_lowered;
	[smem:$0x3FD2] =	sst s25  }
0xa6: {  	s5 =	sshll.u32 s26, $0x1;
	_ =	strace $0x80000046;
	[dreg:$0x1] =	wrdreg $0xFFFFFFFF  }
0xa7: {  	s28 =	simm.s32 $_size_execute0_lowered;
	s3 =	sadd.s32 s3, s5;
	[dreg:$0x0] =	wrdreg $0x0  }
0xa8: {  	s5 =	sshll.u32 s28, $0x1;
	[dreg:$0x2] =	wrdreg s3  }
0xa9: {  	[dreg:$0x3] =	wrdreg s5  }
0xaa: {  	[dreg:$0x4] =	wrdreg $0xC0  }
0xab: {  	_ =	task [dreg:s7], $0x5FFFF  }
0xac: {  	[dreg:$0x1] =	wrdreg $0xFFFFFFFF  }
0xad: {  	[dreg:$0x0] =	wrdreg $0x60  }
0xae: {  	[dreg:$0x2] =	wrdreg s24  }
0xaf: {  	[dreg:$0x3] =	wrdreg s2  }
0xb0: {  	[dreg:$0x4] =	wrdreg $0x2B000  }
0xb1: {  	[dreg:$0x5] =	wrdreg $0x9  }
0xb2: {  	_ =	task.clear_ibuf [dreg:s7], $0x6FFFF;
	_ =	strace $0x90000046  }
0xb3: {  	s29 =	simm.s32 $0x9;
	_ =	strace $0x80000048  }
0xb4: {  	_ =	swait.ge [sflag:s29], $0x1  }
0xb5: {  	[sflag:s29] =	ssyncadd.s32 $0xFFFFFFFF  }
0xb6: {  	_ =	strace $0x90000048  }
0xb7: {  	_ =	sfence  }
0xb8: {  	s30 =	sld [smem:$0x0];
	_ =	sdelay $0x2  }
0xb9: {  	s31 =	sshll.u32 s1, $0xD;
	s1 =	sshrl.u32 s1, $0x2  }
0xba: {  	s3 =	sand.u32 $0x4000, s31;
	s1 =	sadd.s32 s1, s30  }
0xbb: {  	s0 =	sor.u32 s3, s0;
	s1 =	sshll.u32 s1, $0x11  }
0xbc: {  	s0 =	sor.u32 s1, s0  }
0xbd: {  	s0 =	sadd.s32 $0x8F2B, s0  }
0xbe: {  	[sflag:s0] =	ssyncadd.remote.s32 $0x1  }
0xbf: {  	_ =	sfence.sel $0xFFFF  }
0xc0: {  	[dreg:$0x0] =	wrdreg $0xFFFFFFFF;
	(pc) =	sbr.abs _section_cstart, $3  }
0xc1: {  	[dreg:$0x1] =	wrdreg $0xFFFFFFFF  }
0xc2: {  	_ =	task.clear_ibuf [dreg:s7], $0x2FFFF;
	_ =	strace $0x9FFFFFFF  }
0xc3: {  	(tm) =	ssettm $0x7FFFFFFF  }
tec
execute0_lowered:
.L_overlay_start_1:
0x0: {  	(tag) =	ssettag $0x1  }
0x1: {  	s4 =	rddreg [dreg:$0x0]  }
0x2: {  	s7 =	rddreg [dreg:$0x1]  }
0x3: {  	s0 =	srdreg.scid;
	s2 =	rddreg [dreg:$0x2]  }
0x4: {  	s3 =	simm.s32 $0x0;
	s6 =	sand.u32 $0x1, s0;
	s0 =	rddreg [dreg:$0x3]  }
0x5: {  	s1 =	stileid.u32;
	s14 =	simm.s32 $0x0;
	[smem:$0x7FF] =	sst s3  }
0x6: {  	s10 =	smul.u32 $0x280, s1;
	s11 =	sadd.s32 $0x16C00, s4;
	s12 =	sshll.u32 s1, $0x6  }
0x7: {  	s5 =	sshll.u32 s6, $0x4;
	s8 =	ssub.s32 $0x2, s6;
	_ =	strace $0x80000047  }
0x8: {  	p0 =	seq.s32 s6, $0x1;
	s12 =	sor.u32 $0x1C01, s12;
	s5 =	sor.u32 s1, s5  }
0x9: {  	s9 =	sshrl.u32 s8, $0x1;
	s31 =	sshrl.u32 s10, $0x3;
	s7 =	smov.u32 @p0 s11  }
0xa: {  	s11 =	simm.s32 $0x2800;
	s5 =	smul.u32 $0x500, s5;
	s8 =	ssub.s32 s8, s9  }
0xb: {  	s7 =	sadd.s32 s7, s31;
	s9 =	simm.s32 $0x1;
	s6 =	smax.u32 s8, $0x1  }
0xc: {  	s8 =	simm.s32 $0x2880;
	s5 =	sadd.s32 s5, s4;
	s4 =	sadd.s32 s10, s2  }
0xd: {  	v0 =	vimm.f32 $1.000000000e+00;
	v1 =	vimm.f32 $0.0e+00;
	s10 =	simm.s32 $0x80;
	s5 =	sadd.s32 $0x2C00, s5;
	s13 =	sshrl.u32 s4, $0x3  }
.LBB2_1:
0xe: {  	[tilespmem:$0x2800] =	vst v0  }
0xf: {  	[tilespmem:$0x2810] =	vst v0  }
0x10: {  	[tilespmem:$0x2820] =	vst v0  }
0x11: {  	[tilespmem:$0x2830] =	vst v0  }
0x12: {  	[tilespmem:$0x2840] =	vst v0  }
0x13: {  	[tilespmem:$0x2850] =	vst v0  }
0x14: {  	[tilespmem:$0x2860] =	vst v0  }
0x15: {  	[tilespmem:$0x2870] =	vst v0  }
0x16: {  	[tilespmem:$0x2880] =	vst v1  }
0x17: {  	[tilespmem:$0x2890] =	vst v1  }
0x18: {  	[tilespmem:$0x28A0] =	vst v1  }
0x19: {  	[tilespmem:$0x28B0] =	vst v1  }
0x1a: {  	[tilespmem:$0x28C0] =	vst v1  }
0x1b: {  	[tilespmem:$0x28D0] =	vst v1  }
0x1c: {  	[tilespmem:$0x28E0] =	vst v1  }
0x1d: {  	[tilespmem:$0x28F0] =	vst v1  }
0x1e: {  	[tilespmem:$0x2900] =	vst v1  }
0x1f: {  	[tilespmem:$0x2910] =	vst v1  }
0x20: {  	[tilespmem:$0x2920] =	vst v1  }
0x21: {  	[tilespmem:$0x2930] =	vst v1  }
0x22: {  	[tilespmem:$0x2940] =	vst v1  }
0x23: {  	[tilespmem:$0x2950] =	vst v1  }
0x24: {  	[tilespmem:$0x2960] =	vst v1  }
0x25: {  	[tilespmem:$0x2970] =	vst v1  }
0x26: {  	[tilespmem:$0x2980] =	vst v1  }
0x27: {  	[tilespmem:$0x2990] =	vst v1  }
0x28: {  	[tilespmem:$0x29A0] =	vst v1  }
0x29: {  	[tilespmem:$0x29B0] =	vst v1  }
0x2a: {  	[tilespmem:$0x29C0] =	vst v1  }
0x2b: {  	[tilespmem:$0x29D0] =	vst v1  }
0x2c: {  	[tilespmem:$0x29E0] =	vst v1  }
0x2d: {  	[tilespmem:$0x29F0] =	vst v1  }
0x2e: {  	[tilespmem:$0x2A00] =	vst v1  }
0x2f: {  	[tilespmem:$0x2A10] =	vst v1  }
0x30: {  	[tilespmem:$0x2A20] =	vst v1  }
0x31: {  	[tilespmem:$0x2A30] =	vst v1  }
0x32: {  	[tilespmem:$0x2A40] =	vst v1  }
0x33: {  	[tilespmem:$0x2A50] =	vst v1  }
0x34: {  	[tilespmem:$0x2A60] =	vst v1  }
0x35: {  	[tilespmem:$0x2A70] =	vst v1  }
0x36: {  	[tilespmem:$0x2A80] =	vst v1  }
0x37: {  	[tilespmem:$0x2A90] =	vst v1  }
0x38: {  	[tilespmem:$0x2AA0] =	vst v1  }
0x39: {  	[tilespmem:$0x2AB0] =	vst v1  }
0x3a: {  	[tilespmem:$0x2AC0] =	vst v1  }
0x3b: {  	[tilespmem:$0x2AD0] =	vst v1  }
0x3c: {  	[tilespmem:$0x2AE0] =	vst v1  }
0x3d: {  	[tilespmem:$0x2AF0] =	vst v1  }
0x3e: {  	[spmem:s4] =	stream.linear.scatter [tilespmem:s8], [sflag:$0x1], $0x280, $0x38;
	[tilespmem:$0x2D80] =	vst v63  }
0x3f: {  	_ =	swait.ge [sflag:s9], $0x280  }
0x40: {  	[sflag:s9] =	ssyncset.done $0x0  }
0x41: {  	[sflag:s9] =	ssyncadd.s32 $0xFFFFFD80  }
0x42: {  	[bflag:$0x0] =	sbarrier.arrive $0xFFFF  }
0x43: {  	[tilespmem:s3], [sflag:$0x1] =	stream.linear.gather [hbm4b:s5+s3], $0x2800, $0x38;
	[tilespmem:$0x2D80] =	vst v63  }
0x44: {  	_ =	swait.ge [sflag:s9], $0x2800  }
0x45: {  	[sflag:s9] =	ssyncset.done $0x0  }
0x46: {  	s15 =	simm.s32 $0x0;
	[sflag:s9] =	ssyncadd.s32 $0xFFFFD800  }
0x47: {  	[spmem:s2] =	stream.indirect.scatter.add.f32 [tilespmem:s11], [sflag:$0x1], $0x1, s15, s10, $0xb8;
	[tilespmem:$0x2D80] =	vst v63  }
0x48: {  	_ =	swait.ge [sflag:s9], $0x80  }
0x49: {  	s15 =	simm.s32 $0x200;
	[sflag:s9] =	ssyncset.done $0x0  }
.LBB2_2:
0x4a: {  	s16 =	sshra.s32 s15, $0x2;
	[sflag:s9] =	ssyncadd.s32 $0xFFFFFF80;
	p0 =	sne.s32 s15, $0x9E00  }
0x4b: {  	[spmem:s2] =	stream.indirect.scatter.add.f32 [tilespmem:s11], [sflag:$0x1], $0x1, s16, s10, $0xb8;
	[tilespmem:$0x2D80] =	vst v63  }
.Ltmp0:
0x4c: {  	_ = 	snop;
	(pc) =	sbr.rel @p0 .LBB2_2-.Ltmp0, $4  }
0x4d: {  	_ = 	snop  }
0x4e: {  	s15 =	sadd.s32 $0x200, s15  }
0x4f: {  	_ =	swait.ge [sflag:s9], $0x80  }
0x50: {  	[sflag:s9] =	ssyncset.done $0x0  }
0x51: {  	s14 =	sadd.s32 $0x1, s14  }
0x52: {  	[sflag:s9] =	ssyncadd.s32 $0xFFFFFF80;
	p0 =	sne.s32 s14, s6  }
.Ltmp1:
0x53: {  	[bflag:$0x0] =	sbarrier.arrive $0xFFFF;
	(pc) =	sbr.rel @p0 .LBB2_1-.Ltmp1, $4  }
0x54: {  	[hbm:s7], [sflag:s12] =	dma.local [spmem:s13], $0x50  }
0x55: {  	_ =	swait.ge [sflag:s9], $0x50  }
0x56: {  	[sflag:s9] =	ssyncset.done $0x0  }
0x57: {  	[sflag:s9] =	ssyncadd.s32 $0xFFFFFFB0  }
0x58: {  	_ =	sfence.sel $0x180000  }
0x59: {  	[bflag:$0x0] =	sbarrier.arrive $0xFFFF  }
0x5a: {  	p0 =	sne.s32 s1, $0x0;
	_ =	strace $0x90000047  }
0x5b: {  	s0 =	sadd.s32 @!p0 $0x100000, s0;
	[bflag:$0x2] =	sbarrier.arrive $0xFFFF  }
0x5c: {  	[sflag:s0] =	ssyncadd.tile.s32 @!p0 $0x1;
	_ =	shalt  }
.Lfunc_end2:
_tile_overlayer_lowered:
.L_overlay_start_2:
0x5d: {  	(tag) =	ssettag $0x2  }
0x5e: {  	s0 =	rddreg [dreg:$0x0];
	s2 =	stileid.u32  }
0x5f: {  	s1 =	rddreg [dreg:$0x1];
	p0 =	sne.s32 s2, $0x0  }
0x60: {  	s3 =	rddreg [dreg:$0x2];
	[bflag:$0x3] =	sbarrier.arrive $0xFFFF;
	s2 =	simm.s32 @!p0 $0x1C01  }
0x61: {  	[timem:s3], [sflag:s2] =	dma.local @!p0 [hbm:s0], s1  }
0x62: {  	s0 =	simm.s32 @!p0 $0x1  }
0x63: {  	_ =	swait.ge @!p0 [sflag:s0], s1  }
0x64: {  	s1 =	ssub.s32 @!p0 $0x0, s1;
	[sflag:s0] =	ssyncset.done @!p0 $0x0  }
0x65: {  	[sflag:s0] =	ssyncadd.s32 @!p0 s1  }
0x66: {  	[bflag:$0x3] =	sbarrier.arrive $0xFFFF  }
0x67: {  	_ =	shalt  }

// kernel: kernel.9.cloned.1.call-start
scs
__scs_entry_jumppad:
0x0: {  	(pc) =	sbr.rel $0x88, $3  }
0x1: {  	(tag) =	ssettag $0x0;
	lr =	simm.s32 $0x1  }
0x2: {  	[smem:$0x3F9B] =	sst lr;
	_ =	strace $0xD0000000  }
0x3: {  	_ = 	snop  }
0x4: {  	_ = 	snop  }
0x5: {  	_ = 	snop  }
0x6: {  	_ = 	snop  }
0x7: {  	_ = 	snop  }
__scs_overlays_trampoline_lowered:
0x8: {  	[smem:$0x3FAA] =	sst s0  }
0x9: {  	[smem:$0x3FAB] =	sst s1  }
0xa: {  	[smem:$0x3FAC] =	sst s2  }
0xb: {  	[smem:$0x3FAD] =	sst s3  }
0xc: {  	[smem:$0x3FAE] =	sst s4  }
0xd: {  	[smem:$0x3FAF] =	sst s5  }
0xe: {  	[smem:$0x3FB0] =	sst s6  }
0xf: {  	[smem:$0x3FB1] =	sst s7  }
0x10: {  	[smem:$0x3FB2] =	sst s8  }
0x11: {  	[smem:$0x3FB3] =	sst s9;
	s0 =	simm.s32 @!p0 $0x0  }
0x12: {  	s1 =	sld [smem:$0x3F99];
	s0 =	simm.s32 @p0 $0x1  }
0x13: {  	[smem:$0x3FB4] =	sst s0;
	s0 =	simm.s32 @!p1 $0x0  }
0x14: {  	s2 =	sld [smem:$0x3F98];
	s0 =	simm.s32 @p1 $0x1  }
0x15: {  	[smem:$0x3FB5] =	sst s0;
	s0 =	simm.s32 @!p2 $0x0  }
0x16: {  	s3 =	sld [smem:$0x3FDB];
	s0 =	simm.s32 @p2 $0x1  }
0x17: {  	s4 =	simm.s32 $0x1BF5;
	[smem:$0x3FB7] =	sst s0  }
0x18: {  	s0 =	sld [smem:$0x3F9A];
	_ =	swait.ge [sflag:s4], $0x0  }
0x19: {  	s7 =	sld [smem:$0x3F9B]  }
0x1a: {  	s8 =	sadd.s32 $0xFFFFE003, lr  }
0x1b: {  	s9 =	sadd.s32 $0xFFFFFEF7, lr;
	s5 =	simm.s32 $0xFFFFFFFF;
	p2 =	slt.u32 s8, $0xFFFFF086  }
0x1c: {  	p1 =	slt.u32 s9, $0xF7A;
	s5 =	simm.s32 @!p2 $0x0  }
0x1d: {  	s5 =	simm.s32 @p1 $0x1;
	p0 =	seq.s32 s7, s2  }
0x1e: {  	s7 =	smul.u32 @!p0 $0xF7A, s2;
	p2 =	seq.s32 @!p0 s5, $0x0  }
0x1f: {  	s9 =	smul.u32 $0xF7A, s1;
	s8 =	simm.s32 @!p0 $0x1BF5;
	p2 =	por !p2, p0  }
0x20: {  	[sflag:s8] =	ssyncset.s32 @!p0 $0xFFFFF086;
	s6 =	sadd.s32 @!p0 s3, s7;
	s7 =	simm.s32 @!p0 $0x108  }
0x21: {  	s3 =	sadd.s32 s3, s9;
	s6 =	sadd.s32 @!p0 $0x88, s6;
	s7 =	simm.s32 @p2 $0x1082  }
0x22: {  	[simem:s7], [sflag:s8] =	dma.local @!p0 [hbm:s6], $0xF7A  }
0x23: {  	s9 =	sor.u32 $0xD0000000, s2;
	s6 =	simm.s32 $0x108;
	_ =	swait.ge @!p0 [sflag:s8], $0x0  }
0x24: {  	s3 =	sadd.s32 $0x88, s3;
	s6 =	simm.s32 @!p1 $0x1082;
	[sflag:s4] =	ssyncset.s32 $0xFFFFF086  }
0x25: {  	[simem:s6], [sflag:s4] =	dma.local [hbm:s3], $0xF7A  }
0x26: {  	[smem:$0x3F9B] =	sst s1;
	(tag) =	ssettag s2;
	_ =	strace s9  }
0x27: {  	s1 =	sld [smem:$0x3FAB]  }
0x28: {  	s2 =	sld [smem:$0x3FAC]  }
0x29: {  	s4 =	sld [smem:$0x3FAE]  }
0x2a: {  	p0 =	seq.s32 s5, $0x0;
	s5 =	sld [smem:$0x3FAF]  }
0x2b: {  	s6 =	sld [smem:$0x3FB0]  }
0x2c: {  	s7 =	sld [smem:$0x3FB1]  }
0x2d: {  	s3 =	simm.s32 $0x108;
	s8 =	sld [smem:$0x3FB2]  }
0x2e: {  	s3 =	simm.s32 @!p0 $0x1082;
	s9 =	sld [smem:$0x3FB3]  }
0x2f: {  	lr =	sadd.s32 s0, s3;
	s0 =	sld [smem:$0x3FAA]  }
0x30: {  	s3 =	sld [smem:$0x3FAD]  }
0x31: {  	[smem:$0x3FB6] =	sst s10  }
0x32: {  	s10 =	sld [smem:$0x3FB4];
	_ =	sdelay $0x3  }
0x33: {  	p0 =	seq.s32 s10, $0x1;
	s10 =	sld [smem:$0x3FB6];
	_ =	sdelay $0x3  }
0x34: {  	[smem:$0x3FB6] =	sst s10  }
0x35: {  	s10 =	sld [smem:$0x3FB5];
	_ =	sdelay $0x3  }
0x36: {  	p1 =	seq.s32 s10, $0x1;
	s10 =	sld [smem:$0x3FB6];
	_ =	sdelay $0x3  }
0x37: {  	[smem:$0x3FB6] =	sst s10  }
0x38: {  	s10 =	sld [smem:$0x3FB7]  }
0x39: {  	_ = 	snop;
	(pc) =	sbr.ind lr, $3  }
0x3a: {  	_ = 	snop  }
0x3b: {  	_ = 	snop  }
0x3c: {  	p2 =	seq.s32 s10, $0x1;
	s10 =	sld [smem:$0x3FB6]  }
0x3d: {  	_ =	shalt  }
0x3e: {  	_ =	shalt  }
0x3f: {  	_ =	shalt  }
0x40: {  	_ =	shalt  }
0x41: {  	_ =	shalt  }
0x42: {  	_ =	shalt  }
0x43: {  	_ =	shalt  }
0x44: {  	_ =	shalt  }
0x45: {  	_ =	shalt  }
0x46: {  	_ =	shalt  }
0x47: {  	_ =	shalt  }
0x48: {  	_ =	shalt  }
0x49: {  	_ =	shalt  }
0x4a: {  	_ =	shalt  }
0x4b: {  	_ =	shalt  }
0x4c: {  	_ =	shalt  }
0x4d: {  	_ =	shalt  }
0x4e: {  	_ =	shalt  }
0x4f: {  	_ =	shalt  }
0x50: {  	_ =	shalt  }
0x51: {  	_ =	shalt  }
0x52: {  	_ =	shalt  }
0x53: {  	_ =	shalt  }
0x54: {  	_ =	shalt  }
0x55: {  	_ =	shalt  }
0x56: {  	_ =	shalt  }
0x57: {  	_ =	shalt  }
0x58: {  	_ =	shalt  }
0x59: {  	_ =	shalt  }
0x5a: {  	_ =	shalt  }
0x5b: {  	_ =	shalt  }
0x5c: {  	_ =	shalt  }
0x5d: {  	_ =	shalt  }
0x5e: {  	_ =	shalt  }
0x5f: {  	_ =	shalt  }
0x60: {  	_ =	shalt  }
0x61: {  	_ =	shalt  }
0x62: {  	_ =	shalt  }
0x63: {  	_ =	shalt  }
0x64: {  	_ =	shalt  }
0x65: {  	_ =	shalt  }
0x66: {  	_ =	shalt  }
0x67: {  	_ =	shalt  }
0x68: {  	_ =	shalt  }
0x69: {  	_ =	shalt  }
0x6a: {  	_ =	shalt  }
0x6b: {  	_ =	shalt  }
0x6c: {  	_ =	shalt  }
0x6d: {  	_ =	shalt  }
0x6e: {  	_ =	shalt  }
0x6f: {  	_ =	shalt  }
0x70: {  	_ =	shalt  }
0x71: {  	_ =	shalt  }
0x72: {  	_ =	shalt  }
0x73: {  	_ =	shalt  }
0x74: {  	_ =	shalt  }
0x75: {  	_ =	shalt  }
0x76: {  	_ =	shalt  }
0x77: {  	_ =	shalt  }
0x78: {  	_ =	shalt  }
0x79: {  	_ =	shalt  }
0x7a: {  	_ =	shalt  }
0x7b: {  	_ =	shalt  }
0x7c: {  	_ =	shalt  }
0x7d: {  	_ =	shalt  }
0x7e: {  	_ =	shalt  }
0x7f: {  	_ =	shalt  }
0x80: {  	_ =	shalt  }
0x81: {  	_ =	shalt  }
0x82: {  	_ =	shalt  }
0x83: {  	_ =	shalt  }
0x84: {  	_ =	shalt  }
0x85: {  	_ =	shalt  }
0x86: {  	_ =	shalt  }
0x87: {  	_ =	shalt  }
.Lfunc_end0:
.L_simem_size_0:
called_computation.1_lowered:
.L_overlay_start_0:
0x88: {  	s2 =	sld [smem:$0x3FD9]  }
0x89: {  	s3 =	sld [smem:$0x3FFE];
	_ =	sdelay $0x1  }
0x8a: {  	s1 =	srdreg.scid  }
0x8b: {  	s0 =	sand.u32 $0x1, s1  }
0x8c: {  	s17 =	sshll.u32 s0, $0xA;
	s2 =	sadd.s32 s3, s2  }
0x8d: {  	s2 =	sadd.s32 s2, s17  }
0x8e: {  	[smem:$0x3FC2] =	sst s2  }
0x8f: {  	_ = 	snop  }
0x90: {  	s2 =	sld [smem:$0x3FD0];
	(tm) =	ssettm $0x1  }
0x91: {  	s18 =	sld [smem:$0x3FFB];
	_ =	sdelay $0x3  }
0x92: {  	_ =	strace s18  }
0x93: {  	s3 =	sld [smem:$0x3FFC];
	_ =	sdelay $0x3  }
0x94: {  	_ =	strace s3  }
0x95: {  	s3 =	sld [smem:$0x3FFD];
	_ =	sdelay $0x3  }
0x96: {  	_ =	strace s3  }
0x97: {  	_ =	strace $0x8FFFFFFF  }
0x98: {  	s19 =	sld [smem:$0x3FDB];
	_ =	sdelay $0x1  }
0x99: {  	s4 =	simm.s32 $_scs_section_size  }
0x9a: {  	s5 =	simm.s32 $_size__tile_overlayer_lowered;
	s6 =	simm.s32 $_tile_overlayer_lowered  }
0x9b: {  	s22 =	simm.s32 $0x1BFF;
	s21 =	sshll.u32 s6, $0x1;
	s3 =	sadd.s32 s4, s19  }
0x9c: {  	s7 =	simm.s32 $0x0;
	s20 =	sshll.u32 s5, $0x1;
	s5 =	sadd.s32 s21, s3  }
0x9d: {  	[timem:s7], [sflag:s22] =	dma.local [hbm:s5], s20  }
0x9e: {  	_ =	swait.ge [sflag:s22], s20  }
0x9f: {  	s4 =	ssub.s32 $0x0, s20;
	[sflag:s22] =	ssyncset.done $0x0  }
0xa0: {  	[sflag:s22] =	ssyncadd.s32 s4;
	_ =	sdelay $0x1  }
0xa1: {  	s23 =	simm.s32 $0x1B8B  }
0xa2: {  	_ =	swait.ge [sflag:s23], $0x1  }
0xa3: {  	[sflag:s23] =	ssyncset.done $0x0  }
0xa4: {  	s25 =	simm.s32 $0x1B8E;
	s24 =	sld [smem:$0x3FFE];
	[sflag:s23] =	ssyncadd.s32 $0xFFFFFFFF  }
0xa5: {  	s26 =	simm.s32 $execute0_lowered;
	[smem:$0x3FD2] =	sst s25  }
0xa6: {  	s5 =	sshll.u32 s26, $0x1;
	_ =	strace $0x80000049;
	[dreg:$0x1] =	wrdreg $0xFFFFFFFF  }
0xa7: {  	s28 =	simm.s32 $_size_execute0_lowered;
	s3 =	sadd.s32 s3, s5;
	[dreg:$0x0] =	wrdreg $0x0  }
0xa8: {  	s5 =	sshll.u32 s28, $0x1;
	[dreg:$0x2] =	wrdreg s3  }
0xa9: {  	[dreg:$0x3] =	wrdreg s5  }
0xaa: {  	[dreg:$0x4] =	wrdreg $0xC0  }
0xab: {  	_ =	task [dreg:s7], $0x5FFFF  }
0xac: {  	[dreg:$0x1] =	wrdreg $0xFFFFFFFF  }
0xad: {  	[dreg:$0x0] =	wrdreg $0x60  }
0xae: {  	[dreg:$0x2] =	wrdreg s2  }
0xaf: {  	[dreg:$0x3] =	wrdreg s24  }
0xb0: {  	[dreg:$0x4] =	wrdreg $0xA0000  }
0xb1: {  	[dreg:$0x5] =	wrdreg $0x9  }
0xb2: {  	_ =	task.clear_ibuf [dreg:s7], $0x6FFFF;
	_ =	strace $0x90000049  }
0xb3: {  	s29 =	simm.s32 $0x9;
	_ =	strace $0x8000004B  }
0xb4: {  	_ =	swait.ge [sflag:s29], $0x1  }
0xb5: {  	[sflag:s29] =	ssyncadd.s32 $0xFFFFFFFF  }
0xb6: {  	_ =	strace $0x9000004B  }
0xb7: {  	_ =	sfence  }
0xb8: {  	s30 =	sld [smem:$0x0];
	_ =	sdelay $0x2  }
0xb9: {  	s31 =	sshll.u32 s1, $0xD;
	s1 =	sshrl.u32 s1, $0x2  }
0xba: {  	s3 =	sand.u32 $0x4000, s31;
	s1 =	sadd.s32 s1, s30  }
0xbb: {  	s0 =	sor.u32 s3, s0;
	s1 =	sshll.u32 s1, $0x11  }
0xbc: {  	s0 =	sor.u32 s1, s0  }
0xbd: {  	s0 =	sadd.s32 $0x8F2B, s0  }
0xbe: {  	[sflag:s0] =	ssyncadd.remote.s32 $0x1  }
0xbf: {  	_ =	sfence.sel $0xFFFF  }
0xc0: {  	[dreg:$0x0] =	wrdreg $0xFFFFFFFF;
	(pc) =	sbr.abs _section_cstart, $3  }
0xc1: {  	[dreg:$0x1] =	wrdreg $0xFFFFFFFF  }
0xc2: {  	_ =	task.clear_ibuf [dreg:s7], $0x2FFFF;
	_ =	strace $0x9FFFFFFF  }
0xc3: {  	(tm) =	ssettm $0x7FFFFFFF  }
tec
execute0_lowered:
.L_overlay_start_1:
0x0: {  	(tag) =	ssettag $0x1  }
0x1: {  	s1 =	rddreg [dreg:$0x0]  }
0x2: {  	s0 =	rddreg [dreg:$0x1]  }
0x3: {  	s2 =	rddreg [dreg:$0x2];
	s4 =	simm.s32 $0x0;
	s3 =	srdreg.scid  }
0x4: {  	s16 =	stileid.u32;
	s28 =	simm.s32 $0x6000;
	s29 =	simm.s32 $0x5  }
0x5: {  	s30 =	simm.s32 $0x2;
	s31 =	simm.s32 $0xE00;
	s8 =	smul.u32 $0x280, s16  }
0x6: {  	[smem:$0x7FF] =	sst s4;
	s3 =	sand.u32 $0x1, s3;
	s10 =	smul.u32 $0x50000, s16  }
0x7: {  	s5 =	sadd.s32 $0xCC00, s0;
	s6 =	sadd.s32 $0x2C00, s0;
	s21 =	smul.u32 $0x2800, s16  }
0x8: {  	_ =	strace $0x8000004A;
	s7 =	ssub.s32 $0x2, s3;
	s23 =	sshll.u32 s3, $0x4  }
0x9: {  	p0 =	seq.s32 s3, $0x0;
	s3 =	smul.u32 $0x28000, s3;
	s9 =	sshrl.u32 s7, $0x1  }
0xa: {  	s11 =	sadd.s32 $0x80, s8;
	s10 =	sshrl.u32 s10, $0x2;
	s25 =	sadd.s32 $0x100, s8  }
0xb: {  	s13 =	sadd.s32 $0x180, s8;
	s8 =	sadd.s32 $0x200, s8;
	s7 =	ssub.s32 s7, s9  }
0xc: {  	s9 =	sor.u32 s16, s23;
	s12 =	sshll.u32 s11, $0x7;
	s20 =	sadd.s32 s10, s2  }
0xd: {  	s26 =	sshll.u32 s25, $0x7;
	s14 =	sshll.u32 s13, $0x7;
	s15 =	sshll.u32 s8, $0x7  }
0xe: {  	s11 =	sshll.u32 s11, $0x4;
	s10 =	sshll.u32 s25, $0x4;
	s13 =	sshll.u32 s13, $0x4  }
0xf: {  	s8 =	sshll.u32 s8, $0x4;
	s24 =	sadd.s32 s12, s2;
	[dreg:$0x4] =	wrdreg s20  }
0x10: {  	s3 =	sadd.s32 s21, s3;
	s12 =	sadd.s32 s26, s2;
	[dreg:$0x5] =	wrdreg s24  }
0x11: {  	s16 =	simm.s32 $0x1F00;
	s17 =	sadd.s32 s14, s2;
	[dreg:$0x6] =	wrdreg s12  }
0x12: {  	s9 =	smul.u32 $0x500, s9;
	s18 =	sadd.s32 s15, s2;
	[dreg:$0x7] =	wrdreg s17  }
0x13: {  	s7 =	smax.u32 s7, $0x1;
	s26 =	sadd.s32 $0x800, s3;
	[dreg:$0x8] =	wrdreg s18  }
0x14: {  	s3 =	simm.s32 $0xE80;
	s14 =	simm.s32 $0x1E80;
	[dreg:$0xb] =	wrdreg s7  }
0x15: {  	s15 =	simm.s32 $0xF80;
	s12 =	simm.s32 $0x3EC00;
	[dreg:$0x11] =	wrdreg s26  }
0x16: {  	s26 =	simm.s32 $0x1;
	s17 =	simm.s32 $0x1F80;
	s19 =	sadd.s32 s5, s9  }
0x17: {  	s9 =	sadd.s32 s6, s9;
	s12 =	simm.s32 @!p0 $0x66C00;
	[dreg:$0x9] =	wrdreg s19  }
0x18: {  	[dreg:$0xa] =	wrdreg s9;
	s0 =	sadd.s32 s12, s0;
	s12 =	simm.s32 $0x1E00  }
0x19: {  	s22 =	sadd.s32 s0, s21;
	s23 =	sadd.s32 s0, s11;
	s24 =	sadd.s32 s0, s10  }
0x1a: {  	s25 =	sadd.s32 s0, s13;
	s0 =	sadd.s32 s0, s8;
	[dreg:$0xc] =	wrdreg s22  }
.Ltmp0:
0x1b: {  	s21 =	simm.s32 $0x2000;
	[dreg:$0xd] =	wrdreg s23;
	(pc) =	sbr.rel .LBB2_1-.Ltmp0, $4  }
0x1c: {  	s10 =	simm.s32 $0xD80;
	s11 =	simm.s32 $0x1D00;
	[dreg:$0xe] =	wrdreg s24  }
0x1d: {  	s13 =	simm.s32 $0xF00;
	s8 =	simm.s32 $0x0;
	[dreg:$0xf] =	wrdreg s25  }
0x1e: {  	[dreg:$0x10] =	wrdreg s0;
	s22 =	simm.s32 $0x4;
	s23 =	simm.s32 $0x1000  }
0x1f: {  	v0 =	vimm.f32 $0.0e+00;
	s24 =	simm.s32 $0x3;
	s25 =	simm.s32 $0x80;
	s0 =	simm.s32 $0x1D80  }
.LBB2_8:
0x20: {  	s7 =	stileid.u32;
	[bflag:$0x0] =	sbarrier.arrive $0xFFFF  }
0x21: {  	s7 =	sshll.u32 s7, $0x6;
	s20 =	rddreg [dreg:$0x4]  }
0x22: {  	s9 =	rddreg [dreg:$0xc];
	s7 =	sor.u32 $0x1C04, s7;
	s8 =	sshrl.u32 s20, $0x3  }
0x23: {  	[hbm:s9], [sflag:s7] =	dma.local [spmem:s8], $0x800  }
0x24: {  	_ =	swait.ge [sflag:s22], $0x800  }
0x25: {  	[sflag:s22] =	ssyncset.done $0x0;
	s18 =	rddreg [dreg:$0x5]  }
0x26: {  	s19 =	rddreg [dreg:$0xd];
	[sflag:s22] =	ssyncadd.s32 $0xFFFFF800;
	s8 =	sshrl.u32 s18, $0x3  }
0x27: {  	[hbm:s19], [sflag:s7] =	dma.local [spmem:s8], $0x800  }
0x28: {  	_ =	swait.ge [sflag:s22], $0x800  }
0x29: {  	[sflag:s22] =	ssyncset.done $0x0;
	s18 =	rddreg [dreg:$0x6]  }
0x2a: {  	s19 =	rddreg [dreg:$0xe];
	[sflag:s22] =	ssyncadd.s32 $0xFFFFF800;
	s8 =	sshrl.u32 s18, $0x3  }
0x2b: {  	[hbm:s19], [sflag:s7] =	dma.local [spmem:s8], $0x800  }
0x2c: {  	_ =	swait.ge [sflag:s22], $0x800  }
0x2d: {  	[sflag:s22] =	ssyncset.done $0x0;
	s18 =	rddreg [dreg:$0x7]  }
0x2e: {  	s19 =	rddreg [dreg:$0xf];
	[sflag:s22] =	ssyncadd.s32 $0xFFFFF800;
	s8 =	sshrl.u32 s18, $0x3  }
0x2f: {  	[hbm:s19], [sflag:s7] =	dma.local [spmem:s8], $0x800  }
0x30: {  	_ =	swait.ge [sflag:s22], $0x800  }
0x31: {  	[sflag:s22] =	ssyncset.done $0x0;
	s18 =	rddreg [dreg:$0x8]  }
0x32: {  	s19 =	rddreg [dreg:$0x10];
	[sflag:s22] =	ssyncadd.s32 $0xFFFFF800;
	s8 =	sshrl.u32 s18, $0x3  }
0x33: {  	[hbm:s19], [sflag:s7] =	dma.local [spmem:s8], $0x800  }
0x34: {  	_ =	swait.ge [sflag:s22], $0x800  }
0x35: {  	s18 =	rddreg [dreg:$0x12]  }
0x36: {  	s19 =	rddreg [dreg:$0xb];
	s8 =	sadd.s32 $0x1, s18  }
0x37: {  	p0 =	sne.s32 s8, s19  }
.Ltmp1:
0x38: {  	_ = 	snop;
	(pc) =	sbr.rel @!p0 .LBB2_9-.Ltmp1, $3  }
0x39: {  	_ =	sdelay $0x1  }
0x3a: {  	[sflag:s22] =	ssyncset.done $0x0  }
0x3b: {  	[sflag:s22] =	ssyncadd.s32 $0xFFFFF800  }
.LBB2_1:
0x3c: {  	s18 =	simm.s32 $0x0;
	s19 =	simm.s32 $0x200  }
.LBB2_2:
0x3d: {  	p0 =	sne.s32 s19, $0xFE00;
	[tilespmem:s18+$0x2070] =	vst v0  }
0x3e: {  	[tilespmem:s18+$0x2000] =	vst v0  }
0x3f: {  	[tilespmem:s18+$0x2010] =	vst v0  }
.Ltmp2:
0x40: {  	[tilespmem:s18+$0x2020] =	vst v0;
	(pc) =	sbr.rel @p0 .LBB2_2-.Ltmp2, $4  }
0x41: {  	[tilespmem:s18+$0x2030] =	vst v0  }
0x42: {  	[tilespmem:s18+$0x2040] =	vst v0  }
0x43: {  	[tilespmem:s18+$0x2050] =	vst v0  }
0x44: {  	[tilespmem:s18+$0x2060] =	vst v0;
	s18 =	sshra.s32 s19, $0x2;
	s19 =	sadd.s32 $0x200, s19  }
0x45: {  	[tilespmem:s18+$0x2070] =	vst v0  }
0x46: {  	[tilespmem:s18+$0x2000] =	vst v0  }
0x47: {  	[tilespmem:s18+$0x2010] =	vst v0  }
0x48: {  	[tilespmem:s18+$0x2020] =	vst v0  }
0x49: {  	[tilespmem:s18+$0x2030] =	vst v0  }
0x4a: {  	[tilespmem:s18+$0x2040] =	vst v0  }
0x4b: {  	[tilespmem:s18+$0x2050] =	vst v0  }
0x4c: {  	[dreg:$0x12] =	wrdreg s8;
	[tilespmem:s18+$0x2060] =	vst v0  }
0x4d: {  	[spmem:s20] =	stream.linear.scatter [tilespmem:s21], [sflag:$0x4], $0x4000, $0x38;
	[tilespmem:$0x1E000] =	vst v63  }
0x4e: {  	_ =	swait.ge [sflag:s22], $0x4000  }
0x4f: {  	[sflag:s22] =	ssyncset.done $0x0  }
0x50: {  	s7 =	rddreg [dreg:$0x5];
	[sflag:s22] =	ssyncadd.s32 $0xFFFFC000  }
0x51: {  	[spmem:s7] =	stream.linear.scatter [tilespmem:s21], [sflag:$0x4], $0x4000, $0x38;
	[tilespmem:$0x1E000] =	vst v63  }
0x52: {  	_ =	swait.ge [sflag:s22], $0x4000  }
0x53: {  	[sflag:s22] =	ssyncset.done $0x0  }
0x54: {  	s8 =	rddreg [dreg:$0x6];
	[sflag:s22] =	ssyncadd.s32 $0xFFFFC000  }
0x55: {  	[spmem:s8] =	stream.linear.scatter [tilespmem:s21], [sflag:$0x4], $0x4000, $0x38;
	[tilespmem:$0x1E000] =	vst v63  }
0x56: {  	_ =	swait.ge [sflag:s22], $0x4000  }
0x57: {  	[sflag:s22] =	ssyncset.done $0x0  }
0x58: {  	s9 =	rddreg [dreg:$0x7];
	[sflag:s22] =	ssyncadd.s32 $0xFFFFC000  }
0x59: {  	[spmem:s9] =	stream.linear.scatter [tilespmem:s21], [sflag:$0x4], $0x4000, $0x38;
	[tilespmem:$0x1E000] =	vst v63  }
0x5a: {  	_ =	swait.ge [sflag:s22], $0x4000  }
0x5b: {  	[sflag:s22] =	ssyncset.done $0x0  }
0x5c: {  	s18 =	rddreg [dreg:$0x8];
	[sflag:s22] =	ssyncadd.s32 $0xFFFFC000  }
0x5d: {  	[spmem:s18] =	stream.linear.scatter [tilespmem:s21], [sflag:$0x4], $0x4000, $0x38;
	[tilespmem:$0x1E000] =	vst v63  }
0x5e: {  	_ =	swait.ge [sflag:s22], $0x4000  }
0x5f: {  	[sflag:s22] =	ssyncset.done $0x0  }
0x60: {  	[sflag:s22] =	ssyncadd.s32 $0xFFFFC000  }
0x61: {  	[bflag:$0x0] =	sbarrier.arrive $0xFFFF  }
0x62: {  	s19 =	rddreg [dreg:$0x9]  }
0x63: {  	[tilespmem:s4], [sflag:$0x3] =	stream.linear.gather [hbm4b:s19+s4], $0x800, $0x38;
	[tilespmem:$0x1E000] =	vst v63  }
0x64: {  	s20 =	rddreg [dreg:$0xa]  }
0x65: {  	[tilespmem:s23], [sflag:$0x3] =	stream.linear.gather [hbm4b:s20+s4], $0x800, $0x38;
	[tilespmem:$0x1E000] =	vst v63  }
0x66: {  	_ =	swait.ge [sflag:s24], $0x800  }
0x67: {  	[sflag:s24] =	ssyncset.done $0x0  }
.Ltmp3:
0x68: {  	[sflag:s24] =	ssyncadd.s32 $0xFFFFF800;
	(pc) =	sbr.rel .LBB2_4-.Ltmp3, $4  }
0x69: {  	_ =	swait.ge [sflag:s24], $0x800  }
0x6a: {  	[sflag:s24] =	ssyncset.done $0x0  }
0x6b: {  	s18 =	simm.s32 $0x1;
	s19 =	rddreg [dreg:$0x11];
	[sflag:s24] =	ssyncadd.s32 $0xFFFFF800  }
0x6c: {  	[tilespmem:s21], [sflag:$0x1] =	stream.indirect.gather [hbm4b:s1+s25], $0x80, s4, s25, $0xb8;
	[tilespmem:$0x1E000] =	vst v63  }
.LBB2_6:
0x6d: {  	s7 =	sshrl.u32 s19, $0x3  }
0x6e: {  	s8 =	sadd.s32 s5, s7  }
0x6f: {  	[tilespmem:s4], [sflag:$0x3] =	stream.linear.gather [hbm4b:s8+s4], $0x800, $0x38;
	[tilespmem:$0x1E000] =	vst v63  }
0x70: {  	s7 =	sadd.s32 s6, s7  }
0x71: {  	[tilespmem:s23], [sflag:$0x3] =	stream.linear.gather [hbm4b:s7+s4], $0x800, $0x38;
	[tilespmem:$0x1E000] =	vst v63  }
0x72: {  	_ =	swait.ge [sflag:s26], $0x4000  }
0x73: {  	[sflag:s26] =	ssyncset.done $0x0  }
0x74: {  	s9 =	simm.s32 $0x880;
	[sflag:s26] =	ssyncadd.s32 $0xFFFFC000  }
0x75: {  	[tilespmem:s28], [sflag:$0x2] =	stream.indirect.gather [hbm4b:s1+s25], $0x80, s9, s25, $0xb8;
	[tilespmem:$0x1E000] =	vst v63  }
0x76: {  	s20 =	simm.s32 $0x1800  }
0x77: {  	[spmem:s2] =	stream.indirect.scatter.add.f32 [tilespmem:s21], [sflag:$0x5], $0x80, s20, s25, $0xb8;
	[tilespmem:$0x1E000] =	vst v63  }
0x78: {  	_ =	swait.ge [sflag:s29], $0x4000  }
0x79: {  	[sflag:s29] =	ssyncset.done $0x0  }
0x7a: {  	[sflag:s29] =	ssyncadd.s32 $0xFFFFC000  }
0x7b: {  	_ =	swait.ge [sflag:s30], $0x4000  }
0x7c: {  	[sflag:s30] =	ssyncset.done $0x0  }
0x7d: {  	s8 =	simm.s32 $0x900;
	[sflag:s30] =	ssyncadd.s32 $0xFFFFC000  }
0x7e: {  	[tilespmem:s21], [sflag:$0x1] =	stream.indirect.gather [hbm4b:s1+s25], $0x80, s8, s25, $0xb8;
	[tilespmem:$0x1E000] =	vst v63  }
0x7f: {  	s9 =	simm.s32 $0x1880  }
0x80: {  	[spmem:s2] =	stream.indirect.scatter.add.f32 [tilespmem:s28], [sflag:$0x5], $0x80, s9, s25, $0xb8;
	[tilespmem:$0x1E000] =	vst v63  }
0x81: {  	_ =	swait.ge [sflag:s29], $0x4000  }
0x82: {  	[sflag:s29] =	ssyncset.done $0x0  }
0x83: {  	[sflag:s29] =	ssyncadd.s32 $0xFFFFC000  }
0x84: {  	_ =	swait.ge [sflag:s26], $0x4000  }
0x85: {  	[sflag:s26] =	ssyncset.done $0x0  }
0x86: {  	s20 =	simm.s32 $0x980;
	[sflag:s26] =	ssyncadd.s32 $0xFFFFC000  }
0x87: {  	[tilespmem:s28], [sflag:$0x2] =	stream.indirect.gather [hbm4b:s1+s25], $0x80, s20, s25, $0xb8;
	[tilespmem:$0x1E000] =	vst v63  }
0x88: {  	s8 =	simm.s32 $0x1900  }
0x89: {  	[spmem:s2] =	stream.indirect.scatter.add.f32 [tilespmem:s21], [sflag:$0x5], $0x80, s8, s25, $0xb8;
	[tilespmem:$0x1E000] =	vst v63  }
0x8a: {  	_ =	swait.ge [sflag:s29], $0x4000  }
0x8b: {  	[sflag:s29] =	ssyncset.done $0x0  }
0x8c: {  	[sflag:s29] =	ssyncadd.s32 $0xFFFFC000  }
0x8d: {  	_ =	swait.ge [sflag:s30], $0x4000  }
0x8e: {  	[sflag:s30] =	ssyncset.done $0x0  }
0x8f: {  	s9 =	simm.s32 $0xA00;
	[sflag:s30] =	ssyncadd.s32 $0xFFFFC000  }
0x90: {  	[tilespmem:s21], [sflag:$0x1] =	stream.indirect.gather [hbm4b:s1+s25], $0x80, s9, s25, $0xb8;
	[tilespmem:$0x1E000] =	vst v63  }
0x91: {  	s20 =	simm.s32 $0x1980  }
0x92: {  	[spmem:s2] =	stream.indirect.scatter.add.f32 [tilespmem:s28], [sflag:$0x5], $0x80, s20, s25, $0xb8;
	[tilespmem:$0x1E000] =	vst v63  }
0x93: {  	_ =	swait.ge [sflag:s29], $0x4000  }
0x94: {  	[sflag:s29] =	ssyncset.done $0x0  }
0x95: {  	[sflag:s29] =	ssyncadd.s32 $0xFFFFC000  }
0x96: {  	_ =	swait.ge [sflag:s26], $0x4000  }
0x97: {  	[sflag:s26] =	ssyncset.done $0x0  }
0x98: {  	s8 =	simm.s32 $0xA80;
	[sflag:s26] =	ssyncadd.s32 $0xFFFFC000  }
0x99: {  	[tilespmem:s28], [sflag:$0x2] =	stream.indirect.gather [hbm4b:s1+s25], $0x80, s8, s25, $0xb8;
	[tilespmem:$0x1E000] =	vst v63  }
0x9a: {  	s9 =	simm.s32 $0x1A00  }
0x9b: {  	[spmem:s2] =	stream.indirect.scatter.add.f32 [tilespmem:s21], [sflag:$0x5], $0x80, s9, s25, $0xb8;
	[tilespmem:$0x1E000] =	vst v63  }
0x9c: {  	_ =	swait.ge [sflag:s29], $0x4000  }
0x9d: {  	[sflag:s29] =	ssyncset.done $0x0  }
0x9e: {  	[sflag:s29] =	ssyncadd.s32 $0xFFFFC000  }
0x9f: {  	_ =	swait.ge [sflag:s30], $0x4000  }
0xa0: {  	[sflag:s30] =	ssyncset.done $0x0  }
0xa1: {  	s20 =	simm.s32 $0xB00;
	[sflag:s30] =	ssyncadd.s32 $0xFFFFC000  }
0xa2: {  	[tilespmem:s21], [sflag:$0x1] =	stream.indirect.gather [hbm4b:s1+s25], $0x80, s20, s25, $0xb8;
	[tilespmem:$0x1E000] =	vst v63  }
0xa3: {  	s8 =	simm.s32 $0x1A80  }
0xa4: {  	[spmem:s2] =	stream.indirect.scatter.add.f32 [tilespmem:s28], [sflag:$0x5], $0x80, s8, s25, $0xb8;
	[tilespmem:$0x1E000] =	vst v63  }
0xa5: {  	_ =	swait.ge [sflag:s29], $0x4000  }
0xa6: {  	[sflag:s29] =	ssyncset.done $0x0  }
0xa7: {  	[sflag:s29] =	ssyncadd.s32 $0xFFFFC000  }
0xa8: {  	_ =	swait.ge [sflag:s26], $0x4000  }
0xa9: {  	[sflag:s26] =	ssyncset.done $0x0  }
0xaa: {  	s9 =	simm.s32 $0xB80;
	[sflag:s26] =	ssyncadd.s32 $0xFFFFC000  }
0xab: {  	[tilespmem:s28], [sflag:$0x2] =	stream.indirect.gather [hbm4b:s1+s25], $0x80, s9, s25, $0xb8;
	[tilespmem:$0x1E000] =	vst v63  }
0xac: {  	s20 =	simm.s32 $0x1B00  }
0xad: {  	[spmem:s2] =	stream.indirect.scatter.add.f32 [tilespmem:s21], [sflag:$0x5], $0x80, s20, s25, $0xb8;
	[tilespmem:$0x1E000] =	vst v63  }
0xae: {  	_ =	swait.ge [sflag:s29], $0x4000  }
0xaf: {  	[sflag:s29] =	ssyncset.done $0x0  }
0xb0: {  	[sflag:s29] =	ssyncadd.s32 $0xFFFFC000  }
0xb1: {  	_ =	swait.ge [sflag:s30], $0x4000  }
0xb2: {  	[sflag:s30] =	ssyncset.done $0x0  }
0xb3: {  	s8 =	simm.s32 $0xC00;
	[sflag:s30] =	ssyncadd.s32 $0xFFFFC000  }
0xb4: {  	[tilespmem:s21], [sflag:$0x1] =	stream.indirect.gather [hbm4b:s1+s25], $0x80, s8, s25, $0xb8;
	[tilespmem:$0x1E000] =	vst v63  }
0xb5: {  	s9 =	simm.s32 $0x1B80  }
0xb6: {  	[spmem:s2] =	stream.indirect.scatter.add.f32 [tilespmem:s28], [sflag:$0x5], $0x80, s9, s25, $0xb8;
	[tilespmem:$0x1E000] =	vst v63  }
0xb7: {  	_ =	swait.ge [sflag:s29], $0x4000  }
0xb8: {  	[sflag:s29] =	ssyncset.done $0x0  }
0xb9: {  	[sflag:s29] =	ssyncadd.s32 $0xFFFFC000  }
0xba: {  	_ =	swait.ge [sflag:s26], $0x4000  }
0xbb: {  	[sflag:s26] =	ssyncset.done $0x0  }
0xbc: {  	s20 =	simm.s32 $0xC80;
	[sflag:s26] =	ssyncadd.s32 $0xFFFFC000  }
0xbd: {  	[tilespmem:s28], [sflag:$0x2] =	stream.indirect.gather [hbm4b:s1+s25], $0x80, s20, s25, $0xb8;
	[tilespmem:$0x1E000] =	vst v63  }
0xbe: {  	s8 =	simm.s32 $0x1C00  }
0xbf: {  	[spmem:s2] =	stream.indirect.scatter.add.f32 [tilespmem:s21], [sflag:$0x5], $0x80, s8, s25, $0xb8;
	[tilespmem:$0x1E000] =	vst v63  }
0xc0: {  	_ =	swait.ge [sflag:s29], $0x4000  }
0xc1: {  	[sflag:s29] =	ssyncset.done $0x0  }
0xc2: {  	[sflag:s29] =	ssyncadd.s32 $0xFFFFC000  }
0xc3: {  	_ =	swait.ge [sflag:s30], $0x4000  }
0xc4: {  	[sflag:s30] =	ssyncset.done $0x0  }
0xc5: {  	s9 =	simm.s32 $0xD00;
	[sflag:s30] =	ssyncadd.s32 $0xFFFFC000  }
0xc6: {  	[tilespmem:s21], [sflag:$0x1] =	stream.indirect.gather [hbm4b:s1+s25], $0x80, s9, s25, $0xb8;
	[tilespmem:$0x1E000] =	vst v63  }
0xc7: {  	s20 =	simm.s32 $0x1C80  }
0xc8: {  	[spmem:s2] =	stream.indirect.scatter.add.f32 [tilespmem:s28], [sflag:$0x5], $0x80, s20, s25, $0xb8;
	[tilespmem:$0x1E000] =	vst v63  }
0xc9: {  	_ =	swait.ge [sflag:s29], $0x4000  }
0xca: {  	[sflag:s29] =	ssyncset.done $0x0  }
0xcb: {  	[sflag:s29] =	ssyncadd.s32 $0xFFFFC000  }
0xcc: {  	_ =	swait.ge [sflag:s26], $0x4000  }
0xcd: {  	[sflag:s26] =	ssyncset.done $0x0  }
0xce: {  	[sflag:s26] =	ssyncadd.s32 $0xFFFFC000  }
0xcf: {  	[tilespmem:s28], [sflag:$0x2] =	stream.indirect.gather [hbm4b:s1+s25], $0x80, s10, s25, $0xb8;
	[tilespmem:$0x1E000] =	vst v63  }
0xd0: {  	_ = 	snop  }
0xd1: {  	[spmem:s2] =	stream.indirect.scatter.add.f32 [tilespmem:s21], [sflag:$0x5], $0x80, s11, s25, $0xb8;
	[tilespmem:$0x1E000] =	vst v63  }
0xd2: {  	_ =	swait.ge [sflag:s29], $0x4000  }
0xd3: {  	[sflag:s29] =	ssyncset.done $0x0  }
0xd4: {  	[sflag:s29] =	ssyncadd.s32 $0xFFFFC000  }
0xd5: {  	_ =	swait.ge [sflag:s30], $0x4000  }
0xd6: {  	[sflag:s30] =	ssyncset.done $0x0  }
0xd7: {  	[sflag:s30] =	ssyncadd.s32 $0xFFFFC000  }
0xd8: {  	[tilespmem:s21], [sflag:$0x1] =	stream.indirect.gather [hbm4b:s1+s25], $0x80, s31, s25, $0xb8;
	[tilespmem:$0x1E000] =	vst v63  }
0xd9: {  	_ = 	snop  }
0xda: {  	[spmem:s2] =	stream.indirect.scatter.add.f32 [tilespmem:s28], [sflag:$0x5], $0x80, s0, s25, $0xb8;
	[tilespmem:$0x1E000] =	vst v63  }
0xdb: {  	_ =	swait.ge [sflag:s29], $0x4000  }
0xdc: {  	[sflag:s29] =	ssyncset.done $0x0  }
0xdd: {  	[sflag:s29] =	ssyncadd.s32 $0xFFFFC000  }
0xde: {  	_ =	swait.ge [sflag:s26], $0x4000  }
0xdf: {  	[sflag:s26] =	ssyncset.done $0x0  }
0xe0: {  	[sflag:s26] =	ssyncadd.s32 $0xFFFFC000  }
0xe1: {  	[tilespmem:s28], [sflag:$0x2] =	stream.indirect.gather [hbm4b:s1+s25], $0x80, s3, s25, $0xb8;
	[tilespmem:$0x1E000] =	vst v63  }
0xe2: {  	_ = 	snop  }
0xe3: {  	[spmem:s2] =	stream.indirect.scatter.add.f32 [tilespmem:s21], [sflag:$0x5], $0x80, s12, s25, $0xb8;
	[tilespmem:$0x1E000] =	vst v63  }
0xe4: {  	_ =	swait.ge [sflag:s29], $0x4000  }
0xe5: {  	[sflag:s29] =	ssyncset.done $0x0  }
0xe6: {  	[sflag:s29] =	ssyncadd.s32 $0xFFFFC000  }
0xe7: {  	_ =	swait.ge [sflag:s30], $0x4000  }
0xe8: {  	[sflag:s30] =	ssyncset.done $0x0  }
0xe9: {  	[sflag:s30] =	ssyncadd.s32 $0xFFFFC000  }
0xea: {  	[tilespmem:s21], [sflag:$0x1] =	stream.indirect.gather [hbm4b:s1+s25], $0x80, s13, s25, $0xb8;
	[tilespmem:$0x1E000] =	vst v63  }
0xeb: {  	_ = 	snop  }
0xec: {  	[spmem:s2] =	stream.indirect.scatter.add.f32 [tilespmem:s28], [sflag:$0x5], $0x80, s14, s25, $0xb8;
	[tilespmem:$0x1E000] =	vst v63  }
0xed: {  	_ =	swait.ge [sflag:s29], $0x4000  }
0xee: {  	[sflag:s29] =	ssyncset.done $0x0  }
0xef: {  	[sflag:s29] =	ssyncadd.s32 $0xFFFFC000  }
0xf0: {  	_ =	swait.ge [sflag:s26], $0x4000  }
0xf1: {  	[sflag:s26] =	ssyncset.done $0x0  }
0xf2: {  	[sflag:s26] =	ssyncadd.s32 $0xFFFFC000  }
0xf3: {  	[tilespmem:s28], [sflag:$0x2] =	stream.indirect.gather [hbm4b:s1+s25], $0x80, s15, s25, $0xb8;
	[tilespmem:$0x1E000] =	vst v63  }
0xf4: {  	_ = 	snop  }
0xf5: {  	[spmem:s2] =	stream.indirect.scatter.add.f32 [tilespmem:s21], [sflag:$0x5], $0x80, s16, s25, $0xb8;
	[tilespmem:$0x1E000] =	vst v63  }
0xf6: {  	_ =	swait.ge [sflag:s29], $0x4000  }
0xf7: {  	[sflag:s29] =	ssyncset.done $0x0  }
0xf8: {  	[sflag:s29] =	ssyncadd.s32 $0xFFFFC000  }
0xf9: {  	_ =	swait.ge [sflag:s30], $0x4000  }
0xfa: {  	[sflag:s30] =	ssyncset.done $0x0  }
0xfb: {  	[sflag:s30] =	ssyncadd.s32 $0xFFFFC000  }
0xfc: {  	_ =	swait.ge [sflag:s24], $0x800  }
0xfd: {  	[sflag:s24] =	ssyncset.done $0x0  }
0xfe: {  	[sflag:s24] =	ssyncadd.s32 $0xFFFFF800  }
0xff: {  	_ =	swait.ge [sflag:s24], $0x800  }
0x100: {  	[sflag:s24] =	ssyncset.done $0x0  }
0x101: {  	[sflag:s24] =	ssyncadd.s32 $0xFFFFF800  }
0x102: {  	[tilespmem:s21], [sflag:$0x1] =	stream.indirect.gather [hbm4b:s1+s25], $0x80, s4, s25, $0xb8;
	[tilespmem:$0x1E000] =	vst v63  }
0x103: {  	s20 =	simm.s32 $0x4  }
0x104: {  	[spmem:s2] =	stream.indirect.scatter.add.f32 [tilespmem:s28], [sflag:$0x4], $0x80, s17, s25, $0xb8;
	[tilespmem:$0x1E000] =	vst v63  }
.LBB2_7:
0x105: {  	s18 =	sadd.s32 $0x1, s18  }
0x106: {  	p0 =	sne.s32 s18, $0x6  }
.Ltmp4:
0x107: {  	_ = 	snop;
	(pc) =	sbr.rel @!p0 .LBB2_8-.Ltmp4, $4  }
0x108: {  	_ = 	snop  }
0x109: {  	_ =	swait.ge [sflag:s20], $0x4000  }
0x10a: {  	[sflag:s20] =	ssyncset.done $0x0  }
0x10b: {  	s19 =	sadd.s32 $0x800, s19;
	[sflag:s20] =	ssyncadd.s32 $0xFFFFC000  }
.LBB2_4:
0x10c: {  	s20 =	sand.u32 $0x1, s18  }
0x10d: {  	p0 =	seq.s32 s20, $0x0  }
.Ltmp5:
0x10e: {  	_ = 	snop;
	(pc) =	sbr.rel @p0 .LBB2_6-.Ltmp5, $1  }
0x10f: {  	_ =	sdelay $0x3  }
0x110: {  	p0 =	sgt.u32 s18, $0x4  }
0x111: {  	s7 =	sshrl.u32 @!p0 s19, $0x3  }
0x112: {  	s9 =	simm.s32 @!p0 $0x0;
	s20 =	simm.s32 @!p0 $0x800;
	s8 =	sadd.s32 @!p0 s5, s7  }
0x113: {  	[tilespmem:s20], [sflag:$0x3] =	stream.linear.gather @!p0 [hbm4b:s8+s9], $0x800, $0x38;
	[tilespmem:$0x1E000] =	vst v63  }
0x114: {  	s7 =	sadd.s32 @!p0 s6, s7;
	s8 =	simm.s32 @!p0 $0x1800  }
0x115: {  	[tilespmem:s8], [sflag:$0x3] =	stream.linear.gather @!p0 [hbm4b:s7+s9], $0x800, $0x38;
	[tilespmem:$0x1E000] =	vst v63  }
0x116: {  	_ =	swait.ge [sflag:s26], $0x4000  }
0x117: {  	[sflag:s26] =	ssyncset.done $0x0  }
0x118: {  	[sflag:s26] =	ssyncadd.s32 $0xFFFFC000  }
0x119: {  	[tilespmem:s28], [sflag:$0x2] =	stream.indirect.gather [hbm4b:s1+s25], $0x80, s25, s25, $0xb8;
	[tilespmem:$0x1E000] =	vst v63  }
0x11a: {  	_ = 	snop  }
0x11b: {  	[spmem:s2] =	stream.indirect.scatter.add.f32 [tilespmem:s21], [sflag:$0x5], $0x80, s23, s25, $0xb8;
	[tilespmem:$0x1E000] =	vst v63  }
0x11c: {  	_ =	swait.ge [sflag:s29], $0x4000  }
0x11d: {  	[sflag:s29] =	ssyncset.done $0x0  }
0x11e: {  	[sflag:s29] =	ssyncadd.s32 $0xFFFFC000  }
0x11f: {  	_ =	swait.ge [sflag:s30], $0x4000  }
0x120: {  	[sflag:s30] =	ssyncset.done $0x0  }
0x121: {  	s8 =	simm.s32 $0x100;
	[sflag:s30] =	ssyncadd.s32 $0xFFFFC000  }
0x122: {  	[tilespmem:s21], [sflag:$0x1] =	stream.indirect.gather [hbm4b:s1+s25], $0x80, s8, s25, $0xb8;
	[tilespmem:$0x1E000] =	vst v63  }
0x123: {  	s9 =	simm.s32 $0x1080  }
0x124: {  	[spmem:s2] =	stream.indirect.scatter.add.f32 [tilespmem:s28], [sflag:$0x5], $0x80, s9, s25, $0xb8;
	[tilespmem:$0x1E000] =	vst v63  }
0x125: {  	_ =	swait.ge [sflag:s29], $0x4000  }
0x126: {  	[sflag:s29] =	ssyncset.done $0x0  }
0x127: {  	[sflag:s29] =	ssyncadd.s32 $0xFFFFC000  }
0x128: {  	_ =	swait.ge [sflag:s26], $0x4000  }
0x129: {  	[sflag:s26] =	ssyncset.done $0x0  }
0x12a: {  	s8 =	simm.s32 $0x180;
	[sflag:s26] =	ssyncadd.s32 $0xFFFFC000  }
0x12b: {  	[tilespmem:s28], [sflag:$0x2] =	stream.indirect.gather [hbm4b:s1+s25], $0x80, s8, s25, $0xb8;
	[tilespmem:$0x1E000] =	vst v63  }
0x12c: {  	s9 =	simm.s32 $0x1100  }
0x12d: {  	[spmem:s2] =	stream.indirect.scatter.add.f32 [tilespmem:s21], [sflag:$0x5], $0x80, s9, s25, $0xb8;
	[tilespmem:$0x1E000] =	vst v63  }
0x12e: {  	_ =	swait.ge [sflag:s29], $0x4000  }
0x12f: {  	[sflag:s29] =	ssyncset.done $0x0  }
0x130: {  	[sflag:s29] =	ssyncadd.s32 $0xFFFFC000  }
0x131: {  	_ =	swait.ge [sflag:s30], $0x4000  }
0x132: {  	[sflag:s30] =	ssyncset.done $0x0  }
0x133: {  	s8 =	simm.s32 $0x200;
	[sflag:s30] =	ssyncadd.s32 $0xFFFFC000  }
0x134: {  	[tilespmem:s21], [sflag:$0x1] =	stream.indirect.gather [hbm4b:s1+s25], $0x80, s8, s25, $0xb8;
	[tilespmem:$0x1E000] =	vst v63  }
0x135: {  	s9 =	simm.s32 $0x1180  }
0x136: {  	[spmem:s2] =	stream.indirect.scatter.add.f32 [tilespmem:s28], [sflag:$0x5], $0x80, s9, s25, $0xb8;
	[tilespmem:$0x1E000] =	vst v63  }
0x137: {  	_ =	swait.ge [sflag:s29], $0x4000  }
0x138: {  	[sflag:s29] =	ssyncset.done $0x0  }
0x139: {  	[sflag:s29] =	ssyncadd.s32 $0xFFFFC000  }
0x13a: {  	_ =	swait.ge [sflag:s26], $0x4000  }
0x13b: {  	[sflag:s26] =	ssyncset.done $0x0  }
0x13c: {  	s8 =	simm.s32 $0x280;
	[sflag:s26] =	ssyncadd.s32 $0xFFFFC000  }
0x13d: {  	[tilespmem:s28], [sflag:$0x2] =	stream.indirect.gather [hbm4b:s1+s25], $0x80, s8, s25, $0xb8;
	[tilespmem:$0x1E000] =	vst v63  }
0x13e: {  	s9 =	simm.s32 $0x1200  }
0x13f: {  	[spmem:s2] =	stream.indirect.scatter.add.f32 [tilespmem:s21], [sflag:$0x5], $0x80, s9, s25, $0xb8;
	[tilespmem:$0x1E000] =	vst v63  }
0x140: {  	_ =	swait.ge [sflag:s29], $0x4000  }
0x141: {  	[sflag:s29] =	ssyncset.done $0x0  }
0x142: {  	[sflag:s29] =	ssyncadd.s32 $0xFFFFC000  }
0x143: {  	_ =	swait.ge [sflag:s30], $0x4000  }
0x144: {  	[sflag:s30] =	ssyncset.done $0x0  }
0x145: {  	s8 =	simm.s32 $0x300;
	[sflag:s30] =	ssyncadd.s32 $0xFFFFC000  }
0x146: {  	[tilespmem:s21], [sflag:$0x1] =	stream.indirect.gather [hbm4b:s1+s25], $0x80, s8, s25, $0xb8;
	[tilespmem:$0x1E000] =	vst v63  }
0x147: {  	s9 =	simm.s32 $0x1280  }
0x148: {  	[spmem:s2] =	stream.indirect.scatter.add.f32 [tilespmem:s28], [sflag:$0x5], $0x80, s9, s25, $0xb8;
	[tilespmem:$0x1E000] =	vst v63  }
0x149: {  	_ =	swait.ge [sflag:s29], $0x4000  }
0x14a: {  	[sflag:s29] =	ssyncset.done $0x0  }
0x14b: {  	[sflag:s29] =	ssyncadd.s32 $0xFFFFC000  }
0x14c: {  	_ =	swait.ge [sflag:s26], $0x4000  }
0x14d: {  	[sflag:s26] =	ssyncset.done $0x0  }
0x14e: {  	s8 =	simm.s32 $0x380;
	[sflag:s26] =	ssyncadd.s32 $0xFFFFC000  }
0x14f: {  	[tilespmem:s28], [sflag:$0x2] =	stream.indirect.gather [hbm4b:s1+s25], $0x80, s8, s25, $0xb8;
	[tilespmem:$0x1E000] =	vst v63  }
0x150: {  	s9 =	simm.s32 $0x1300  }
0x151: {  	[spmem:s2] =	stream.indirect.scatter.add.f32 [tilespmem:s21], [sflag:$0x5], $0x80, s9, s25, $0xb8;
	[tilespmem:$0x1E000] =	vst v63  }
0x152: {  	_ =	swait.ge [sflag:s29], $0x4000  }
0x153: {  	[sflag:s29] =	ssyncset.done $0x0  }
0x154: {  	[sflag:s29] =	ssyncadd.s32 $0xFFFFC000  }
0x155: {  	_ =	swait.ge [sflag:s30], $0x4000  }
0x156: {  	[sflag:s30] =	ssyncset.done $0x0  }
0x157: {  	s8 =	simm.s32 $0x400;
	[sflag:s30] =	ssyncadd.s32 $0xFFFFC000  }
0x158: {  	[tilespmem:s21], [sflag:$0x1] =	stream.indirect.gather [hbm4b:s1+s25], $0x80, s8, s25, $0xb8;
	[tilespmem:$0x1E000] =	vst v63  }
0x159: {  	s9 =	simm.s32 $0x1380  }
0x15a: {  	[spmem:s2] =	stream.indirect.scatter.add.f32 [tilespmem:s28], [sflag:$0x5], $0x80, s9, s25, $0xb8;
	[tilespmem:$0x1E000] =	vst v63  }
0x15b: {  	_ =	swait.ge [sflag:s29], $0x4000  }
0x15c: {  	[sflag:s29] =	ssyncset.done $0x0  }
0x15d: {  	[sflag:s29] =	ssyncadd.s32 $0xFFFFC000  }
0x15e: {  	_ =	swait.ge [sflag:s26], $0x4000  }
0x15f: {  	[sflag:s26] =	ssyncset.done $0x0  }
0x160: {  	s8 =	simm.s32 $0x480;
	[sflag:s26] =	ssyncadd.s32 $0xFFFFC000  }
0x161: {  	[tilespmem:s28], [sflag:$0x2] =	stream.indirect.gather [hbm4b:s1+s25], $0x80, s8, s25, $0xb8;
	[tilespmem:$0x1E000] =	vst v63  }
0x162: {  	s9 =	simm.s32 $0x1400  }
0x163: {  	[spmem:s2] =	stream.indirect.scatter.add.f32 [tilespmem:s21], [sflag:$0x5], $0x80, s9, s25, $0xb8;
	[tilespmem:$0x1E000] =	vst v63  }
0x164: {  	_ =	swait.ge [sflag:s29], $0x4000  }
0x165: {  	[sflag:s29] =	ssyncset.done $0x0  }
0x166: {  	[sflag:s29] =	ssyncadd.s32 $0xFFFFC000  }
0x167: {  	_ =	swait.ge [sflag:s30], $0x4000  }
0x168: {  	[sflag:s30] =	ssyncset.done $0x0  }
0x169: {  	s8 =	simm.s32 $0x500;
	[sflag:s30] =	ssyncadd.s32 $0xFFFFC000  }
0x16a: {  	[tilespmem:s21], [sflag:$0x1] =	stream.indirect.gather [hbm4b:s1+s25], $0x80, s8, s25, $0xb8;
	[tilespmem:$0x1E000] =	vst v63  }
0x16b: {  	s9 =	simm.s32 $0x1480  }
0x16c: {  	[spmem:s2] =	stream.indirect.scatter.add.f32 [tilespmem:s28], [sflag:$0x5], $0x80, s9, s25, $0xb8;
	[tilespmem:$0x1E000] =	vst v63  }
0x16d: {  	_ =	swait.ge [sflag:s29], $0x4000  }
0x16e: {  	[sflag:s29] =	ssyncset.done $0x0  }
0x16f: {  	[sflag:s29] =	ssyncadd.s32 $0xFFFFC000  }
0x170: {  	_ =	swait.ge [sflag:s26], $0x4000  }
0x171: {  	[sflag:s26] =	ssyncset.done $0x0  }
0x172: {  	s8 =	simm.s32 $0x580;
	[sflag:s26] =	ssyncadd.s32 $0xFFFFC000  }
0x173: {  	[tilespmem:s28], [sflag:$0x2] =	stream.indirect.gather [hbm4b:s1+s25], $0x80, s8, s25, $0xb8;
	[tilespmem:$0x1E000] =	vst v63  }
0x174: {  	s9 =	simm.s32 $0x1500  }
0x175: {  	[spmem:s2] =	stream.indirect.scatter.add.f32 [tilespmem:s21], [sflag:$0x5], $0x80, s9, s25, $0xb8;
	[tilespmem:$0x1E000] =	vst v63  }
0x176: {  	_ =	swait.ge [sflag:s29], $0x4000  }
0x177: {  	[sflag:s29] =	ssyncset.done $0x0  }
0x178: {  	[sflag:s29] =	ssyncadd.s32 $0xFFFFC000  }
0x179: {  	_ =	swait.ge [sflag:s30], $0x4000  }
0x17a: {  	[sflag:s30] =	ssyncset.done $0x0  }
0x17b: {  	s8 =	simm.s32 $0x600;
	[sflag:s30] =	ssyncadd.s32 $0xFFFFC000  }
0x17c: {  	[tilespmem:s21], [sflag:$0x1] =	stream.indirect.gather [hbm4b:s1+s25], $0x80, s8, s25, $0xb8;
	[tilespmem:$0x1E000] =	vst v63  }
0x17d: {  	s9 =	simm.s32 $0x1580  }
0x17e: {  	[spmem:s2] =	stream.indirect.scatter.add.f32 [tilespmem:s28], [sflag:$0x5], $0x80, s9, s25, $0xb8;
	[tilespmem:$0x1E000] =	vst v63  }
0x17f: {  	_ =	swait.ge [sflag:s29], $0x4000  }
0x180: {  	[sflag:s29] =	ssyncset.done $0x0  }
0x181: {  	[sflag:s29] =	ssyncadd.s32 $0xFFFFC000  }
0x182: {  	_ =	swait.ge [sflag:s26], $0x4000  }
0x183: {  	[sflag:s26] =	ssyncset.done $0x0  }
0x184: {  	s8 =	simm.s32 $0x680;
	[sflag:s26] =	ssyncadd.s32 $0xFFFFC000  }
0x185: {  	[tilespmem:s28], [sflag:$0x2] =	stream.indirect.gather [hbm4b:s1+s25], $0x80, s8, s25, $0xb8;
	[tilespmem:$0x1E000] =	vst v63  }
0x186: {  	s9 =	simm.s32 $0x1600  }
0x187: {  	[spmem:s2] =	stream.indirect.scatter.add.f32 [tilespmem:s21], [sflag:$0x5], $0x80, s9, s25, $0xb8;
	[tilespmem:$0x1E000] =	vst v63  }
0x188: {  	_ =	swait.ge [sflag:s29], $0x4000  }
0x189: {  	[sflag:s29] =	ssyncset.done $0x0  }
0x18a: {  	[sflag:s29] =	ssyncadd.s32 $0xFFFFC000  }
0x18b: {  	_ =	swait.ge [sflag:s30], $0x4000  }
0x18c: {  	[sflag:s30] =	ssyncset.done $0x0  }
0x18d: {  	s8 =	simm.s32 $0x700;
	[sflag:s30] =	ssyncadd.s32 $0xFFFFC000  }
0x18e: {  	[tilespmem:s21], [sflag:$0x1] =	stream.indirect.gather [hbm4b:s1+s25], $0x80, s8, s25, $0xb8;
	[tilespmem:$0x1E000] =	vst v63  }
0x18f: {  	s9 =	simm.s32 $0x1680  }
0x190: {  	[spmem:s2] =	stream.indirect.scatter.add.f32 [tilespmem:s28], [sflag:$0x5], $0x80, s9, s25, $0xb8;
	[tilespmem:$0x1E000] =	vst v63  }
0x191: {  	_ =	swait.ge [sflag:s29], $0x4000  }
0x192: {  	[sflag:s29] =	ssyncset.done $0x0  }
0x193: {  	[sflag:s29] =	ssyncadd.s32 $0xFFFFC000  }
0x194: {  	_ =	swait.ge [sflag:s26], $0x4000  }
0x195: {  	[sflag:s26] =	ssyncset.done $0x0  }
0x196: {  	s8 =	simm.s32 $0x780;
	[sflag:s26] =	ssyncadd.s32 $0xFFFFC000  }
0x197: {  	[tilespmem:s28], [sflag:$0x2] =	stream.indirect.gather [hbm4b:s1+s25], $0x80, s8, s25, $0xb8;
	[tilespmem:$0x1E000] =	vst v63  }
0x198: {  	s9 =	simm.s32 $0x1700  }
0x199: {  	[spmem:s2] =	stream.indirect.scatter.add.f32 [tilespmem:s21], [sflag:$0x5], $0x80, s9, s25, $0xb8;
	[tilespmem:$0x1E000] =	vst v63  }
0x19a: {  	_ =	swait.ge [sflag:s29], $0x4000  }
0x19b: {  	[sflag:s29] =	ssyncset.done $0x0  }
0x19c: {  	[sflag:s29] =	ssyncadd.s32 $0xFFFFC000  }
0x19d: {  	_ =	swait.ge [sflag:s30], $0x4000  }
0x19e: {  	[sflag:s30] =	ssyncset.done $0x0  }
0x19f: {  	s7 =	simm.s32 @!p0 $0x3;
	[sflag:s30] =	ssyncadd.s32 $0xFFFFC000  }
0x1a0: {  	_ =	swait.ge @!p0 [sflag:s7], $0x800  }
0x1a1: {  	[sflag:s7] =	ssyncset.done @!p0 $0x0  }
0x1a2: {  	[sflag:s7] =	ssyncadd.s32 @!p0 $0xFFFFF800  }
0x1a3: {  	_ =	swait.ge @!p0 [sflag:s7], $0x800  }
0x1a4: {  	s8 =	simm.s32 @!p0 $0x2000;
	[sflag:s7] =	ssyncset.done @!p0 $0x0  }
.Ltmp6:
0x1a5: {  	[sflag:s7] =	ssyncadd.s32 @!p0 $0xFFFFF800;
	s7 =	simm.s32 @!p0 $0x80;
	(pc) =	sbr.rel .LBB2_7-.Ltmp6, $4  }
0x1a6: {  	[tilespmem:s8], [sflag:$0x1] =	stream.indirect.gather @!p0 [hbm4b:s1+s7], $0x80, s20, s7, $0xb8;
	[tilespmem:$0x1E000] =	vst v63  }
0x1a7: {  	s20 =	simm.s32 $0x1780  }
0x1a8: {  	[spmem:s2] =	stream.indirect.scatter.add.f32 [tilespmem:s28], [sflag:$0x5], $0x80, s20, s25, $0xb8;
	[tilespmem:$0x1E000] =	vst v63  }
0x1a9: {  	s20 =	simm.s32 $0x5  }
.LBB2_9:
0x1aa: {  	_ =	sfence.sel $0x180000  }
0x1ab: {  	[bflag:$0x0] =	sbarrier.arrive $0xFFFF  }
0x1ac: {  	_ =	strace $0x9000004A  }
0x1ad: {  	s0 =	stileid.u32;
	[bflag:$0x2] =	sbarrier.arrive $0xFFFF  }
0x1ae: {  	p0 =	sne.s32 s0, $0x0;
	s0 =	rddreg [dreg:$0x3]  }
0x1af: {  	s0 =	sadd.s32 @!p0 $0x100000, s0  }
0x1b0: {  	[sflag:s0] =	ssyncadd.tile.s32 @!p0 $0x1;
	_ =	shalt  }
.Lfunc_end2:
_tile_overlayer_lowered:
.L_overlay_start_2:
0x1b1: {  	(tag) =	ssettag $0x2  }
0x1b2: {  	s0 =	rddreg [dreg:$0x0];
	s2 =	stileid.u32  }
0x1b3: {  	s1 =	rddreg [dreg:$0x1];
	p0 =	sne.s32 s2, $0x0  }
0x1b4: {  	s3 =	rddreg [dreg:$0x2];
	[bflag:$0x3] =	sbarrier.arrive $0xFFFF;
	s2 =	simm.s32 @!p0 $0x1C04  }
0x1b5: {  	[timem:s3], [sflag:s2] =	dma.local @!p0 [hbm:s0], s1  }
0x1b6: {  	s0 =	simm.s32 @!p0 $0x4  }
0x1b7: {  	_ =	swait.ge @!p0 [sflag:s0], s1  }
0x1b8: {  	s1 =	ssub.s32 @!p0 $0x0, s1;
	[sflag:s0] =	ssyncset.done @!p0 $0x0  }
0x1b9: {  	[sflag:s0] =	ssyncadd.s32 @!p0 s1  }
0x1ba: {  	[bflag:$0x3] =	sbarrier.arrive $0xFFFF  }
0x1bb: {  	_ =	shalt  }

</sc_bundles>
